<compile_context>
chip_gen: v7x
topology: tpu7x:2x2x1
jax: 0.10.2.dev20260603
libtpu: 0.0.44.dev20260713+nightly
codegen_flags: <defaults>
</compile_context>

<pallas_src>
import functools

import jax
import jax.numpy as jnp
from jax import lax
from jax.experimental import pallas as pl
from jax.experimental.pallas import tpu as pltpu
from jax.experimental.pallas import tpu_sc as plsc

VOCAB = 1000000
EMBED_DIM = 32
NUM_LABELS = 10
BATCH = 16384
HIST = 50
BL = BATCH * HIST

PROJ_DIM = 16
_VPB = 16384
_SUB = _VPB // 8
_SUBSH = 11
_NBLK = -(-VOCAB // _VPB)
_PROWS = _NBLK * _SUB


def _proj_body(t_ref, w_ref, b_ref, o_ref):
    tb = t_ref[...].astype(jnp.bfloat16)
    for j in range(8):
        o_ref[:, j * PROJ_DIM : (j + 1) * PROJ_DIM] = (
            lax.dot_general(
                tb[:, j * _SUB : (j + 1) * _SUB],
                w_ref[...],
                (((0,), (0,)), ((), ())),
                preferred_element_type=jnp.float32,
            )
            + b_ref[...]
        )


def _project_table(tableT, W, b):
    wp = (
        jnp.zeros((EMBED_DIM, PROJ_DIM), jnp.float32)
        .at[:, :NUM_LABELS]
        .set(W)
        .astype(jnp.bfloat16)
    )
    bp = jnp.zeros((1, PROJ_DIM), jnp.float32).at[:, :NUM_LABELS].set(b)
    p2 = pl.pallas_call(
        _proj_body,
        grid=(_NBLK,),
        in_specs=[
            pl.BlockSpec((EMBED_DIM, _VPB), lambda i: (0, i)),
            pl.BlockSpec((EMBED_DIM, PROJ_DIM), lambda i: (0, 0)),
            pl.BlockSpec((1, PROJ_DIM), lambda i: (0, 0)),
        ],
        out_specs=pl.BlockSpec((_SUB, 128), lambda i: (i, 0)),
        out_shape=jax.ShapeDtypeStruct((_PROWS, 128), jnp.float32),
        compiler_params=pltpu.CompilerParams(fuse_transposed_lhs_in_matmul=True),
    )(tableT, wp, bp)
    return p2.reshape(_PROWS * 8, PROJ_DIM)


_NC, _NS = 2, 16
_NW = _NC * _NS
_BW = BATCH // _NW


_DEPTH = 5


_NG = HIST // _DEPTH


def _gather_kernel(idx_hbm, p_hbm, out_hbm, idx_v, rows_v, ob_v, *sems):
    gsems = sems[:_DEPTH]
    isems = sems[_DEPTH : 2 * _DEPTH]
    osems = sems[2 * _DEPTH :]
    wid = lax.axis_index("s") * _NC + lax.axis_index("c")
    b0 = wid * _BW

    lane = jnp.arange(16, dtype=jnp.int32)
    cvecs = [jnp.full((16,), c, jnp.int32) for c in range(NUM_LABELS)]

    def idx_slice(k, par):
        return idx_v.at[k, pl.ds(par * _BW, _BW)]

    def rows_slice(k):
        return rows_v.at[pl.ds(k * _BW, _BW), :]

    def out_slice(l):
        return out_hbm.at[:, pl.ds(l * BATCH + b0, _BW)]

    for k in range(_DEPTH):
        pltpu.sync_copy(idx_hbm.at[pl.ds(k * BATCH + b0, _BW)], idx_slice(k, 0))
        pltpu.async_copy(p_hbm.at[idx_slice(k, 0)], rows_slice(k), gsems[k])

    def group_body(g, carry):
        l0 = g * _DEPTH
        par = (g + 1) % 2
        for k in range(_DEPTH):
            l = l0 + k

            @pl.when(g < _NG - 1)
            def _():
                pltpu.async_copy(
                    idx_hbm.at[pl.ds((l + _DEPTH) * BATCH + b0, _BW)],
                    idx_slice(k, par),
                    isems[k],
                )

            pltpu.make_async_copy(
                p_hbm.at[idx_slice(k, 1 - par)], rows_slice(k), gsems[k]
            ).wait()

            @pl.when(g > 0)
            def _():
                pltpu.make_async_copy(
                    ob_v.at[k], out_slice(l - _DEPTH), osems[k]
                ).wait()

            def pack_body(kk, c2):
                for u in range(2):
                    row = (k * _BW + kk * 32 + u * 16) + lane
                    for c in range(NUM_LABELS):
                        ob_v[k, c, pl.ds(kk * 32 + u * 16, 16)] = (
                            plsc.load_gather(rows_v, [row, cvecs[c]])
                        )
                return c2

            lax.fori_loop(0, _BW // 32, pack_body, 0)
            pltpu.async_copy(ob_v.at[k], out_slice(l), osems[k])

            @pl.when(g < _NG - 1)
            def _():
                pltpu.make_async_copy(
                    idx_hbm.at[pl.ds((l + _DEPTH) * BATCH + b0, _BW)],
                    idx_slice(k, par),
                    isems[k],
                ).wait()
                pltpu.async_copy(
                    p_hbm.at[idx_slice(k, par)], rows_slice(k), gsems[k]
                )

        return carry

    lax.fori_loop(0, _NG, group_body, 0)

    for k in range(_DEPTH):
        pltpu.make_async_copy(
            ob_v.at[k], out_slice((_NG - 1) * _DEPTH + k), osems[k]
        ).wait()


def _gather_rows(idx_flat, p):
    mesh = plsc.VectorSubcoreMesh(core_axis_name="c", subcore_axis_name="s")
    fn = functools.partial(
        pl.kernel,
        mesh=mesh,
        out_type=jax.ShapeDtypeStruct((NUM_LABELS, BL), jnp.float32),
        scratch_types=[
            pltpu.VMEM((_DEPTH, 2 * _BW), jnp.int32),
            pltpu.VMEM((_DEPTH * _BW, PROJ_DIM), jnp.float32),
            pltpu.VMEM((_DEPTH, NUM_LABELS, _BW), jnp.float32),
        ]
        + [pltpu.SemaphoreType.DMA] * (3 * _DEPTH),
        compiler_params=pltpu.CompilerParams(
            use_tc_tiling_on_sc=False,
            needs_layout_passes=False,
            disable_bounds_checks=True,
        ),
    )(_gather_kernel)
    return fn(idx_flat, p)


def kernel(x, table, W, b):
    p = _project_table(table.T, W, b)
    v = x.T.reshape(BL)
    xp = (
        (v & ~jnp.int32(_VPB - 1))
        + ((v & (_SUB - 1)) << 3)
        + ((v >> _SUBSH) & 7)
    )
    out = _gather_rows(xp, p)
    return out.reshape(NUM_LABELS, HIST, BATCH).transpose(2, 1, 0)

# --- scband reference (transcript-rebuilt; emitter-appended) ---
"""Pipeline reference for scband-cnn-36825049596142 (READ-ONLY COPY).

The authoritative reference and input builder live on the scoring server;
editing this copy changes nothing except your own understanding.
"""

import jax, jax.numpy as jnp
import numpy as np

VOCAB = 1000000
EMBED_DIM = 32
NUM_LABELS = 10
BATCH = 16384
HIST = 50

def setup_inputs(seed: int = 0) -> dict:
    key = jax.random.key(seed)
    k1, k2, k3, k4 = jax.random.split(key, 4)
    x = jax.random.randint(k1, (BATCH, HIST), 0, VOCAB, dtype=jnp.int64 if jax.config.jax_enable_x64 else jnp.int32)
    table = jax.random.normal(k2, (VOCAB, EMBED_DIM), dtype=jnp.float32)
    # LazyLinear initialized after seeing last dim = EMBED_DIM
    bound = 1.0 / np.sqrt(EMBED_DIM)
    W = jax.random.uniform(k3, (EMBED_DIM, NUM_LABELS), minval=-bound, maxval=bound, dtype=jnp.float32)
    b = jax.random.uniform(k4, (NUM_LABELS,), minval=-bound, maxval=bound, dtype=jnp.float32)
    return {"x": x, "table": table, "W": W, "b": b}

def reference(x, table, W, b):
    # nn.Embedding: gather rows of the table
    emb = jnp.take(table, x, axis=0)  # [B, L, D]
    # nn.LazyLinear applied over the last dim
    out = emb @ W + b  # [B, L, NUM_LABELS]
    return out

if __name__ == "__main__":
    import jax
    _d = setup_inputs()
    print(jax.jit(kernel)(*tuple(_d.values())))

</pallas_src>

<mosaic_0001>
#map = affine_map<(d0, d1) -> (0)>
#map1 = affine_map<(d0, d1) -> (0, 0)>
module attributes {stable_mosaic.version = 14 : i64} {
  func.func @_gather_kernel(%arg0: i32, %arg1: i32, %arg2: memref<819200xi32, #tpu.memory_space<hbm>>, %arg3: memref<1015808x16xf32, #tpu.memory_space<hbm>>, %arg4: memref<10x819200xf32, #tpu.memory_space<hbm>>, %arg5: memref<5x1024xi32, #tpu.memory_space<vmem>>, %arg6: memref<2560x16xf32, #tpu.memory_space<vmem>>, %arg7: memref<5x10x512xf32, #tpu.memory_space<vmem>>, %arg8: memref<!tpu.dma_semaphore, #tpu.memory_space<semaphore_mem>>, %arg9: memref<!tpu.dma_semaphore, #tpu.memory_space<semaphore_mem>>, %arg10: memref<!tpu.dma_semaphore, #tpu.memory_space<semaphore_mem>>, %arg11: memref<!tpu.dma_semaphore, #tpu.memory_space<semaphore_mem>>, %arg12: memref<!tpu.dma_semaphore, #tpu.memory_space<semaphore_mem>>, %arg13: memref<!tpu.dma_semaphore, #tpu.memory_space<semaphore_mem>>, %arg14: memref<!tpu.dma_semaphore, #tpu.memory_space<semaphore_mem>>, %arg15: memref<!tpu.dma_semaphore, #tpu.memory_space<semaphore_mem>>, %arg16: memref<!tpu.dma_semaphore, #tpu.memory_space<semaphore_mem>>, %arg17: memref<!tpu.dma_semaphore, #tpu.memory_space<semaphore_mem>>, %arg18: memref<!tpu.dma_semaphore, #tpu.memory_space<semaphore_mem>>, %arg19: memref<!tpu.dma_semaphore, #tpu.memory_space<semaphore_mem>>, %arg20: memref<!tpu.dma_semaphore, #tpu.memory_space<semaphore_mem>>, %arg21: memref<!tpu.dma_semaphore, #tpu.memory_space<semaphore_mem>>, %arg22: memref<!tpu.dma_semaphore, #tpu.memory_space<semaphore_mem>>) attributes {dimension_semantics = [#tpu.dimension_semantics<core_parallel>, #tpu.dimension_semantics<subcore_parallel>], iteration_bounds = array<i64: 2, 16>, scalar_prefetch = 0 : i64, scratch_operands = 18 : i64, tpu.core_type = #tpu.core_type<sc_vector_subcore>, window_params = [{transform_indices = #map}, {transform_indices = #map1}, {transform_indices = #map1}]} {
    %mul3A = arith.constant 2 : i32
    %mul3A_0 = arith.muli %arg1, %mul3A : i32
    %add3A = arith.addi %mul3A_0, %arg0 : i32
    %mul3A_1 = arith.constant 512 : i32
    %mul3A_2 = arith.muli %add3A, %mul3A_1 : i32
    %iota3A = tpu.iota {dimensions = array<i32: 0>} : vector<16xi32>
    %broadcast_in_dim3A = arith.constant 0 : i32
    %broadcast_in_dim3A_3 = vector.broadcast %broadcast_in_dim3A : i32 to vector<16xi32>
    %broadcast_in_dim3A_4 = arith.constant 1 : i32
    %broadcast_in_dim3A_5 = vector.broadcast %broadcast_in_dim3A_4 : i32 to vector<16xi32>
    %broadcast_in_dim3A_6 = arith.constant 2 : i32
    %broadcast_in_dim3A_7 = vector.broadcast %broadcast_in_dim3A_6 : i32 to vector<16xi32>
    %broadcast_in_dim3A_8 = arith.constant 3 : i32
    %broadcast_in_dim3A_9 = vector.broadcast %broadcast_in_dim3A_8 : i32 to vector<16xi32>
    %broadcast_in_dim3A_10 = arith.constant 4 : i32
    %broadcast_in_dim3A_11 = vector.broadcast %broadcast_in_dim3A_10 : i32 to vector<16xi32>
    %broadcast_in_dim3A_12 = arith.constant 5 : i32
    %broadcast_in_dim3A_13 = vector.broadcast %broadcast_in_dim3A_12 : i32 to vector<16xi32>
    %broadcast_in_dim3A_14 = arith.constant 6 : i32
    %broadcast_in_dim3A_15 = vector.broadcast %broadcast_in_dim3A_14 : i32 to vector<16xi32>
    %broadcast_in_dim3A_16 = arith.constant 7 : i32
    %broadcast_in_dim3A_17 = vector.broadcast %broadcast_in_dim3A_16 : i32 to vector<16xi32>
    %broadcast_in_dim3A_18 = arith.constant 8 : i32
    %broadcast_in_dim3A_19 = vector.broadcast %broadcast_in_dim3A_18 : i32 to vector<16xi32>
    %broadcast_in_dim3A_20 = arith.constant 9 : i32
    %broadcast_in_dim3A_21 = vector.broadcast %broadcast_in_dim3A_20 : i32 to vector<16xi32>
    %add3A_22 = arith.constant 0 : i32
    %add3A_23 = arith.addi %add3A_22, %mul3A_2 : i32
    %run_scoped3A = arith.constant 0 : i32
    "tpu.region"() ({
      %run_scoped3A_164 = tpu.sem_alloc : memref<!tpu.dma_semaphore, #tpu.memory_space<semaphore_mem>>
      %dma_start3A_165 = arith.constant 0 : i32
      %dma_start3A_166 = tpu.memref_slice %arg5[%run_scoped3A, %dma_start3A_165] : memref<5x1024xi32, #tpu.memory_space<vmem>> -> memref<1x512xi32, #tpu.memory_space<vmem>>
      %dma_start3A_167 = tpu.memref_squeeze %dma_start3A_166 : memref<1x512xi32, #tpu.memory_space<vmem>> -> memref<512xi32, #tpu.memory_space<vmem>>
      %dma_start3A_168 = tpu.memref_slice %arg2[%add3A_23] : memref<819200xi32, #tpu.memory_space<hbm>> -> memref<512xi32, #tpu.memory_space<hbm>>
      %dma_start3A_169 = arith.constant 0 : i32
      %dma_start3A_170 = tpu.memref_slice %arg5[%run_scoped3A, %dma_start3A_169] : memref<5x1024xi32, #tpu.memory_space<vmem>> -> memref<1x512xi32, #tpu.memory_space<vmem>>
      %dma_start3A_171 = tpu.memref_squeeze %dma_start3A_170 : memref<1x512xi32, #tpu.memory_space<vmem>> -> memref<512xi32, #tpu.memory_space<vmem>>
      %dma_start3A_172 = tpu.memref_slice %arg2[%add3A_23] : memref<819200xi32, #tpu.memory_space<hbm>> -> memref<512xi32, #tpu.memory_space<hbm>>
      tpu.enqueue_dma source(%dma_start3A_172 : memref<512xi32, #tpu.memory_space<hbm>>) target(%dma_start3A_171 : memref<512xi32, #tpu.memory_space<vmem>>) target_semaphore(%run_scoped3A_164 : memref<!tpu.dma_semaphore, #tpu.memory_space<semaphore_mem>>)
      %dma_wait3A_173 = arith.constant 0 : i32
      %dma_wait3A_174 = tpu.memref_slice %arg5[%run_scoped3A, %dma_wait3A_173] : memref<5x1024xi32, #tpu.memory_space<vmem>> -> memref<1x512xi32, #tpu.memory_space<vmem>>
      %dma_wait3A_175 = tpu.memref_squeeze %dma_wait3A_174 : memref<1x512xi32, #tpu.memory_space<vmem>> -> memref<512xi32, #tpu.memory_space<vmem>>
      %dma_wait3A_176 = tpu.memref_slice %arg2[%add3A_23] : memref<819200xi32, #tpu.memory_space<hbm>> -> memref<512xi32, #tpu.memory_space<hbm>>
      %dma_wait3A_177 = arith.constant 0 : i32
      %dma_wait3A_178 = tpu.memref_slice %arg5[%run_scoped3A, %dma_wait3A_177] : memref<5x1024xi32, #tpu.memory_space<vmem>> -> memref<1x512xi32, #tpu.memory_space<vmem>>
      %dma_wait3A_179 = tpu.memref_squeeze %dma_wait3A_178 : memref<1x512xi32, #tpu.memory_space<vmem>> -> memref<512xi32, #tpu.memory_space<vmem>>
      %dma_wait3A_180 = tpu.memref_slice %arg2[%add3A_23] : memref<819200xi32, #tpu.memory_space<hbm>> -> memref<512xi32, #tpu.memory_space<hbm>>
      tpu.wait_dma2 semaphore(%run_scoped3A_164 : memref<!tpu.dma_semaphore, #tpu.memory_space<semaphore_mem>>) src(%dma_wait3A_180 : memref<512xi32, #tpu.memory_space<hbm>>) dst(%dma_wait3A_179 : memref<512xi32, #tpu.memory_space<vmem>>)
      tpu.yield
    }) : () -> ()
    %dma_start3A = arith.constant 0 : i32
    %dma_start3A_24 = arith.constant 0 : i32
    %dma_start3A_25 = arith.constant 0 : i32
    %dma_start3A_26 = tpu.memref_slice %arg6[%dma_start3A_24, %dma_start3A_25] : memref<2560x16xf32, #tpu.memory_space<vmem>> -> memref<512x16xf32, #tpu.memory_space<vmem>>
    %dma_start3A_27 = arith.constant 0 : i32
    %dma_start3A_28 = tpu.memref_slice %arg5[%dma_start3A, %dma_start3A_27] : memref<5x1024xi32, #tpu.memory_space<vmem>> -> memref<1x512xi32, #tpu.memory_space<vmem>>
    %dma_start3A_29 = tpu.memref_squeeze %dma_start3A_28 : memref<1x512xi32, #tpu.memory_space<vmem>> -> memref<512xi32, #tpu.memory_space<vmem>>
    %dma_start3A_30 = arith.constant 0 : i32
    %dma_start3A_31 = arith.constant 0 : i32
    %dma_start3A_32 = tpu.memref_slice %arg3[%dma_start3A_30, %dma_start3A_31] : memref<1015808x16xf32, #tpu.memory_space<hbm>> -> memref<1015808x16xf32, #tpu.memory_space<hbm>>
    tpu.enqueue_indirect_dma source(%dma_start3A_32 : memref<1015808x16xf32, #tpu.memory_space<hbm>>) target(%dma_start3A_26 : memref<512x16xf32, #tpu.memory_space<vmem>>) offsets(%dma_start3A_29 : memref<512xi32, #tpu.memory_space<vmem>>) semaphore(%arg8 : memref<!tpu.dma_semaphore, #tpu.memory_space<semaphore_mem>>)
    %add3A_33 = arith.constant 16384 : i32
    %add3A_34 = arith.addi %add3A_33, %mul3A_2 : i32
    %run_scoped3A_35 = arith.constant 1 : i32
    "tpu.region"() ({
      %run_scoped3A_164 = tpu.sem_alloc : memref<!tpu.dma_semaphore, #tpu.memory_space<semaphore_mem>>
      %dma_start3A_165 = arith.constant 0 : i32
      %dma_start3A_166 = tpu.memref_slice %arg5[%run_scoped3A_35, %dma_start3A_165] : memref<5x1024xi32, #tpu.memory_space<vmem>> -> memref<1x512xi32, #tpu.memory_space<vmem>>
      %dma_start3A_167 = tpu.memref_squeeze %dma_start3A_166 : memref<1x512xi32, #tpu.memory_space<vmem>> -> memref<512xi32, #tpu.memory_space<vmem>>
      %dma_start3A_168 = tpu.memref_slice %arg2[%add3A_34] : memref<819200xi32, #tpu.memory_space<hbm>> -> memref<512xi32, #tpu.memory_space<hbm>>
      %dma_start3A_169 = arith.constant 0 : i32
      %dma_start3A_170 = tpu.memref_slice %arg5[%run_scoped3A_35, %dma_start3A_169] : memref<5x1024xi32, #tpu.memory_space<vmem>> -> memref<1x512xi32, #tpu.memory_space<vmem>>
      %dma_start3A_171 = tpu.memref_squeeze %dma_start3A_170 : memref<1x512xi32, #tpu.memory_space<vmem>> -> memref<512xi32, #tpu.memory_space<vmem>>
      %dma_start3A_172 = tpu.memref_slice %arg2[%add3A_34] : memref<819200xi32, #tpu.memory_space<hbm>> -> memref<512xi32, #tpu.memory_space<hbm>>
      tpu.enqueue_dma source(%dma_start3A_172 : memref<512xi32, #tpu.memory_space<hbm>>) target(%dma_start3A_171 : memref<512xi32, #tpu.memory_space<vmem>>) target_semaphore(%run_scoped3A_164 : memref<!tpu.dma_semaphore, #tpu.memory_space<semaphore_mem>>)
      %dma_wait3A_173 = arith.constant 0 : i32
      %dma_wait3A_174 = tpu.memref_slice %arg5[%run_scoped3A_35, %dma_wait3A_173] : memref<5x1024xi32, #tpu.memory_space<vmem>> -> memref<1x512xi32, #tpu.memory_space<vmem>>
      %dma_wait3A_175 = tpu.memref_squeeze %dma_wait3A_174 : memref<1x512xi32, #tpu.memory_space<vmem>> -> memref<512xi32, #tpu.memory_space<vmem>>
      %dma_wait3A_176 = tpu.memref_slice %arg2[%add3A_34] : memref<819200xi32, #tpu.memory_space<hbm>> -> memref<512xi32, #tpu.memory_space<hbm>>
      %dma_wait3A_177 = arith.constant 0 : i32
      %dma_wait3A_178 = tpu.memref_slice %arg5[%run_scoped3A_35, %dma_wait3A_177] : memref<5x1024xi32, #tpu.memory_space<vmem>> -> memref<1x512xi32, #tpu.memory_space<vmem>>
      %dma_wait3A_179 = tpu.memref_squeeze %dma_wait3A_178 : memref<1x512xi32, #tpu.memory_space<vmem>> -> memref<512xi32, #tpu.memory_space<vmem>>
      %dma_wait3A_180 = tpu.memref_slice %arg2[%add3A_34] : memref<819200xi32, #tpu.memory_space<hbm>> -> memref<512xi32, #tpu.memory_space<hbm>>
      tpu.wait_dma2 semaphore(%run_scoped3A_164 : memref<!tpu.dma_semaphore, #tpu.memory_space<semaphore_mem>>) src(%dma_wait3A_180 : memref<512xi32, #tpu.memory_space<hbm>>) dst(%dma_wait3A_179 : memref<512xi32, #tpu.memory_space<vmem>>)
      tpu.yield
    }) : () -> ()
    %dma_start3A_36 = arith.constant 1 : i32
    %dma_start3A_37 = arith.constant 512 : i32
    %dma_start3A_38 = arith.constant 0 : i32
    %dma_start3A_39 = tpu.memref_slice %arg6[%dma_start3A_37, %dma_start3A_38] : memref<2560x16xf32, #tpu.memory_space<vmem>> -> memref<512x16xf32, #tpu.memory_space<vmem>>
    %dma_start3A_40 = arith.constant 0 : i32
    %dma_start3A_41 = tpu.memref_slice %arg5[%dma_start3A_36, %dma_start3A_40] : memref<5x1024xi32, #tpu.memory_space<vmem>> -> memref<1x512xi32, #tpu.memory_space<vmem>>
    %dma_start3A_42 = tpu.memref_squeeze %dma_start3A_41 : memref<1x512xi32, #tpu.memory_space<vmem>> -> memref<512xi32, #tpu.memory_space<vmem>>
    %dma_start3A_43 = arith.constant 0 : i32
    %dma_start3A_44 = arith.constant 0 : i32
    %dma_start3A_45 = tpu.memref_slice %arg3[%dma_start3A_43, %dma_start3A_44] : memref<1015808x16xf32, #tpu.memory_space<hbm>> -> memref<1015808x16xf32, #tpu.memory_space<hbm>>
    tpu.enqueue_indirect_dma source(%dma_start3A_45 : memref<1015808x16xf32, #tpu.memory_space<hbm>>) target(%dma_start3A_39 : memref<512x16xf32, #tpu.memory_space<vmem>>) offsets(%dma_start3A_42 : memref<512xi32, #tpu.memory_space<vmem>>) semaphore(%arg9 : memref<!tpu.dma_semaphore, #tpu.memory_space<semaphore_mem>>)
    %add3A_46 = arith.constant 32768 : i32
    %add3A_47 = arith.addi %add3A_46, %mul3A_2 : i32
    %run_scoped3A_48 = arith.constant 2 : i32
    "tpu.region"() ({
      %run_scoped3A_164 = tpu.sem_alloc : memref<!tpu.dma_semaphore, #tpu.memory_space<semaphore_mem>>
      %dma_start3A_165 = arith.constant 0 : i32
      %dma_start3A_166 = tpu.memref_slice %arg5[%run_scoped3A_48, %dma_start3A_165] : memref<5x1024xi32, #tpu.memory_space<vmem>> -> memref<1x512xi32, #tpu.memory_space<vmem>>
      %dma_start3A_167 = tpu.memref_squeeze %dma_start3A_166 : memref<1x512xi32, #tpu.memory_space<vmem>> -> memref<512xi32, #tpu.memory_space<vmem>>
      %dma_start3A_168 = tpu.memref_slice %arg2[%add3A_47] : memref<819200xi32, #tpu.memory_space<hbm>> -> memref<512xi32, #tpu.memory_space<hbm>>
      %dma_start3A_169 = arith.constant 0 : i32
      %dma_start3A_170 = tpu.memref_slice %arg5[%run_scoped3A_48, %dma_start3A_169] : memref<5x1024xi32, #tpu.memory_space<vmem>> -> memref<1x512xi32, #tpu.memory_space<vmem>>
      %dma_start3A_171 = tpu.memref_squeeze %dma_start3A_170 : memref<1x512xi32, #tpu.memory_space<vmem>> -> memref<512xi32, #tpu.memory_space<vmem>>
      %dma_start3A_172 = tpu.memref_slice %arg2[%add3A_47] : memref<819200xi32, #tpu.memory_space<hbm>> -> memref<512xi32, #tpu.memory_space<hbm>>
      tpu.enqueue_dma source(%dma_start3A_172 : memref<512xi32, #tpu.memory_space<hbm>>) target(%dma_start3A_171 : memref<512xi32, #tpu.memory_space<vmem>>) target_semaphore(%run_scoped3A_164 : memref<!tpu.dma_semaphore, #tpu.memory_space<semaphore_mem>>)
      %dma_wait3A_173 = arith.constant 0 : i32
      %dma_wait3A_174 = tpu.memref_slice %arg5[%run_scoped3A_48, %dma_wait3A_173] : memref<5x1024xi32, #tpu.memory_space<vmem>> -> memref<1x512xi32, #tpu.memory_space<vmem>>
      %dma_wait3A_175 = tpu.memref_squeeze %dma_wait3A_174 : memref<1x512xi32, #tpu.memory_space<vmem>> -> memref<512xi32, #tpu.memory_space<vmem>>
      %dma_wait3A_176 = tpu.memref_slice %arg2[%add3A_47] : memref<819200xi32, #tpu.memory_space<hbm>> -> memref<512xi32, #tpu.memory_space<hbm>>
      %dma_wait3A_177 = arith.constant 0 : i32
      %dma_wait3A_178 = tpu.memref_slice %arg5[%run_scoped3A_48, %dma_wait3A_177] : memref<5x1024xi32, #tpu.memory_space<vmem>> -> memref<1x512xi32, #tpu.memory_space<vmem>>
      %dma_wait3A_179 = tpu.memref_squeeze %dma_wait3A_178 : memref<1x512xi32, #tpu.memory_space<vmem>> -> memref<512xi32, #tpu.memory_space<vmem>>
      %dma_wait3A_180 = tpu.memref_slice %arg2[%add3A_47] : memref<819200xi32, #tpu.memory_space<hbm>> -> memref<512xi32, #tpu.memory_space<hbm>>
      tpu.wait_dma2 semaphore(%run_scoped3A_164 : memref<!tpu.dma_semaphore, #tpu.memory_space<semaphore_mem>>) src(%dma_wait3A_180 : memref<512xi32, #tpu.memory_space<hbm>>) dst(%dma_wait3A_179 : memref<512xi32, #tpu.memory_space<vmem>>)
      tpu.yield
    }) : () -> ()
    %dma_start3A_49 = arith.constant 2 : i32
    %dma_start3A_50 = arith.constant 1024 : i32
    %dma_start3A_51 = arith.constant 0 : i32
    %dma_start3A_52 = tpu.memref_slice %arg6[%dma_start3A_50, %dma_start3A_51] : memref<2560x16xf32, #tpu.memory_space<vmem>> -> memref<512x16xf32, #tpu.memory_space<vmem>>
    %dma_start3A_53 = arith.constant 0 : i32
    %dma_start3A_54 = tpu.memref_slice %arg5[%dma_start3A_49, %dma_start3A_53] : memref<5x1024xi32, #tpu.memory_space<vmem>> -> memref<1x512xi32, #tpu.memory_space<vmem>>
    %dma_start3A_55 = tpu.memref_squeeze %dma_start3A_54 : memref<1x512xi32, #tpu.memory_space<vmem>> -> memref<512xi32, #tpu.memory_space<vmem>>
    %dma_start3A_56 = arith.constant 0 : i32
    %dma_start3A_57 = arith.constant 0 : i32
    %dma_start3A_58 = tpu.memref_slice %arg3[%dma_start3A_56, %dma_start3A_57] : memref<1015808x16xf32, #tpu.memory_space<hbm>> -> memref<1015808x16xf32, #tpu.memory_space<hbm>>
    tpu.enqueue_indirect_dma source(%dma_start3A_58 : memref<1015808x16xf32, #tpu.memory_space<hbm>>) target(%dma_start3A_52 : memref<512x16xf32, #tpu.memory_space<vmem>>) offsets(%dma_start3A_55 : memref<512xi32, #tpu.memory_space<vmem>>) semaphore(%arg10 : memref<!tpu.dma_semaphore, #tpu.memory_space<semaphore_mem>>)
    %add3A_59 = arith.constant 49152 : i32
    %add3A_60 = arith.addi %add3A_59, %mul3A_2 : i32
    %run_scoped3A_61 = arith.constant 3 : i32
    "tpu.region"() ({
      %run_scoped3A_164 = tpu.sem_alloc : memref<!tpu.dma_semaphore, #tpu.memory_space<semaphore_mem>>
      %dma_start3A_165 = arith.constant 0 : i32
      %dma_start3A_166 = tpu.memref_slice %arg5[%run_scoped3A_61, %dma_start3A_165] : memref<5x1024xi32, #tpu.memory_space<vmem>> -> memref<1x512xi32, #tpu.memory_space<vmem>>
      %dma_start3A_167 = tpu.memref_squeeze %dma_start3A_166 : memref<1x512xi32, #tpu.memory_space<vmem>> -> memref<512xi32, #tpu.memory_space<vmem>>
      %dma_start3A_168 = tpu.memref_slice %arg2[%add3A_60] : memref<819200xi32, #tpu.memory_space<hbm>> -> memref<512xi32, #tpu.memory_space<hbm>>
      %dma_start3A_169 = arith.constant 0 : i32
      %dma_start3A_170 = tpu.memref_slice %arg5[%run_scoped3A_61, %dma_start3A_169] : memref<5x1024xi32, #tpu.memory_space<vmem>> -> memref<1x512xi32, #tpu.memory_space<vmem>>
      %dma_start3A_171 = tpu.memref_squeeze %dma_start3A_170 : memref<1x512xi32, #tpu.memory_space<vmem>> -> memref<512xi32, #tpu.memory_space<vmem>>
      %dma_start3A_172 = tpu.memref_slice %arg2[%add3A_60] : memref<819200xi32, #tpu.memory_space<hbm>> -> memref<512xi32, #tpu.memory_space<hbm>>
      tpu.enqueue_dma source(%dma_start3A_172 : memref<512xi32, #tpu.memory_space<hbm>>) target(%dma_start3A_171 : memref<512xi32, #tpu.memory_space<vmem>>) target_semaphore(%run_scoped3A_164 : memref<!tpu.dma_semaphore, #tpu.memory_space<semaphore_mem>>)
      %dma_wait3A_173 = arith.constant 0 : i32
      %dma_wait3A_174 = tpu.memref_slice %arg5[%run_scoped3A_61, %dma_wait3A_173] : memref<5x1024xi32, #tpu.memory_space<vmem>> -> memref<1x512xi32, #tpu.memory_space<vmem>>
      %dma_wait3A_175 = tpu.memref_squeeze %dma_wait3A_174 : memref<1x512xi32, #tpu.memory_space<vmem>> -> memref<512xi32, #tpu.memory_space<vmem>>
      %dma_wait3A_176 = tpu.memref_slice %arg2[%add3A_60] : memref<819200xi32, #tpu.memory_space<hbm>> -> memref<512xi32, #tpu.memory_space<hbm>>
      %dma_wait3A_177 = arith.constant 0 : i32
      %dma_wait3A_178 = tpu.memref_slice %arg5[%run_scoped3A_61, %dma_wait3A_177] : memref<5x1024xi32, #tpu.memory_space<vmem>> -> memref<1x512xi32, #tpu.memory_space<vmem>>
      %dma_wait3A_179 = tpu.memref_squeeze %dma_wait3A_178 : memref<1x512xi32, #tpu.memory_space<vmem>> -> memref<512xi32, #tpu.memory_space<vmem>>
      %dma_wait3A_180 = tpu.memref_slice %arg2[%add3A_60] : memref<819200xi32, #tpu.memory_space<hbm>> -> memref<512xi32, #tpu.memory_space<hbm>>
      tpu.wait_dma2 semaphore(%run_scoped3A_164 : memref<!tpu.dma_semaphore, #tpu.memory_space<semaphore_mem>>) src(%dma_wait3A_180 : memref<512xi32, #tpu.memory_space<hbm>>) dst(%dma_wait3A_179 : memref<512xi32, #tpu.memory_space<vmem>>)
      tpu.yield
    }) : () -> ()
    %dma_start3A_62 = arith.constant 3 : i32
    %dma_start3A_63 = arith.constant 1536 : i32
    %dma_start3A_64 = arith.constant 0 : i32
    %dma_start3A_65 = tpu.memref_slice %arg6[%dma_start3A_63, %dma_start3A_64] : memref<2560x16xf32, #tpu.memory_space<vmem>> -> memref<512x16xf32, #tpu.memory_space<vmem>>
    %dma_start3A_66 = arith.constant 0 : i32
    %dma_start3A_67 = tpu.memref_slice %arg5[%dma_start3A_62, %dma_start3A_66] : memref<5x1024xi32, #tpu.memory_space<vmem>> -> memref<1x512xi32, #tpu.memory_space<vmem>>
    %dma_start3A_68 = tpu.memref_squeeze %dma_start3A_67 : memref<1x512xi32, #tpu.memory_space<vmem>> -> memref<512xi32, #tpu.memory_space<vmem>>
    %dma_start3A_69 = arith.constant 0 : i32
    %dma_start3A_70 = arith.constant 0 : i32
    %dma_start3A_71 = tpu.memref_slice %arg3[%dma_start3A_69, %dma_start3A_70] : memref<1015808x16xf32, #tpu.memory_space<hbm>> -> memref<1015808x16xf32, #tpu.memory_space<hbm>>
    tpu.enqueue_indirect_dma source(%dma_start3A_71 : memref<1015808x16xf32, #tpu.memory_space<hbm>>) target(%dma_start3A_65 : memref<512x16xf32, #tpu.memory_space<vmem>>) offsets(%dma_start3A_68 : memref<512xi32, #tpu.memory_space<vmem>>) semaphore(%arg11 : memref<!tpu.dma_semaphore, #tpu.memory_space<semaphore_mem>>)
    %add3A_72 = arith.constant 65536 : i32
    %add3A_73 = arith.addi %add3A_72, %mul3A_2 : i32
    %run_scoped3A_74 = arith.constant 4 : i32
    "tpu.region"() ({
      %run_scoped3A_164 = tpu.sem_alloc : memref<!tpu.dma_semaphore, #tpu.memory_space<semaphore_mem>>
      %dma_start3A_165 = arith.constant 0 : i32
      %dma_start3A_166 = tpu.memref_slice %arg5[%run_scoped3A_74, %dma_start3A_165] : memref<5x1024xi32, #tpu.memory_space<vmem>> -> memref<1x512xi32, #tpu.memory_space<vmem>>
      %dma_start3A_167 = tpu.memref_squeeze %dma_start3A_166 : memref<1x512xi32, #tpu.memory_space<vmem>> -> memref<512xi32, #tpu.memory_space<vmem>>
      %dma_start3A_168 = tpu.memref_slice %arg2[%add3A_73] : memref<819200xi32, #tpu.memory_space<hbm>> -> memref<512xi32, #tpu.memory_space<hbm>>
      %dma_start3A_169 = arith.constant 0 : i32
      %dma_start3A_170 = tpu.memref_slice %arg5[%run_scoped3A_74, %dma_start3A_169] : memref<5x1024xi32, #tpu.memory_space<vmem>> -> memref<1x512xi32, #tpu.memory_space<vmem>>
      %dma_start3A_171 = tpu.memref_squeeze %dma_start3A_170 : memref<1x512xi32, #tpu.memory_space<vmem>> -> memref<512xi32, #tpu.memory_space<vmem>>
      %dma_start3A_172 = tpu.memref_slice %arg2[%add3A_73] : memref<819200xi32, #tpu.memory_space<hbm>> -> memref<512xi32, #tpu.memory_space<hbm>>
      tpu.enqueue_dma source(%dma_start3A_172 : memref<512xi32, #tpu.memory_space<hbm>>) target(%dma_start3A_171 : memref<512xi32, #tpu.memory_space<vmem>>) target_semaphore(%run_scoped3A_164 : memref<!tpu.dma_semaphore, #tpu.memory_space<semaphore_mem>>)
      %dma_wait3A_173 = arith.constant 0 : i32
      %dma_wait3A_174 = tpu.memref_slice %arg5[%run_scoped3A_74, %dma_wait3A_173] : memref<5x1024xi32, #tpu.memory_space<vmem>> -> memref<1x512xi32, #tpu.memory_space<vmem>>
      %dma_wait3A_175 = tpu.memref_squeeze %dma_wait3A_174 : memref<1x512xi32, #tpu.memory_space<vmem>> -> memref<512xi32, #tpu.memory_space<vmem>>
      %dma_wait3A_176 = tpu.memref_slice %arg2[%add3A_73] : memref<819200xi32, #tpu.memory_space<hbm>> -> memref<512xi32, #tpu.memory_space<hbm>>
      %dma_wait3A_177 = arith.constant 0 : i32
      %dma_wait3A_178 = tpu.memref_slice %arg5[%run_scoped3A_74, %dma_wait3A_177] : memref<5x1024xi32, #tpu.memory_space<vmem>> -> memref<1x512xi32, #tpu.memory_space<vmem>>
      %dma_wait3A_179 = tpu.memref_squeeze %dma_wait3A_178 : memref<1x512xi32, #tpu.memory_space<vmem>> -> memref<512xi32, #tpu.memory_space<vmem>>
      %dma_wait3A_180 = tpu.memref_slice %arg2[%add3A_73] : memref<819200xi32, #tpu.memory_space<hbm>> -> memref<512xi32, #tpu.memory_space<hbm>>
      tpu.wait_dma2 semaphore(%run_scoped3A_164 : memref<!tpu.dma_semaphore, #tpu.memory_space<semaphore_mem>>) src(%dma_wait3A_180 : memref<512xi32, #tpu.memory_space<hbm>>) dst(%dma_wait3A_179 : memref<512xi32, #tpu.memory_space<vmem>>)
      tpu.yield
    }) : () -> ()
    %dma_start3A_75 = arith.constant 4 : i32
    %dma_start3A_76 = arith.constant 2048 : i32
    %dma_start3A_77 = arith.constant 0 : i32
    %dma_start3A_78 = tpu.memref_slice %arg6[%dma_start3A_76, %dma_start3A_77] : memref<2560x16xf32, #tpu.memory_space<vmem>> -> memref<512x16xf32, #tpu.memory_space<vmem>>
    %dma_start3A_79 = arith.constant 0 : i32
    %dma_start3A_80 = tpu.memref_slice %arg5[%dma_start3A_75, %dma_start3A_79] : memref<5x1024xi32, #tpu.memory_space<vmem>> -> memref<1x512xi32, #tpu.memory_space<vmem>>
    %dma_start3A_81 = tpu.memref_squeeze %dma_start3A_80 : memref<1x512xi32, #tpu.memory_space<vmem>> -> memref<512xi32, #tpu.memory_space<vmem>>
    %dma_start3A_82 = arith.constant 0 : i32
    %dma_start3A_83 = arith.constant 0 : i32
    %dma_start3A_84 = tpu.memref_slice %arg3[%dma_start3A_82, %dma_start3A_83] : memref<1015808x16xf32, #tpu.memory_space<hbm>> -> memref<1015808x16xf32, #tpu.memory_space<hbm>>
    tpu.enqueue_indirect_dma source(%dma_start3A_84 : memref<1015808x16xf32, #tpu.memory_space<hbm>>) target(%dma_start3A_78 : memref<512x16xf32, #tpu.memory_space<vmem>>) offsets(%dma_start3A_81 : memref<512xi32, #tpu.memory_space<vmem>>) semaphore(%arg12 : memref<!tpu.dma_semaphore, #tpu.memory_space<semaphore_mem>>)
    %scan3A = arith.constant 0 : i32
    %scan3A_85 = arith.constant 0 : i32
    %scan3A_86 = arith.constant 10 : i32
    %scan3A_87 = arith.addi %scan3A_85, %scan3A_86 : i32
    %scan3A_88 = arith.constant 1 : i32
    scf.for %scan3A_164 = %scan3A_85 to %scan3A_87 step %scan3A_88  : i32 {
      %mul3A_165 = arith.constant 5 : i32
      %mul3A_166 = arith.muli %scan3A_164, %mul3A_165 : i32
      %add3A_167 = arith.constant 1 : i32
      %add3A_168 = arith.addi %scan3A_164, %add3A_167 : i32
      %jit3A = arith.constant 2 : i32
      %eq3A = arith.constant 0 : i32
      %eq3A_169 = arith.cmpi eq, %jit3A, %eq3A : i32
      %jit3A_170 = arith.constant 1 : i32
      %select_n3A = arith.select %eq3A_169, %jit3A_170, %jit3A : i32
      %rem3A = arith.remsi %add3A_168, %select_n3A : i32
      %ne3A = arith.constant 0 : i32
      %ne3A_171 = arith.cmpi ne, %rem3A, %ne3A : i32
      %lt3A = arith.constant 0 : i32
      %lt3A_172 = arith.cmpi slt, %rem3A, %lt3A : i32
      %lt3A_173 = arith.constant 0 : i32
      %lt3A_174 = arith.cmpi slt, %select_n3A, %lt3A_173 : i32
      %ne3A_175 = arith.xori %lt3A_172, %lt3A_174 : i1
      %and3A = arith.andi %ne3A_175, %ne3A_171 : i1
      %add3A_176 = arith.addi %rem3A, %select_n3A : i32
      %select_n3A_177 = arith.select %and3A, %add3A_176, %rem3A : i32
      %add3A_178 = arith.constant 0 : i32
      %add3A_179 = arith.addi %mul3A_166, %add3A_178 : i32
      %lt3A_180 = arith.constant 9 : i32
      %lt3A_181 = arith.cmpi slt, %scan3A_164, %lt3A_180 : i32
      %convert_element_type3A = arith.extui %lt3A_181 : i1 to i32
      %cond3A = arith.constant 0 : i32
      %cond3A_182 = arith.cmpi ne, %convert_element_type3A, %cond3A : i32
      scf.if %cond3A_182 {
        %add3A_434 = arith.constant 5 : i32
        %add3A_435 = arith.addi %add3A_179, %add3A_434 : i32
        %mul3A_436 = arith.constant 16384 : i32
        %mul3A_437 = arith.muli %add3A_435, %mul3A_436 : i32
        %add3A_438 = arith.addi %mul3A_437, %mul3A_2 : i32
        %mul3A_439 = arith.constant 512 : i32
        %mul3A_440 = arith.muli %select_n3A_177, %mul3A_439 : i32
        %dma_start3A_441 = arith.constant 0 : i32
        %dma_start3A_442 = tpu.memref_slice %arg5[%dma_start3A_441, %mul3A_440] : memref<5x1024xi32, #tpu.memory_space<vmem>> -> memref<1x512xi32, #tpu.memory_space<vmem>>
        %dma_start3A_443 = tpu.memref_squeeze %dma_start3A_442 : memref<1x512xi32, #tpu.memory_space<vmem>> -> memref<512xi32, #tpu.memory_space<vmem>>
        %dma_start3A_444 = tpu.memref_slice %arg2[%add3A_438] : memref<819200xi32, #tpu.memory_space<hbm>> -> memref<512xi32, #tpu.memory_space<hbm>>
        %dma_start3A_445 = tpu.memref_slice %arg5[%dma_start3A_441, %mul3A_440] : memref<5x1024xi32, #tpu.memory_space<vmem>> -> memref<1x512xi32, #tpu.memory_space<vmem>>
        %dma_start3A_446 = tpu.memref_squeeze %dma_start3A_445 : memref<1x512xi32, #tpu.memory_space<vmem>> -> memref<512xi32, #tpu.memory_space<vmem>>
        %dma_start3A_447 = tpu.memref_slice %arg2[%add3A_438] : memref<819200xi32, #tpu.memory_space<hbm>> -> memref<512xi32, #tpu.memory_space<hbm>>
        tpu.enqueue_dma source(%dma_start3A_447 : memref<512xi32, #tpu.memory_space<hbm>>) target(%dma_start3A_446 : memref<512xi32, #tpu.memory_space<vmem>>) target_semaphore(%arg13 : memref<!tpu.dma_semaphore, #tpu.memory_space<semaphore_mem>>)
      } else {
      }
      %sub3A = arith.constant 1 : i32
      %sub3A_183 = arith.subi %sub3A, %select_n3A_177 : i32
      %mul3A_184 = arith.constant 512 : i32
      %mul3A_185 = arith.muli %sub3A_183, %mul3A_184 : i32
      %dma_wait3A_186 = arith.constant 0 : i32
      %dma_wait3A_187 = arith.constant 0 : i32
      %dma_wait3A_188 = arith.constant 0 : i32
      %dma_wait3A_189 = tpu.memref_slice %arg6[%dma_wait3A_187, %dma_wait3A_188] : memref<2560x16xf32, #tpu.memory_space<vmem>> -> memref<512x16xf32, #tpu.memory_space<vmem>>
      %dma_wait3A_190 = tpu.memref_slice %arg5[%dma_wait3A_186, %mul3A_185] : memref<5x1024xi32, #tpu.memory_space<vmem>> -> memref<1x512xi32, #tpu.memory_space<vmem>>
      %dma_wait3A_191 = tpu.memref_squeeze %dma_wait3A_190 : memref<1x512xi32, #tpu.memory_space<vmem>> -> memref<512xi32, #tpu.memory_space<vmem>>
      %dma_wait3A_192 = arith.constant 0 : i32
      %dma_wait3A_193 = arith.constant 0 : i32
      %dma_wait3A_194 = tpu.memref_slice %arg3[%dma_wait3A_192, %dma_wait3A_193] : memref<1015808x16xf32, #tpu.memory_space<hbm>> -> memref<1015808x16xf32, #tpu.memory_space<hbm>>
      tpu.wait_indirect_dma semaphore(%arg8 : memref<!tpu.dma_semaphore, #tpu.memory_space<semaphore_mem>>) src(%dma_wait3A_194 : memref<1015808x16xf32, #tpu.memory_space<hbm>>) dst(%dma_wait3A_189 : memref<512x16xf32, #tpu.memory_space<vmem>>)
      %gt3A = arith.constant 0 : i32
      %gt3A_195 = arith.cmpi sgt, %scan3A_164, %gt3A : i32
      %convert_element_type3A_196 = arith.extui %gt3A_195 : i1 to i32
      %cond3A_197 = arith.constant 0 : i32
      %cond3A_198 = arith.cmpi ne, %convert_element_type3A_196, %cond3A_197 : i32
      scf.if %cond3A_198 {
        %sub3A_434 = arith.constant 5 : i32
        %sub3A_435 = arith.subi %add3A_179, %sub3A_434 : i32
        %mul3A_436 = arith.constant 16384 : i32
        %mul3A_437 = arith.muli %sub3A_435, %mul3A_436 : i32
        %add3A_438 = arith.addi %mul3A_437, %mul3A_2 : i32
        %dma_wait3A_439 = arith.constant 0 : i32
        %dma_wait3A_440 = arith.constant 0 : i32
        %dma_wait3A_441 = arith.constant 0 : i32
        %dma_wait3A_442 = tpu.memref_slice %arg7[%dma_wait3A_439, %dma_wait3A_440, %dma_wait3A_441] : memref<5x10x512xf32, #tpu.memory_space<vmem>> -> memref<1x10x512xf32, #tpu.memory_space<vmem>>
        %dma_wait3A_443 = tpu.memref_squeeze %dma_wait3A_442 : memref<1x10x512xf32, #tpu.memory_space<vmem>> -> memref<10x512xf32, #tpu.memory_space<vmem>>
        %dma_wait3A_444 = arith.constant 0 : i32
        %dma_wait3A_445 = tpu.memref_slice %arg4[%dma_wait3A_444, %add3A_438] : memref<10x819200xf32, #tpu.memory_space<hbm>> -> memref<10x512xf32, #tpu.memory_space<hbm>>
        %dma_wait3A_446 = arith.constant 0 : i32
        %dma_wait3A_447 = tpu.memref_slice %arg4[%dma_wait3A_446, %add3A_438] : memref<10x819200xf32, #tpu.memory_space<hbm>> -> memref<10x512xf32, #tpu.memory_space<hbm>>
        %dma_wait3A_448 = arith.constant 0 : i32
        %dma_wait3A_449 = arith.constant 0 : i32
        %dma_wait3A_450 = tpu.memref_slice %arg7[%dma_wait3A_439, %dma_wait3A_448, %dma_wait3A_449] : memref<5x10x512xf32, #tpu.memory_space<vmem>> -> memref<1x10x512xf32, #tpu.memory_space<vmem>>
        %dma_wait3A_451 = tpu.memref_squeeze %dma_wait3A_450 : memref<1x10x512xf32, #tpu.memory_space<vmem>> -> memref<10x512xf32, #tpu.memory_space<vmem>>
        tpu.wait_dma2 semaphore(%arg18 : memref<!tpu.dma_semaphore, #tpu.memory_space<semaphore_mem>>) src(%dma_wait3A_451 : memref<10x512xf32, #tpu.memory_space<vmem>>) dst(%dma_wait3A_447 : memref<10x512xf32, #tpu.memory_space<hbm>>)
      } else {
      }
      %scan3A_199 = arith.constant 0 : i32
      %scan3A_200 = arith.constant 0 : i32
      %scan3A_201 = arith.constant 16 : i32
      %scan3A_202 = arith.addi %scan3A_200, %scan3A_201 : i32
      %scan3A_203 = arith.constant 1 : i32
      scf.for %scan3A_434 = %scan3A_200 to %scan3A_202 step %scan3A_203  : i32 {
        %mul3A_435 = arith.constant 32 : i32
        %mul3A_436 = arith.muli %scan3A_434, %mul3A_435 : i32
        %add3A_437 = arith.constant 0 : i32
        %add3A_438 = arith.addi %add3A_437, %mul3A_436 : i32
        %add3A_439 = arith.constant 0 : i32
        %add3A_440 = arith.addi %add3A_438, %add3A_439 : i32
        %add3A_441 = vector.broadcast %add3A_440 : i32 to vector<16xi32>
        %add3A_442 = arith.addi %add3A_441, %iota3A : vector<16xi32>
        %gather3A = tpu.vector_load_idx %arg6[%add3A_442, %broadcast_in_dim3A_3] : memref<2560x16xf32, #tpu.memory_space<vmem>>[vector<16xi32>, vector<16xi32>], vector<16xf32>,
        %mul3A_443 = arith.constant 32 : i32
        %mul3A_444 = arith.muli %scan3A_434, %mul3A_443 : i32
        %add3A_445 = arith.constant 0 : i32
        %add3A_446 = arith.addi %mul3A_444, %add3A_445 : i32
        %swap3A = arith.constant 0 : i32
        %swap3A_447 = arith.constant 0 : i32
        %swap3A_448 = arith.index_cast %swap3A : i32 to index
        %swap3A_449 = arith.index_cast %swap3A_447 : i32 to index
        %swap3A_450 = arith.index_cast %add3A_446 : i32 to index
        %swap3A_451 = tpu.vector_load %arg7[%swap3A_448, %swap3A_449, %swap3A_450] {strides = array<i32>} : memref<5x10x512xf32, #tpu.memory_space<vmem>>, vector<16xf32>,
        tpu.vector_store %arg7[%swap3A_448, %swap3A_449, %swap3A_450], %gather3A {strides = array<i32>} : memref<5x10x512xf32, #tpu.memory_space<vmem>>, vector<16xf32>,
        %gather3A_452 = tpu.vector_load_idx %arg6[%add3A_442, %broadcast_in_dim3A_5] : memref<2560x16xf32, #tpu.memory_space<vmem>>[vector<16xi32>, vector<16xi32>], vector<16xf32>,
        %mul3A_453 = arith.constant 32 : i32
        %mul3A_454 = arith.muli %scan3A_434, %mul3A_453 : i32
        %add3A_455 = arith.constant 0 : i32
        %add3A_456 = arith.addi %mul3A_454, %add3A_455 : i32
        %swap3A_457 = arith.constant 0 : i32
        %swap3A_458 = arith.constant 1 : i32
        %swap3A_459 = arith.index_cast %swap3A_457 : i32 to index
        %swap3A_460 = arith.index_cast %swap3A_458 : i32 to index
        %swap3A_461 = arith.index_cast %add3A_456 : i32 to index
        %swap3A_462 = tpu.vector_load %arg7[%swap3A_459, %swap3A_460, %swap3A_461] {strides = array<i32>} : memref<5x10x512xf32, #tpu.memory_space<vmem>>, vector<16xf32>,
        tpu.vector_store %arg7[%swap3A_459, %swap3A_460, %swap3A_461], %gather3A_452 {strides = array<i32>} : memref<5x10x512xf32, #tpu.memory_space<vmem>>, vector<16xf32>,
        %gather3A_463 = tpu.vector_load_idx %arg6[%add3A_442, %broadcast_in_dim3A_7] : memref<2560x16xf32, #tpu.memory_space<vmem>>[vector<16xi32>, vector<16xi32>], vector<16xf32>,
        %mul3A_464 = arith.constant 32 : i32
        %mul3A_465 = arith.muli %scan3A_434, %mul3A_464 : i32
        %add3A_466 = arith.constant 0 : i32
        %add3A_467 = arith.addi %mul3A_465, %add3A_466 : i32
        %swap3A_468 = arith.constant 0 : i32
        %swap3A_469 = arith.constant 2 : i32
        %swap3A_470 = arith.index_cast %swap3A_468 : i32 to index
        %swap3A_471 = arith.index_cast %swap3A_469 : i32 to index
        %swap3A_472 = arith.index_cast %add3A_467 : i32 to index
        %swap3A_473 = tpu.vector_load %arg7[%swap3A_470, %swap3A_471, %swap3A_472] {strides = array<i32>} : memref<5x10x512xf32, #tpu.memory_space<vmem>>, vector<16xf32>,
        tpu.vector_store %arg7[%swap3A_470, %swap3A_471, %swap3A_472], %gather3A_463 {strides = array<i32>} : memref<5x10x512xf32, #tpu.memory_space<vmem>>, vector<16xf32>,
        %gather3A_474 = tpu.vector_load_idx %arg6[%add3A_442, %broadcast_in_dim3A_9] : memref<2560x16xf32, #tpu.memory_space<vmem>>[vector<16xi32>, vector<16xi32>], vector<16xf32>,
        %mul3A_475 = arith.constant 32 : i32
        %mul3A_476 = arith.muli %scan3A_434, %mul3A_475 : i32
        %add3A_477 = arith.constant 0 : i32
        %add3A_478 = arith.addi %mul3A_476, %add3A_477 : i32
        %swap3A_479 = arith.constant 0 : i32
        %swap3A_480 = arith.constant 3 : i32
        %swap3A_481 = arith.index_cast %swap3A_479 : i32 to index
        %swap3A_482 = arith.index_cast %swap3A_480 : i32 to index
        %swap3A_483 = arith.index_cast %add3A_478 : i32 to index
        %swap3A_484 = tpu.vector_load %arg7[%swap3A_481, %swap3A_482, %swap3A_483] {strides = array<i32>} : memref<5x10x512xf32, #tpu.memory_space<vmem>>, vector<16xf32>,
        tpu.vector_store %arg7[%swap3A_481, %swap3A_482, %swap3A_483], %gather3A_474 {strides = array<i32>} : memref<5x10x512xf32, #tpu.memory_space<vmem>>, vector<16xf32>,
        %gather3A_485 = tpu.vector_load_idx %arg6[%add3A_442, %broadcast_in_dim3A_11] : memref<2560x16xf32, #tpu.memory_space<vmem>>[vector<16xi32>, vector<16xi32>], vector<16xf32>,
        %mul3A_486 = arith.constant 32 : i32
        %mul3A_487 = arith.muli %scan3A_434, %mul3A_486 : i32
        %add3A_488 = arith.constant 0 : i32
        %add3A_489 = arith.addi %mul3A_487, %add3A_488 : i32
        %swap3A_490 = arith.constant 0 : i32
        %swap3A_491 = arith.constant 4 : i32
        %swap3A_492 = arith.index_cast %swap3A_490 : i32 to index
        %swap3A_493 = arith.index_cast %swap3A_491 : i32 to index
        %swap3A_494 = arith.index_cast %add3A_489 : i32 to index
        %swap3A_495 = tpu.vector_load %arg7[%swap3A_492, %swap3A_493, %swap3A_494] {strides = array<i32>} : memref<5x10x512xf32, #tpu.memory_space<vmem>>, vector<16xf32>,
        tpu.vector_store %arg7[%swap3A_492, %swap3A_493, %swap3A_494], %gather3A_485 {strides = array<i32>} : memref<5x10x512xf32, #tpu.memory_space<vmem>>, vector<16xf32>,
        %gather3A_496 = tpu.vector_load_idx %arg6[%add3A_442, %broadcast_in_dim3A_13] : memref<2560x16xf32, #tpu.memory_space<vmem>>[vector<16xi32>, vector<16xi32>], vector<16xf32>,
        %mul3A_497 = arith.constant 32 : i32
        %mul3A_498 = arith.muli %scan3A_434, %mul3A_497 : i32
        %add3A_499 = arith.constant 0 : i32
        %add3A_500 = arith.addi %mul3A_498, %add3A_499 : i32
        %swap3A_501 = arith.constant 0 : i32
        %swap3A_502 = arith.constant 5 : i32
        %swap3A_503 = arith.index_cast %swap3A_501 : i32 to index
        %swap3A_504 = arith.index_cast %swap3A_502 : i32 to index
        %swap3A_505 = arith.index_cast %add3A_500 : i32 to index
        %swap3A_506 = tpu.vector_load %arg7[%swap3A_503, %swap3A_504, %swap3A_505] {strides = array<i32>} : memref<5x10x512xf32, #tpu.memory_space<vmem>>, vector<16xf32>,
        tpu.vector_store %arg7[%swap3A_503, %swap3A_504, %swap3A_505], %gather3A_496 {strides = array<i32>} : memref<5x10x512xf32, #tpu.memory_space<vmem>>, vector<16xf32>,
        %gather3A_507 = tpu.vector_load_idx %arg6[%add3A_442, %broadcast_in_dim3A_15] : memref<2560x16xf32, #tpu.memory_space<vmem>>[vector<16xi32>, vector<16xi32>], vector<16xf32>,
        %mul3A_508 = arith.constant 32 : i32
        %mul3A_509 = arith.muli %scan3A_434, %mul3A_508 : i32
        %add3A_510 = arith.constant 0 : i32
        %add3A_511 = arith.addi %mul3A_509, %add3A_510 : i32
        %swap3A_512 = arith.constant 0 : i32
        %swap3A_513 = arith.constant 6 : i32
        %swap3A_514 = arith.index_cast %swap3A_512 : i32 to index
        %swap3A_515 = arith.index_cast %swap3A_513 : i32 to index
        %swap3A_516 = arith.index_cast %add3A_511 : i32 to index
        %swap3A_517 = tpu.vector_load %arg7[%swap3A_514, %swap3A_515, %swap3A_516] {strides = array<i32>} : memref<5x10x512xf32, #tpu.memory_space<vmem>>, vector<16xf32>,
        tpu.vector_store %arg7[%swap3A_514, %swap3A_515, %swap3A_516], %gather3A_507 {strides = array<i32>} : memref<5x10x512xf32, #tpu.memory_space<vmem>>, vector<16xf32>,
        %gather3A_518 = tpu.vector_load_idx %arg6[%add3A_442, %broadcast_in_dim3A_17] : memref<2560x16xf32, #tpu.memory_space<vmem>>[vector<16xi32>, vector<16xi32>], vector<16xf32>,
        %mul3A_519 = arith.constant 32 : i32
        %mul3A_520 = arith.muli %scan3A_434, %mul3A_519 : i32
        %add3A_521 = arith.constant 0 : i32
        %add3A_522 = arith.addi %mul3A_520, %add3A_521 : i32
        %swap3A_523 = arith.constant 0 : i32
        %swap3A_524 = arith.constant 7 : i32
        %swap3A_525 = arith.index_cast %swap3A_523 : i32 to index
        %swap3A_526 = arith.index_cast %swap3A_524 : i32 to index
        %swap3A_527 = arith.index_cast %add3A_522 : i32 to index
        %swap3A_528 = tpu.vector_load %arg7[%swap3A_525, %swap3A_526, %swap3A_527] {strides = array<i32>} : memref<5x10x512xf32, #tpu.memory_space<vmem>>, vector<16xf32>,
        tpu.vector_store %arg7[%swap3A_525, %swap3A_526, %swap3A_527], %gather3A_518 {strides = array<i32>} : memref<5x10x512xf32, #tpu.memory_space<vmem>>, vector<16xf32>,
        %gather3A_529 = tpu.vector_load_idx %arg6[%add3A_442, %broadcast_in_dim3A_19] : memref<2560x16xf32, #tpu.memory_space<vmem>>[vector<16xi32>, vector<16xi32>], vector<16xf32>,
        %mul3A_530 = arith.constant 32 : i32
        %mul3A_531 = arith.muli %scan3A_434, %mul3A_530 : i32
        %add3A_532 = arith.constant 0 : i32
        %add3A_533 = arith.addi %mul3A_531, %add3A_532 : i32
        %swap3A_534 = arith.constant 0 : i32
        %swap3A_535 = arith.constant 8 : i32
        %swap3A_536 = arith.index_cast %swap3A_534 : i32 to index
        %swap3A_537 = arith.index_cast %swap3A_535 : i32 to index
        %swap3A_538 = arith.index_cast %add3A_533 : i32 to index
        %swap3A_539 = tpu.vector_load %arg7[%swap3A_536, %swap3A_537, %swap3A_538] {strides = array<i32>} : memref<5x10x512xf32, #tpu.memory_space<vmem>>, vector<16xf32>,
        tpu.vector_store %arg7[%swap3A_536, %swap3A_537, %swap3A_538], %gather3A_529 {strides = array<i32>} : memref<5x10x512xf32, #tpu.memory_space<vmem>>, vector<16xf32>,
        %gather3A_540 = tpu.vector_load_idx %arg6[%add3A_442, %broadcast_in_dim3A_21] : memref<2560x16xf32, #tpu.memory_space<vmem>>[vector<16xi32>, vector<16xi32>], vector<16xf32>,
        %mul3A_541 = arith.constant 32 : i32
        %mul3A_542 = arith.muli %scan3A_434, %mul3A_541 : i32
        %add3A_543 = arith.constant 0 : i32
        %add3A_544 = arith.addi %mul3A_542, %add3A_543 : i32
        %swap3A_545 = arith.constant 0 : i32
        %swap3A_546 = arith.constant 9 : i32
        %swap3A_547 = arith.index_cast %swap3A_545 : i32 to index
        %swap3A_548 = arith.index_cast %swap3A_546 : i32 to index
        %swap3A_549 = arith.index_cast %add3A_544 : i32 to index
        %swap3A_550 = tpu.vector_load %arg7[%swap3A_547, %swap3A_548, %swap3A_549] {strides = array<i32>} : memref<5x10x512xf32, #tpu.memory_space<vmem>>, vector<16xf32>,
        tpu.vector_store %arg7[%swap3A_547, %swap3A_548, %swap3A_549], %gather3A_540 {strides = array<i32>} : memref<5x10x512xf32, #tpu.memory_space<vmem>>, vector<16xf32>,
        %mul3A_551 = arith.constant 32 : i32
        %mul3A_552 = arith.muli %scan3A_434, %mul3A_551 : i32
        %add3A_553 = arith.constant 0 : i32
        %add3A_554 = arith.addi %add3A_553, %mul3A_552 : i32
        %add3A_555 = arith.constant 16 : i32
        %add3A_556 = arith.addi %add3A_554, %add3A_555 : i32
        %add3A_557 = vector.broadcast %add3A_556 : i32 to vector<16xi32>
        %add3A_558 = arith.addi %add3A_557, %iota3A : vector<16xi32>
        %gather3A_559 = tpu.vector_load_idx %arg6[%add3A_558, %broadcast_in_dim3A_3] : memref<2560x16xf32, #tpu.memory_space<vmem>>[vector<16xi32>, vector<16xi32>], vector<16xf32>,
        %mul3A_560 = arith.constant 32 : i32
        %mul3A_561 = arith.muli %scan3A_434, %mul3A_560 : i32
        %add3A_562 = arith.constant 16 : i32
        %add3A_563 = arith.addi %mul3A_561, %add3A_562 : i32
        %swap3A_564 = arith.constant 0 : i32
        %swap3A_565 = arith.constant 0 : i32
        %swap3A_566 = arith.index_cast %swap3A_564 : i32 to index
        %swap3A_567 = arith.index_cast %swap3A_565 : i32 to index
        %swap3A_568 = arith.index_cast %add3A_563 : i32 to index
        %swap3A_569 = tpu.vector_load %arg7[%swap3A_566, %swap3A_567, %swap3A_568] {strides = array<i32>} : memref<5x10x512xf32, #tpu.memory_space<vmem>>, vector<16xf32>,
        tpu.vector_store %arg7[%swap3A_566, %swap3A_567, %swap3A_568], %gather3A_559 {strides = array<i32>} : memref<5x10x512xf32, #tpu.memory_space<vmem>>, vector<16xf32>,
        %gather3A_570 = tpu.vector_load_idx %arg6[%add3A_558, %broadcast_in_dim3A_5] : memref<2560x16xf32, #tpu.memory_space<vmem>>[vector<16xi32>, vector<16xi32>], vector<16xf32>,
        %mul3A_571 = arith.constant 32 : i32
        %mul3A_572 = arith.muli %scan3A_434, %mul3A_571 : i32
        %add3A_573 = arith.constant 16 : i32
        %add3A_574 = arith.addi %mul3A_572, %add3A_573 : i32
        %swap3A_575 = arith.constant 0 : i32
        %swap3A_576 = arith.constant 1 : i32
        %swap3A_577 = arith.index_cast %swap3A_575 : i32 to index
        %swap3A_578 = arith.index_cast %swap3A_576 : i32 to index
        %swap3A_579 = arith.index_cast %add3A_574 : i32 to index
        %swap3A_580 = tpu.vector_load %arg7[%swap3A_577, %swap3A_578, %swap3A_579] {strides = array<i32>} : memref<5x10x512xf32, #tpu.memory_space<vmem>>, vector<16xf32>,
        tpu.vector_store %arg7[%swap3A_577, %swap3A_578, %swap3A_579], %gather3A_570 {strides = array<i32>} : memref<5x10x512xf32, #tpu.memory_space<vmem>>, vector<16xf32>,
        %gather3A_581 = tpu.vector_load_idx %arg6[%add3A_558, %broadcast_in_dim3A_7] : memref<2560x16xf32, #tpu.memory_space<vmem>>[vector<16xi32>, vector<16xi32>], vector<16xf32>,
        %mul3A_582 = arith.constant 32 : i32
        %mul3A_583 = arith.muli %scan3A_434, %mul3A_582 : i32
        %add3A_584 = arith.constant 16 : i32
        %add3A_585 = arith.addi %mul3A_583, %add3A_584 : i32
        %swap3A_586 = arith.constant 0 : i32
        %swap3A_587 = arith.constant 2 : i32
        %swap3A_588 = arith.index_cast %swap3A_586 : i32 to index
        %swap3A_589 = arith.index_cast %swap3A_587 : i32 to index
        %swap3A_590 = arith.index_cast %add3A_585 : i32 to index
        %swap3A_591 = tpu.vector_load %arg7[%swap3A_588, %swap3A_589, %swap3A_590] {strides = array<i32>} : memref<5x10x512xf32, #tpu.memory_space<vmem>>, vector<16xf32>,
        tpu.vector_store %arg7[%swap3A_588, %swap3A_589, %swap3A_590], %gather3A_581 {strides = array<i32>} : memref<5x10x512xf32, #tpu.memory_space<vmem>>, vector<16xf32>,
        %gather3A_592 = tpu.vector_load_idx %arg6[%add3A_558, %broadcast_in_dim3A_9] : memref<2560x16xf32, #tpu.memory_space<vmem>>[vector<16xi32>, vector<16xi32>], vector<16xf32>,
        %mul3A_593 = arith.constant 32 : i32
        %mul3A_594 = arith.muli %scan3A_434, %mul3A_593 : i32
        %add3A_595 = arith.constant 16 : i32
        %add3A_596 = arith.addi %mul3A_594, %add3A_595 : i32
        %swap3A_597 = arith.constant 0 : i32
        %swap3A_598 = arith.constant 3 : i32
        %swap3A_599 = arith.index_cast %swap3A_597 : i32 to index
        %swap3A_600 = arith.index_cast %swap3A_598 : i32 to index
        %swap3A_601 = arith.index_cast %add3A_596 : i32 to index
        %swap3A_602 = tpu.vector_load %arg7[%swap3A_599, %swap3A_600, %swap3A_601] {strides = array<i32>} : memref<5x10x512xf32, #tpu.memory_space<vmem>>, vector<16xf32>,
        tpu.vector_store %arg7[%swap3A_599, %swap3A_600, %swap3A_601], %gather3A_592 {strides = array<i32>} : memref<5x10x512xf32, #tpu.memory_space<vmem>>, vector<16xf32>,
        %gather3A_603 = tpu.vector_load_idx %arg6[%add3A_558, %broadcast_in_dim3A_11] : memref<2560x16xf32, #tpu.memory_space<vmem>>[vector<16xi32>, vector<16xi32>], vector<16xf32>,
        %mul3A_604 = arith.constant 32 : i32
        %mul3A_605 = arith.muli %scan3A_434, %mul3A_604 : i32
        %add3A_606 = arith.constant 16 : i32
        %add3A_607 = arith.addi %mul3A_605, %add3A_606 : i32
        %swap3A_608 = arith.constant 0 : i32
        %swap3A_609 = arith.constant 4 : i32
        %swap3A_610 = arith.index_cast %swap3A_608 : i32 to index
        %swap3A_611 = arith.index_cast %swap3A_609 : i32 to index
        %swap3A_612 = arith.index_cast %add3A_607 : i32 to index
        %swap3A_613 = tpu.vector_load %arg7[%swap3A_610, %swap3A_611, %swap3A_612] {strides = array<i32>} : memref<5x10x512xf32, #tpu.memory_space<vmem>>, vector<16xf32>,
        tpu.vector_store %arg7[%swap3A_610, %swap3A_611, %swap3A_612], %gather3A_603 {strides = array<i32>} : memref<5x10x512xf32, #tpu.memory_space<vmem>>, vector<16xf32>,
        %gather3A_614 = tpu.vector_load_idx %arg6[%add3A_558, %broadcast_in_dim3A_13] : memref<2560x16xf32, #tpu.memory_space<vmem>>[vector<16xi32>, vector<16xi32>], vector<16xf32>,
        %mul3A_615 = arith.constant 32 : i32
        %mul3A_616 = arith.muli %scan3A_434, %mul3A_615 : i32
        %add3A_617 = arith.constant 16 : i32
        %add3A_618 = arith.addi %mul3A_616, %add3A_617 : i32
        %swap3A_619 = arith.constant 0 : i32
        %swap3A_620 = arith.constant 5 : i32
        %swap3A_621 = arith.index_cast %swap3A_619 : i32 to index
        %swap3A_622 = arith.index_cast %swap3A_620 : i32 to index
        %swap3A_623 = arith.index_cast %add3A_618 : i32 to index
        %swap3A_624 = tpu.vector_load %arg7[%swap3A_621, %swap3A_622, %swap3A_623] {strides = array<i32>} : memref<5x10x512xf32, #tpu.memory_space<vmem>>, vector<16xf32>,
        tpu.vector_store %arg7[%swap3A_621, %swap3A_622, %swap3A_623], %gather3A_614 {strides = array<i32>} : memref<5x10x512xf32, #tpu.memory_space<vmem>>, vector<16xf32>,
        %gather3A_625 = tpu.vector_load_idx %arg6[%add3A_558, %broadcast_in_dim3A_15] : memref<2560x16xf32, #tpu.memory_space<vmem>>[vector<16xi32>, vector<16xi32>], vector<16xf32>,
        %mul3A_626 = arith.constant 32 : i32
        %mul3A_627 = arith.muli %scan3A_434, %mul3A_626 : i32
        %add3A_628 = arith.constant 16 : i32
        %add3A_629 = arith.addi %mul3A_627, %add3A_628 : i32
        %swap3A_630 = arith.constant 0 : i32
        %swap3A_631 = arith.constant 6 : i32
        %swap3A_632 = arith.index_cast %swap3A_630 : i32 to index
        %swap3A_633 = arith.index_cast %swap3A_631 : i32 to index
        %swap3A_634 = arith.index_cast %add3A_629 : i32 to index
        %swap3A_635 = tpu.vector_load %arg7[%swap3A_632, %swap3A_633, %swap3A_634] {strides = array<i32>} : memref<5x10x512xf32, #tpu.memory_space<vmem>>, vector<16xf32>,
        tpu.vector_store %arg7[%swap3A_632, %swap3A_633, %swap3A_634], %gather3A_625 {strides = array<i32>} : memref<5x10x512xf32, #tpu.memory_space<vmem>>, vector<16xf32>,
        %gather3A_636 = tpu.vector_load_idx %arg6[%add3A_558, %broadcast_in_dim3A_17] : memref<2560x16xf32, #tpu.memory_space<vmem>>[vector<16xi32>, vector<16xi32>], vector<16xf32>,
        %mul3A_637 = arith.constant 32 : i32
        %mul3A_638 = arith.muli %scan3A_434, %mul3A_637 : i32
        %add3A_639 = arith.constant 16 : i32
        %add3A_640 = arith.addi %mul3A_638, %add3A_639 : i32
        %swap3A_641 = arith.constant 0 : i32
        %swap3A_642 = arith.constant 7 : i32
        %swap3A_643 = arith.index_cast %swap3A_641 : i32 to index
        %swap3A_644 = arith.index_cast %swap3A_642 : i32 to index
        %swap3A_645 = arith.index_cast %add3A_640 : i32 to index
        %swap3A_646 = tpu.vector_load %arg7[%swap3A_643, %swap3A_644, %swap3A_645] {strides = array<i32>} : memref<5x10x512xf32, #tpu.memory_space<vmem>>, vector<16xf32>,
        tpu.vector_store %arg7[%swap3A_643, %swap3A_644, %swap3A_645], %gather3A_636 {strides = array<i32>} : memref<5x10x512xf32, #tpu.memory_space<vmem>>, vector<16xf32>,
        %gather3A_647 = tpu.vector_load_idx %arg6[%add3A_558, %broadcast_in_dim3A_19] : memref<2560x16xf32, #tpu.memory_space<vmem>>[vector<16xi32>, vector<16xi32>], vector<16xf32>,
        %mul3A_648 = arith.constant 32 : i32
        %mul3A_649 = arith.muli %scan3A_434, %mul3A_648 : i32
        %add3A_650 = arith.constant 16 : i32
        %add3A_651 = arith.addi %mul3A_649, %add3A_650 : i32
        %swap3A_652 = arith.constant 0 : i32
        %swap3A_653 = arith.constant 8 : i32
        %swap3A_654 = arith.index_cast %swap3A_652 : i32 to index
        %swap3A_655 = arith.index_cast %swap3A_653 : i32 to index
        %swap3A_656 = arith.index_cast %add3A_651 : i32 to index
        %swap3A_657 = tpu.vector_load %arg7[%swap3A_654, %swap3A_655, %swap3A_656] {strides = array<i32>} : memref<5x10x512xf32, #tpu.memory_space<vmem>>, vector<16xf32>,
        tpu.vector_store %arg7[%swap3A_654, %swap3A_655, %swap3A_656], %gather3A_647 {strides = array<i32>} : memref<5x10x512xf32, #tpu.memory_space<vmem>>, vector<16xf32>,
        %gather3A_658 = tpu.vector_load_idx %arg6[%add3A_558, %broadcast_in_dim3A_21] : memref<2560x16xf32, #tpu.memory_space<vmem>>[vector<16xi32>, vector<16xi32>], vector<16xf32>,
        %mul3A_659 = arith.constant 32 : i32
        %mul3A_660 = arith.muli %scan3A_434, %mul3A_659 : i32
        %add3A_661 = arith.constant 16 : i32
        %add3A_662 = arith.addi %mul3A_660, %add3A_661 : i32
        %swap3A_663 = arith.constant 0 : i32
        %swap3A_664 = arith.constant 9 : i32
        %swap3A_665 = arith.index_cast %swap3A_663 : i32 to index
        %swap3A_666 = arith.index_cast %swap3A_664 : i32 to index
        %swap3A_667 = arith.index_cast %add3A_662 : i32 to index
        %swap3A_668 = tpu.vector_load %arg7[%swap3A_665, %swap3A_666, %swap3A_667] {strides = array<i32>} : memref<5x10x512xf32, #tpu.memory_space<vmem>>, vector<16xf32>,
        tpu.vector_store %arg7[%swap3A_665, %swap3A_666, %swap3A_667], %gather3A_658 {strides = array<i32>} : memref<5x10x512xf32, #tpu.memory_space<vmem>>, vector<16xf32>,
      }
      %scan3A_204 = arith.constant 16 : i32
      %mul3A_205 = arith.constant 16384 : i32
      %mul3A_206 = arith.muli %add3A_179, %mul3A_205 : i32
      %add3A_207 = arith.addi %mul3A_206, %mul3A_2 : i32
      %dma_start3A_208 = arith.constant 0 : i32
      %dma_start3A_209 = arith.constant 0 : i32
      %dma_start3A_210 = arith.constant 0 : i32
      %dma_start3A_211 = tpu.memref_slice %arg7[%dma_start3A_208, %dma_start3A_209, %dma_start3A_210] : memref<5x10x512xf32, #tpu.memory_space<vmem>> -> memref<1x10x512xf32, #tpu.memory_space<vmem>>
      %dma_start3A_212 = tpu.memref_squeeze %dma_start3A_211 : memref<1x10x512xf32, #tpu.memory_space<vmem>> -> memref<10x512xf32, #tpu.memory_space<vmem>>
      %dma_start3A_213 = arith.constant 0 : i32
      %dma_start3A_214 = tpu.memref_slice %arg4[%dma_start3A_213, %add3A_207] : memref<10x819200xf32, #tpu.memory_space<hbm>> -> memref<10x512xf32, #tpu.memory_space<hbm>>
      %dma_start3A_215 = arith.constant 0 : i32
      %dma_start3A_216 = tpu.memref_slice %arg4[%dma_start3A_215, %add3A_207] : memref<10x819200xf32, #tpu.memory_space<hbm>> -> memref<10x512xf32, #tpu.memory_space<hbm>>
      %dma_start3A_217 = arith.constant 0 : i32
      %dma_start3A_218 = arith.constant 0 : i32
      %dma_start3A_219 = tpu.memref_slice %arg7[%dma_start3A_208, %dma_start3A_217, %dma_start3A_218] : memref<5x10x512xf32, #tpu.memory_space<vmem>> -> memref<1x10x512xf32, #tpu.memory_space<vmem>>
      %dma_start3A_220 = tpu.memref_squeeze %dma_start3A_219 : memref<1x10x512xf32, #tpu.memory_space<vmem>> -> memref<10x512xf32, #tpu.memory_space<vmem>>
      tpu.enqueue_dma source(%dma_start3A_220 : memref<10x512xf32, #tpu.memory_space<vmem>>) target(%dma_start3A_216 : memref<10x512xf32, #tpu.memory_space<hbm>>) target_semaphore(%arg18 : memref<!tpu.dma_semaphore, #tpu.memory_space<semaphore_mem>>)
      %lt3A_221 = arith.constant 9 : i32
      %lt3A_222 = arith.cmpi slt, %scan3A_164, %lt3A_221 : i32
      %convert_element_type3A_223 = arith.extui %lt3A_222 : i1 to i32
      %cond3A_224 = arith.constant 0 : i32
      %cond3A_225 = arith.cmpi ne, %convert_element_type3A_223, %cond3A_224 : i32
      scf.if %cond3A_225 {
        %add3A_434 = arith.constant 5 : i32
        %add3A_435 = arith.addi %add3A_179, %add3A_434 : i32
        %mul3A_436 = arith.constant 16384 : i32
        %mul3A_437 = arith.muli %add3A_435, %mul3A_436 : i32
        %add3A_438 = arith.addi %mul3A_437, %mul3A_2 : i32
        %mul3A_439 = arith.constant 512 : i32
        %mul3A_440 = arith.muli %select_n3A_177, %mul3A_439 : i32
        %dma_wait3A_441 = arith.constant 0 : i32
        %dma_wait3A_442 = tpu.memref_slice %arg5[%dma_wait3A_441, %mul3A_440] : memref<5x1024xi32, #tpu.memory_space<vmem>> -> memref<1x512xi32, #tpu.memory_space<vmem>>
        %dma_wait3A_443 = tpu.memref_squeeze %dma_wait3A_442 : memref<1x512xi32, #tpu.memory_space<vmem>> -> memref<512xi32, #tpu.memory_space<vmem>>
        %dma_wait3A_444 = tpu.memref_slice %arg2[%add3A_438] : memref<819200xi32, #tpu.memory_space<hbm>> -> memref<512xi32, #tpu.memory_space<hbm>>
        %dma_wait3A_445 = tpu.memref_slice %arg5[%dma_wait3A_441, %mul3A_440] : memref<5x1024xi32, #tpu.memory_space<vmem>> -> memref<1x512xi32, #tpu.memory_space<vmem>>
        %dma_wait3A_446 = tpu.memref_squeeze %dma_wait3A_445 : memref<1x512xi32, #tpu.memory_space<vmem>> -> memref<512xi32, #tpu.memory_space<vmem>>
        %dma_wait3A_447 = tpu.memref_slice %arg2[%add3A_438] : memref<819200xi32, #tpu.memory_space<hbm>> -> memref<512xi32, #tpu.memory_space<hbm>>
        tpu.wait_dma2 semaphore(%arg13 : memref<!tpu.dma_semaphore, #tpu.memory_space<semaphore_mem>>) src(%dma_wait3A_447 : memref<512xi32, #tpu.memory_space<hbm>>) dst(%dma_wait3A_446 : memref<512xi32, #tpu.memory_space<vmem>>)
        %mul3A_448 = arith.constant 512 : i32
        %mul3A_449 = arith.muli %select_n3A_177, %mul3A_448 : i32
        %dma_start3A_450 = arith.constant 0 : i32
        %dma_start3A_451 = arith.constant 0 : i32
        %dma_start3A_452 = arith.constant 0 : i32
        %dma_start3A_453 = tpu.memref_slice %arg6[%dma_start3A_451, %dma_start3A_452] : memref<2560x16xf32, #tpu.memory_space<vmem>> -> memref<512x16xf32, #tpu.memory_space<vmem>>
        %dma_start3A_454 = tpu.memref_slice %arg5[%dma_start3A_450, %mul3A_449] : memref<5x1024xi32, #tpu.memory_space<vmem>> -> memref<1x512xi32, #tpu.memory_space<vmem>>
        %dma_start3A_455 = tpu.memref_squeeze %dma_start3A_454 : memref<1x512xi32, #tpu.memory_space<vmem>> -> memref<512xi32, #tpu.memory_space<vmem>>
        %dma_start3A_456 = arith.constant 0 : i32
        %dma_start3A_457 = arith.constant 0 : i32
        %dma_start3A_458 = tpu.memref_slice %arg3[%dma_start3A_456, %dma_start3A_457] : memref<1015808x16xf32, #tpu.memory_space<hbm>> -> memref<1015808x16xf32, #tpu.memory_space<hbm>>
        tpu.enqueue_indirect_dma source(%dma_start3A_458 : memref<1015808x16xf32, #tpu.memory_space<hbm>>) target(%dma_start3A_453 : memref<512x16xf32, #tpu.memory_space<vmem>>) offsets(%dma_start3A_455 : memref<512xi32, #tpu.memory_space<vmem>>) semaphore(%arg8 : memref<!tpu.dma_semaphore, #tpu.memory_space<semaphore_mem>>)
      } else {
      }
      %add3A_226 = arith.constant 1 : i32
      %add3A_227 = arith.addi %mul3A_166, %add3A_226 : i32
      %lt3A_228 = arith.constant 9 : i32
      %lt3A_229 = arith.cmpi slt, %scan3A_164, %lt3A_228 : i32
      %convert_element_type3A_230 = arith.extui %lt3A_229 : i1 to i32
      %cond3A_231 = arith.constant 0 : i32
      %cond3A_232 = arith.cmpi ne, %convert_element_type3A_230, %cond3A_231 : i32
      scf.if %cond3A_232 {
        %add3A_434 = arith.constant 5 : i32
        %add3A_435 = arith.addi %add3A_227, %add3A_434 : i32
        %mul3A_436 = arith.constant 16384 : i32
        %mul3A_437 = arith.muli %add3A_435, %mul3A_436 : i32
        %add3A_438 = arith.addi %mul3A_437, %mul3A_2 : i32
        %mul3A_439 = arith.constant 512 : i32
        %mul3A_440 = arith.muli %select_n3A_177, %mul3A_439 : i32
        %dma_start3A_441 = arith.constant 1 : i32
        %dma_start3A_442 = tpu.memref_slice %arg5[%dma_start3A_441, %mul3A_440] : memref<5x1024xi32, #tpu.memory_space<vmem>> -> memref<1x512xi32, #tpu.memory_space<vmem>>
        %dma_start3A_443 = tpu.memref_squeeze %dma_start3A_442 : memref<1x512xi32, #tpu.memory_space<vmem>> -> memref<512xi32, #tpu.memory_space<vmem>>
        %dma_start3A_444 = tpu.memref_slice %arg2[%add3A_438] : memref<819200xi32, #tpu.memory_space<hbm>> -> memref<512xi32, #tpu.memory_space<hbm>>
        %dma_start3A_445 = tpu.memref_slice %arg5[%dma_start3A_441, %mul3A_440] : memref<5x1024xi32, #tpu.memory_space<vmem>> -> memref<1x512xi32, #tpu.memory_space<vmem>>
        %dma_start3A_446 = tpu.memref_squeeze %dma_start3A_445 : memref<1x512xi32, #tpu.memory_space<vmem>> -> memref<512xi32, #tpu.memory_space<vmem>>
        %dma_start3A_447 = tpu.memref_slice %arg2[%add3A_438] : memref<819200xi32, #tpu.memory_space<hbm>> -> memref<512xi32, #tpu.memory_space<hbm>>
        tpu.enqueue_dma source(%dma_start3A_447 : memref<512xi32, #tpu.memory_space<hbm>>) target(%dma_start3A_446 : memref<512xi32, #tpu.memory_space<vmem>>) target_semaphore(%arg14 : memref<!tpu.dma_semaphore, #tpu.memory_space<semaphore_mem>>)
      } else {
      }
      %sub3A_233 = arith.constant 1 : i32
      %sub3A_234 = arith.subi %sub3A_233, %select_n3A_177 : i32
      %mul3A_235 = arith.constant 512 : i32
      %mul3A_236 = arith.muli %sub3A_234, %mul3A_235 : i32
      %dma_wait3A_237 = arith.constant 1 : i32
      %dma_wait3A_238 = arith.constant 512 : i32
      %dma_wait3A_239 = arith.constant 0 : i32
      %dma_wait3A_240 = tpu.memref_slice %arg6[%dma_wait3A_238, %dma_wait3A_239] : memref<2560x16xf32, #tpu.memory_space<vmem>> -> memref<512x16xf32, #tpu.memory_space<vmem>>
      %dma_wait3A_241 = tpu.memref_slice %arg5[%dma_wait3A_237, %mul3A_236] : memref<5x1024xi32, #tpu.memory_space<vmem>> -> memref<1x512xi32, #tpu.memory_space<vmem>>
      %dma_wait3A_242 = tpu.memref_squeeze %dma_wait3A_241 : memref<1x512xi32, #tpu.memory_space<vmem>> -> memref<512xi32, #tpu.memory_space<vmem>>
      %dma_wait3A_243 = arith.constant 0 : i32
      %dma_wait3A_244 = arith.constant 0 : i32
      %dma_wait3A_245 = tpu.memref_slice %arg3[%dma_wait3A_243, %dma_wait3A_244] : memref<1015808x16xf32, #tpu.memory_space<hbm>> -> memref<1015808x16xf32, #tpu.memory_space<hbm>>
      tpu.wait_indirect_dma semaphore(%arg9 : memref<!tpu.dma_semaphore, #tpu.memory_space<semaphore_mem>>) src(%dma_wait3A_245 : memref<1015808x16xf32, #tpu.memory_space<hbm>>) dst(%dma_wait3A_240 : memref<512x16xf32, #tpu.memory_space<vmem>>)
      %gt3A_246 = arith.constant 0 : i32
      %gt3A_247 = arith.cmpi sgt, %scan3A_164, %gt3A_246 : i32
      %convert_element_type3A_248 = arith.extui %gt3A_247 : i1 to i32
      %cond3A_249 = arith.constant 0 : i32
      %cond3A_250 = arith.cmpi ne, %convert_element_type3A_248, %cond3A_249 : i32
      scf.if %cond3A_250 {
        %sub3A_434 = arith.constant 5 : i32
        %sub3A_435 = arith.subi %add3A_227, %sub3A_434 : i32
        %mul3A_436 = arith.constant 16384 : i32
        %mul3A_437 = arith.muli %sub3A_435, %mul3A_436 : i32
        %add3A_438 = arith.addi %mul3A_437, %mul3A_2 : i32
        %dma_wait3A_439 = arith.constant 1 : i32
        %dma_wait3A_440 = arith.constant 0 : i32
        %dma_wait3A_441 = arith.constant 0 : i32
        %dma_wait3A_442 = tpu.memref_slice %arg7[%dma_wait3A_439, %dma_wait3A_440, %dma_wait3A_441] : memref<5x10x512xf32, #tpu.memory_space<vmem>> -> memref<1x10x512xf32, #tpu.memory_space<vmem>>
        %dma_wait3A_443 = tpu.memref_squeeze %dma_wait3A_442 : memref<1x10x512xf32, #tpu.memory_space<vmem>> -> memref<10x512xf32, #tpu.memory_space<vmem>>
        %dma_wait3A_444 = arith.constant 0 : i32
        %dma_wait3A_445 = tpu.memref_slice %arg4[%dma_wait3A_444, %add3A_438] : memref<10x819200xf32, #tpu.memory_space<hbm>> -> memref<10x512xf32, #tpu.memory_space<hbm>>
        %dma_wait3A_446 = arith.constant 0 : i32
        %dma_wait3A_447 = tpu.memref_slice %arg4[%dma_wait3A_446, %add3A_438] : memref<10x819200xf32, #tpu.memory_space<hbm>> -> memref<10x512xf32, #tpu.memory_space<hbm>>
        %dma_wait3A_448 = arith.constant 0 : i32
        %dma_wait3A_449 = arith.constant 0 : i32
        %dma_wait3A_450 = tpu.memref_slice %arg7[%dma_wait3A_439, %dma_wait3A_448, %dma_wait3A_449] : memref<5x10x512xf32, #tpu.memory_space<vmem>> -> memref<1x10x512xf32, #tpu.memory_space<vmem>>
        %dma_wait3A_451 = tpu.memref_squeeze %dma_wait3A_450 : memref<1x10x512xf32, #tpu.memory_space<vmem>> -> memref<10x512xf32, #tpu.memory_space<vmem>>
        tpu.wait_dma2 semaphore(%arg19 : memref<!tpu.dma_semaphore, #tpu.memory_space<semaphore_mem>>) src(%dma_wait3A_451 : memref<10x512xf32, #tpu.memory_space<vmem>>) dst(%dma_wait3A_447 : memref<10x512xf32, #tpu.memory_space<hbm>>)
      } else {
      }
      %scan3A_251 = arith.constant 0 : i32
      %scan3A_252 = arith.constant 0 : i32
      %scan3A_253 = arith.constant 16 : i32
      %scan3A_254 = arith.addi %scan3A_252, %scan3A_253 : i32
      %scan3A_255 = arith.constant 1 : i32
      scf.for %scan3A_434 = %scan3A_252 to %scan3A_254 step %scan3A_255  : i32 {
        %mul3A_435 = arith.constant 32 : i32
        %mul3A_436 = arith.muli %scan3A_434, %mul3A_435 : i32
        %add3A_437 = arith.constant 512 : i32
        %add3A_438 = arith.addi %add3A_437, %mul3A_436 : i32
        %add3A_439 = arith.constant 0 : i32
        %add3A_440 = arith.addi %add3A_438, %add3A_439 : i32
        %add3A_441 = vector.broadcast %add3A_440 : i32 to vector<16xi32>
        %add3A_442 = arith.addi %add3A_441, %iota3A : vector<16xi32>
        %gather3A = tpu.vector_load_idx %arg6[%add3A_442, %broadcast_in_dim3A_3] : memref<2560x16xf32, #tpu.memory_space<vmem>>[vector<16xi32>, vector<16xi32>], vector<16xf32>,
        %mul3A_443 = arith.constant 32 : i32
        %mul3A_444 = arith.muli %scan3A_434, %mul3A_443 : i32
        %add3A_445 = arith.constant 0 : i32
        %add3A_446 = arith.addi %mul3A_444, %add3A_445 : i32
        %swap3A = arith.constant 1 : i32
        %swap3A_447 = arith.constant 0 : i32
        %swap3A_448 = arith.index_cast %swap3A : i32 to index
        %swap3A_449 = arith.index_cast %swap3A_447 : i32 to index
        %swap3A_450 = arith.index_cast %add3A_446 : i32 to index
        %swap3A_451 = tpu.vector_load %arg7[%swap3A_448, %swap3A_449, %swap3A_450] {strides = array<i32>} : memref<5x10x512xf32, #tpu.memory_space<vmem>>, vector<16xf32>,
        tpu.vector_store %arg7[%swap3A_448, %swap3A_449, %swap3A_450], %gather3A {strides = array<i32>} : memref<5x10x512xf32, #tpu.memory_space<vmem>>, vector<16xf32>,
        %gather3A_452 = tpu.vector_load_idx %arg6[%add3A_442, %broadcast_in_dim3A_5] : memref<2560x16xf32, #tpu.memory_space<vmem>>[vector<16xi32>, vector<16xi32>], vector<16xf32>,
        %mul3A_453 = arith.constant 32 : i32
        %mul3A_454 = arith.muli %scan3A_434, %mul3A_453 : i32
        %add3A_455 = arith.constant 0 : i32
        %add3A_456 = arith.addi %mul3A_454, %add3A_455 : i32
        %swap3A_457 = arith.constant 1 : i32
        %swap3A_458 = arith.constant 1 : i32
        %swap3A_459 = arith.index_cast %swap3A_457 : i32 to index
        %swap3A_460 = arith.index_cast %swap3A_458 : i32 to index
        %swap3A_461 = arith.index_cast %add3A_456 : i32 to index
        %swap3A_462 = tpu.vector_load %arg7[%swap3A_459, %swap3A_460, %swap3A_461] {strides = array<i32>} : memref<5x10x512xf32, #tpu.memory_space<vmem>>, vector<16xf32>,
        tpu.vector_store %arg7[%swap3A_459, %swap3A_460, %swap3A_461], %gather3A_452 {strides = array<i32>} : memref<5x10x512xf32, #tpu.memory_space<vmem>>, vector<16xf32>,
        %gather3A_463 = tpu.vector_load_idx %arg6[%add3A_442, %broadcast_in_dim3A_7] : memref<2560x16xf32, #tpu.memory_space<vmem>>[vector<16xi32>, vector<16xi32>], vector<16xf32>,
        %mul3A_464 = arith.constant 32 : i32
        %mul3A_465 = arith.muli %scan3A_434, %mul3A_464 : i32
        %add3A_466 = arith.constant 0 : i32
        %add3A_467 = arith.addi %mul3A_465, %add3A_466 : i32
        %swap3A_468 = arith.constant 1 : i32
        %swap3A_469 = arith.constant 2 : i32
        %swap3A_470 = arith.index_cast %swap3A_468 : i32 to index
        %swap3A_471 = arith.index_cast %swap3A_469 : i32 to index
        %swap3A_472 = arith.index_cast %add3A_467 : i32 to index
        %swap3A_473 = tpu.vector_load %arg7[%swap3A_470, %swap3A_471, %swap3A_472] {strides = array<i32>} : memref<5x10x512xf32, #tpu.memory_space<vmem>>, vector<16xf32>,
        tpu.vector_store %arg7[%swap3A_470, %swap3A_471, %swap3A_472], %gather3A_463 {strides = array<i32>} : memref<5x10x512xf32, #tpu.memory_space<vmem>>, vector<16xf32>,
        %gather3A_474 = tpu.vector_load_idx %arg6[%add3A_442, %broadcast_in_dim3A_9] : memref<2560x16xf32, #tpu.memory_space<vmem>>[vector<16xi32>, vector<16xi32>], vector<16xf32>,
        %mul3A_475 = arith.constant 32 : i32
        %mul3A_476 = arith.muli %scan3A_434, %mul3A_475 : i32
        %add3A_477 = arith.constant 0 : i32
        %add3A_478 = arith.addi %mul3A_476, %add3A_477 : i32
        %swap3A_479 = arith.constant 1 : i32
        %swap3A_480 = arith.constant 3 : i32
        %swap3A_481 = arith.index_cast %swap3A_479 : i32 to index
        %swap3A_482 = arith.index_cast %swap3A_480 : i32 to index
        %swap3A_483 = arith.index_cast %add3A_478 : i32 to index
        %swap3A_484 = tpu.vector_load %arg7[%swap3A_481, %swap3A_482, %swap3A_483] {strides = array<i32>} : memref<5x10x512xf32, #tpu.memory_space<vmem>>, vector<16xf32>,
        tpu.vector_store %arg7[%swap3A_481, %swap3A_482, %swap3A_483], %gather3A_474 {strides = array<i32>} : memref<5x10x512xf32, #tpu.memory_space<vmem>>, vector<16xf32>,
        %gather3A_485 = tpu.vector_load_idx %arg6[%add3A_442, %broadcast_in_dim3A_11] : memref<2560x16xf32, #tpu.memory_space<vmem>>[vector<16xi32>, vector<16xi32>], vector<16xf32>,
        %mul3A_486 = arith.constant 32 : i32
        %mul3A_487 = arith.muli %scan3A_434, %mul3A_486 : i32
        %add3A_488 = arith.constant 0 : i32
        %add3A_489 = arith.addi %mul3A_487, %add3A_488 : i32
        %swap3A_490 = arith.constant 1 : i32
        %swap3A_491 = arith.constant 4 : i32
        %swap3A_492 = arith.index_cast %swap3A_490 : i32 to index
        %swap3A_493 = arith.index_cast %swap3A_491 : i32 to index
        %swap3A_494 = arith.index_cast %add3A_489 : i32 to index
        %swap3A_495 = tpu.vector_load %arg7[%swap3A_492, %swap3A_493, %swap3A_494] {strides = array<i32>} : memref<5x10x512xf32, #tpu.memory_space<vmem>>, vector<16xf32>,
        tpu.vector_store %arg7[%swap3A_492, %swap3A_493, %swap3A_494], %gather3A_485 {strides = array<i32>} : memref<5x10x512xf32, #tpu.memory_space<vmem>>, vector<16xf32>,
        %gather3A_496 = tpu.vector_load_idx %arg6[%add3A_442, %broadcast_in_dim3A_13] : memref<2560x16xf32, #tpu.memory_space<vmem>>[vector<16xi32>, vector<16xi32>], vector<16xf32>,
        %mul3A_497 = arith.constant 32 : i32
        %mul3A_498 = arith.muli %scan3A_434, %mul3A_497 : i32
        %add3A_499 = arith.constant 0 : i32
        %add3A_500 = arith.addi %mul3A_498, %add3A_499 : i32
        %swap3A_501 = arith.constant 1 : i32
        %swap3A_502 = arith.constant 5 : i32
        %swap3A_503 = arith.index_cast %swap3A_501 : i32 to index
        %swap3A_504 = arith.index_cast %swap3A_502 : i32 to index
        %swap3A_505 = arith.index_cast %add3A_500 : i32 to index
        %swap3A_506 = tpu.vector_load %arg7[%swap3A_503, %swap3A_504, %swap3A_505] {strides = array<i32>} : memref<5x10x512xf32, #tpu.memory_space<vmem>>, vector<16xf32>,
        tpu.vector_store %arg7[%swap3A_503, %swap3A_504, %swap3A_505], %gather3A_496 {strides = array<i32>} : memref<5x10x512xf32, #tpu.memory_space<vmem>>, vector<16xf32>,
        %gather3A_507 = tpu.vector_load_idx %arg6[%add3A_442, %broadcast_in_dim3A_15] : memref<2560x16xf32, #tpu.memory_space<vmem>>[vector<16xi32>, vector<16xi32>], vector<16xf32>,
        %mul3A_508 = arith.constant 32 : i32
        %mul3A_509 = arith.muli %scan3A_434, %mul3A_508 : i32
        %add3A_510 = arith.constant 0 : i32
        %add3A_511 = arith.addi %mul3A_509, %add3A_510 : i32
        %swap3A_512 = arith.constant 1 : i32
        %swap3A_513 = arith.constant 6 : i32
        %swap3A_514 = arith.index_cast %swap3A_512 : i32 to index
        %swap3A_515 = arith.index_cast %swap3A_513 : i32 to index
        %swap3A_516 = arith.index_cast %add3A_511 : i32 to index
        %swap3A_517 = tpu.vector_load %arg7[%swap3A_514, %swap3A_515, %swap3A_516] {strides = array<i32>} : memref<5x10x512xf32, #tpu.memory_space<vmem>>, vector<16xf32>,
        tpu.vector_store %arg7[%swap3A_514, %swap3A_515, %swap3A_516], %gather3A_507 {strides = array<i32>} : memref<5x10x512xf32, #tpu.memory_space<vmem>>, vector<16xf32>,
        %gather3A_518 = tpu.vector_load_idx %arg6[%add3A_442, %broadcast_in_dim3A_17] : memref<2560x16xf32, #tpu.memory_space<vmem>>[vector<16xi32>, vector<16xi32>], vector<16xf32>,
        %mul3A_519 = arith.constant 32 : i32
        %mul3A_520 = arith.muli %scan3A_434, %mul3A_519 : i32
        %add3A_521 = arith.constant 0 : i32
        %add3A_522 = arith.addi %mul3A_520, %add3A_521 : i32
        %swap3A_523 = arith.constant 1 : i32
        %swap3A_524 = arith.constant 7 : i32
        %swap3A_525 = arith.index_cast %swap3A_523 : i32 to index
        %swap3A_526 = arith.index_cast %swap3A_524 : i32 to index
        %swap3A_527 = arith.index_cast %add3A_522 : i32 to index
        %swap3A_528 = tpu.vector_load %arg7[%swap3A_525, %swap3A_526, %swap3A_527] {strides = array<i32>} : memref<5x10x512xf32, #tpu.memory_space<vmem>>, vector<16xf32>,
        tpu.vector_store %arg7[%swap3A_525, %swap3A_526, %swap3A_527], %gather3A_518 {strides = array<i32>} : memref<5x10x512xf32, #tpu.memory_space<vmem>>, vector<16xf32>,
        %gather3A_529 = tpu.vector_load_idx %arg6[%add3A_442, %broadcast_in_dim3A_19] : memref<2560x16xf32, #tpu.memory_space<vmem>>[vector<16xi32>, vector<16xi32>], vector<16xf32>,
        %mul3A_530 = arith.constant 32 : i32
        %mul3A_531 = arith.muli %scan3A_434, %mul3A_530 : i32
        %add3A_532 = arith.constant 0 : i32
        %add3A_533 = arith.addi %mul3A_531, %add3A_532 : i32
        %swap3A_534 = arith.constant 1 : i32
        %swap3A_535 = arith.constant 8 : i32
        %swap3A_536 = arith.index_cast %swap3A_534 : i32 to index
        %swap3A_537 = arith.index_cast %swap3A_535 : i32 to index
        %swap3A_538 = arith.index_cast %add3A_533 : i32 to index
        %swap3A_539 = tpu.vector_load %arg7[%swap3A_536, %swap3A_537, %swap3A_538] {strides = array<i32>} : memref<5x10x512xf32, #tpu.memory_space<vmem>>, vector<16xf32>,
        tpu.vector_store %arg7[%swap3A_536, %swap3A_537, %swap3A_538], %gather3A_529 {strides = array<i32>} : memref<5x10x512xf32, #tpu.memory_space<vmem>>, vector<16xf32>,
        %gather3A_540 = tpu.vector_load_idx %arg6[%add3A_442, %broadcast_in_dim3A_21] : memref<2560x16xf32, #tpu.memory_space<vmem>>[vector<16xi32>, vector<16xi32>], vector<16xf32>,
        %mul3A_541 = arith.constant 32 : i32
        %mul3A_542 = arith.muli %scan3A_434, %mul3A_541 : i32
        %add3A_543 = arith.constant 0 : i32
        %add3A_544 = arith.addi %mul3A_542, %add3A_543 : i32
        %swap3A_545 = arith.constant 1 : i32
        %swap3A_546 = arith.constant 9 : i32
        %swap3A_547 = arith.index_cast %swap3A_545 : i32 to index
        %swap3A_548 = arith.index_cast %swap3A_546 : i32 to index
        %swap3A_549 = arith.index_cast %add3A_544 : i32 to index
        %swap3A_550 = tpu.vector_load %arg7[%swap3A_547, %swap3A_548, %swap3A_549] {strides = array<i32>} : memref<5x10x512xf32, #tpu.memory_space<vmem>>, vector<16xf32>,
        tpu.vector_store %arg7[%swap3A_547, %swap3A_548, %swap3A_549], %gather3A_540 {strides = array<i32>} : memref<5x10x512xf32, #tpu.memory_space<vmem>>, vector<16xf32>,
        %mul3A_551 = arith.constant 32 : i32
        %mul3A_552 = arith.muli %scan3A_434, %mul3A_551 : i32
        %add3A_553 = arith.constant 512 : i32
        %add3A_554 = arith.addi %add3A_553, %mul3A_552 : i32
        %add3A_555 = arith.constant 16 : i32
        %add3A_556 = arith.addi %add3A_554, %add3A_555 : i32
        %add3A_557 = vector.broadcast %add3A_556 : i32 to vector<16xi32>
        %add3A_558 = arith.addi %add3A_557, %iota3A : vector<16xi32>
        %gather3A_559 = tpu.vector_load_idx %arg6[%add3A_558, %broadcast_in_dim3A_3] : memref<2560x16xf32, #tpu.memory_space<vmem>>[vector<16xi32>, vector<16xi32>], vector<16xf32>,
        %mul3A_560 = arith.constant 32 : i32
        %mul3A_561 = arith.muli %scan3A_434, %mul3A_560 : i32
        %add3A_562 = arith.constant 16 : i32
        %add3A_563 = arith.addi %mul3A_561, %add3A_562 : i32
        %swap3A_564 = arith.constant 1 : i32
        %swap3A_565 = arith.constant 0 : i32
        %swap3A_566 = arith.index_cast %swap3A_564 : i32 to index
        %swap3A_567 = arith.index_cast %swap3A_565 : i32 to index
        %swap3A_568 = arith.index_cast %add3A_563 : i32 to index
        %swap3A_569 = tpu.vector_load %arg7[%swap3A_566, %swap3A_567, %swap3A_568] {strides = array<i32>} : memref<5x10x512xf32, #tpu.memory_space<vmem>>, vector<16xf32>,
        tpu.vector_store %arg7[%swap3A_566, %swap3A_567, %swap3A_568], %gather3A_559 {strides = array<i32>} : memref<5x10x512xf32, #tpu.memory_space<vmem>>, vector<16xf32>,
        %gather3A_570 = tpu.vector_load_idx %arg6[%add3A_558, %broadcast_in_dim3A_5] : memref<2560x16xf32, #tpu.memory_space<vmem>>[vector<16xi32>, vector<16xi32>], vector<16xf32>,
        %mul3A_571 = arith.constant 32 : i32
        %mul3A_572 = arith.muli %scan3A_434, %mul3A_571 : i32
        %add3A_573 = arith.constant 16 : i32
        %add3A_574 = arith.addi %mul3A_572, %add3A_573 : i32
        %swap3A_575 = arith.constant 1 : i32
        %swap3A_576 = arith.constant 1 : i32
        %swap3A_577 = arith.index_cast %swap3A_575 : i32 to index
        %swap3A_578 = arith.index_cast %swap3A_576 : i32 to index
        %swap3A_579 = arith.index_cast %add3A_574 : i32 to index
        %swap3A_580 = tpu.vector_load %arg7[%swap3A_577, %swap3A_578, %swap3A_579] {strides = array<i32>} : memref<5x10x512xf32, #tpu.memory_space<vmem>>, vector<16xf32>,
        tpu.vector_store %arg7[%swap3A_577, %swap3A_578, %swap3A_579], %gather3A_570 {strides = array<i32>} : memref<5x10x512xf32, #tpu.memory_space<vmem>>, vector<16xf32>,
        %gather3A_581 = tpu.vector_load_idx %arg6[%add3A_558, %broadcast_in_dim3A_7] : memref<2560x16xf32, #tpu.memory_space<vmem>>[vector<16xi32>, vector<16xi32>], vector<16xf32>,
        %mul3A_582 = arith.constant 32 : i32
        %mul3A_583 = arith.muli %scan3A_434, %mul3A_582 : i32
        %add3A_584 = arith.constant 16 : i32
        %add3A_585 = arith.addi %mul3A_583, %add3A_584 : i32
        %swap3A_586 = arith.constant 1 : i32
        %swap3A_587 = arith.constant 2 : i32
        %swap3A_588 = arith.index_cast %swap3A_586 : i32 to index
        %swap3A_589 = arith.index_cast %swap3A_587 : i32 to index
        %swap3A_590 = arith.index_cast %add3A_585 : i32 to index
        %swap3A_591 = tpu.vector_load %arg7[%swap3A_588, %swap3A_589, %swap3A_590] {strides = array<i32>} : memref<5x10x512xf32, #tpu.memory_space<vmem>>, vector<16xf32>,
        tpu.vector_store %arg7[%swap3A_588, %swap3A_589, %swap3A_590], %gather3A_581 {strides = array<i32>} : memref<5x10x512xf32, #tpu.memory_space<vmem>>, vector<16xf32>,
        %gather3A_592 = tpu.vector_load_idx %arg6[%add3A_558, %broadcast_in_dim3A_9] : memref<2560x16xf32, #tpu.memory_space<vmem>>[vector<16xi32>, vector<16xi32>], vector<16xf32>,
        %mul3A_593 = arith.constant 32 : i32
        %mul3A_594 = arith.muli %scan3A_434, %mul3A_593 : i32
        %add3A_595 = arith.constant 16 : i32
        %add3A_596 = arith.addi %mul3A_594, %add3A_595 : i32
        %swap3A_597 = arith.constant 1 : i32
        %swap3A_598 = arith.constant 3 : i32
        %swap3A_599 = arith.index_cast %swap3A_597 : i32 to index
        %swap3A_600 = arith.index_cast %swap3A_598 : i32 to index
        %swap3A_601 = arith.index_cast %add3A_596 : i32 to index
        %swap3A_602 = tpu.vector_load %arg7[%swap3A_599, %swap3A_600, %swap3A_601] {strides = array<i32>} : memref<5x10x512xf32, #tpu.memory_space<vmem>>, vector<16xf32>,
        tpu.vector_store %arg7[%swap3A_599, %swap3A_600, %swap3A_601], %gather3A_592 {strides = array<i32>} : memref<5x10x512xf32, #tpu.memory_space<vmem>>, vector<16xf32>,
        %gather3A_603 = tpu.vector_load_idx %arg6[%add3A_558, %broadcast_in_dim3A_11] : memref<2560x16xf32, #tpu.memory_space<vmem>>[vector<16xi32>, vector<16xi32>], vector<16xf32>,
        %mul3A_604 = arith.constant 32 : i32
        %mul3A_605 = arith.muli %scan3A_434, %mul3A_604 : i32
        %add3A_606 = arith.constant 16 : i32
        %add3A_607 = arith.addi %mul3A_605, %add3A_606 : i32
        %swap3A_608 = arith.constant 1 : i32
        %swap3A_609 = arith.constant 4 : i32
        %swap3A_610 = arith.index_cast %swap3A_608 : i32 to index
        %swap3A_611 = arith.index_cast %swap3A_609 : i32 to index
        %swap3A_612 = arith.index_cast %add3A_607 : i32 to index
        %swap3A_613 = tpu.vector_load %arg7[%swap3A_610, %swap3A_611, %swap3A_612] {strides = array<i32>} : memref<5x10x512xf32, #tpu.memory_space<vmem>>, vector<16xf32>,
        tpu.vector_store %arg7[%swap3A_610, %swap3A_611, %swap3A_612], %gather3A_603 {strides = array<i32>} : memref<5x10x512xf32, #tpu.memory_space<vmem>>, vector<16xf32>,
        %gather3A_614 = tpu.vector_load_idx %arg6[%add3A_558, %broadcast_in_dim3A_13] : memref<2560x16xf32, #tpu.memory_space<vmem>>[vector<16xi32>, vector<16xi32>], vector<16xf32>,
        %mul3A_615 = arith.constant 32 : i32
        %mul3A_616 = arith.muli %scan3A_434, %mul3A_615 : i32
        %add3A_617 = arith.constant 16 : i32
        %add3A_618 = arith.addi %mul3A_616, %add3A_617 : i32
        %swap3A_619 = arith.constant 1 : i32
        %swap3A_620 = arith.constant 5 : i32
        %swap3A_621 = arith.index_cast %swap3A_619 : i32 to index
        %swap3A_622 = arith.index_cast %swap3A_620 : i32 to index
        %swap3A_623 = arith.index_cast %add3A_618 : i32 to index
        %swap3A_624 = tpu.vector_load %arg7[%swap3A_621, %swap3A_622, %swap3A_623] {strides = array<i32>} : memref<5x10x512xf32, #tpu.memory_space<vmem>>, vector<16xf32>,
        tpu.vector_store %arg7[%swap3A_621, %swap3A_622, %swap3A_623], %gather3A_614 {strides = array<i32>} : memref<5x10x512xf32, #tpu.memory_space<vmem>>, vector<16xf32>,
        %gather3A_625 = tpu.vector_load_idx %arg6[%add3A_558, %broadcast_in_dim3A_15] : memref<2560x16xf32, #tpu.memory_space<vmem>>[vector<16xi32>, vector<16xi32>], vector<16xf32>,
        %mul3A_626 = arith.constant 32 : i32
        %mul3A_627 = arith.muli %scan3A_434, %mul3A_626 : i32
        %add3A_628 = arith.constant 16 : i32
        %add3A_629 = arith.addi %mul3A_627, %add3A_628 : i32
        %swap3A_630 = arith.constant 1 : i32
        %swap3A_631 = arith.constant 6 : i32
        %swap3A_632 = arith.index_cast %swap3A_630 : i32 to index
        %swap3A_633 = arith.index_cast %swap3A_631 : i32 to index
        %swap3A_634 = arith.index_cast %add3A_629 : i32 to index
        %swap3A_635 = tpu.vector_load %arg7[%swap3A_632, %swap3A_633, %swap3A_634] {strides = array<i32>} : memref<5x10x512xf32, #tpu.memory_space<vmem>>, vector<16xf32>,
        tpu.vector_store %arg7[%swap3A_632, %swap3A_633, %swap3A_634], %gather3A_625 {strides = array<i32>} : memref<5x10x512xf32, #tpu.memory_space<vmem>>, vector<16xf32>,
        %gather3A_636 = tpu.vector_load_idx %arg6[%add3A_558, %broadcast_in_dim3A_17] : memref<2560x16xf32, #tpu.memory_space<vmem>>[vector<16xi32>, vector<16xi32>], vector<16xf32>,
        %mul3A_637 = arith.constant 32 : i32
        %mul3A_638 = arith.muli %scan3A_434, %mul3A_637 : i32
        %add3A_639 = arith.constant 16 : i32
        %add3A_640 = arith.addi %mul3A_638, %add3A_639 : i32
        %swap3A_641 = arith.constant 1 : i32
        %swap3A_642 = arith.constant 7 : i32
        %swap3A_643 = arith.index_cast %swap3A_641 : i32 to index
        %swap3A_644 = arith.index_cast %swap3A_642 : i32 to index
        %swap3A_645 = arith.index_cast %add3A_640 : i32 to index
        %swap3A_646 = tpu.vector_load %arg7[%swap3A_643, %swap3A_644, %swap3A_645] {strides = array<i32>} : memref<5x10x512xf32, #tpu.memory_space<vmem>>, vector<16xf32>,
        tpu.vector_store %arg7[%swap3A_643, %swap3A_644, %swap3A_645], %gather3A_636 {strides = array<i32>} : memref<5x10x512xf32, #tpu.memory_space<vmem>>, vector<16xf32>,
        %gather3A_647 = tpu.vector_load_idx %arg6[%add3A_558, %broadcast_in_dim3A_19] : memref<2560x16xf32, #tpu.memory_space<vmem>>[vector<16xi32>, vector<16xi32>], vector<16xf32>,
        %mul3A_648 = arith.constant 32 : i32
        %mul3A_649 = arith.muli %scan3A_434, %mul3A_648 : i32
        %add3A_650 = arith.constant 16 : i32
        %add3A_651 = arith.addi %mul3A_649, %add3A_650 : i32
        %swap3A_652 = arith.constant 1 : i32
        %swap3A_653 = arith.constant 8 : i32
        %swap3A_654 = arith.index_cast %swap3A_652 : i32 to index
        %swap3A_655 = arith.index_cast %swap3A_653 : i32 to index
        %swap3A_656 = arith.index_cast %add3A_651 : i32 to index
        %swap3A_657 = tpu.vector_load %arg7[%swap3A_654, %swap3A_655, %swap3A_656] {strides = array<i32>} : memref<5x10x512xf32, #tpu.memory_space<vmem>>, vector<16xf32>,
        tpu.vector_store %arg7[%swap3A_654, %swap3A_655, %swap3A_656], %gather3A_647 {strides = array<i32>} : memref<5x10x512xf32, #tpu.memory_space<vmem>>, vector<16xf32>,
        %gather3A_658 = tpu.vector_load_idx %arg6[%add3A_558, %broadcast_in_dim3A_21] : memref<2560x16xf32, #tpu.memory_space<vmem>>[vector<16xi32>, vector<16xi32>], vector<16xf32>,
        %mul3A_659 = arith.constant 32 : i32
        %mul3A_660 = arith.muli %scan3A_434, %mul3A_659 : i32
        %add3A_661 = arith.constant 16 : i32
        %add3A_662 = arith.addi %mul3A_660, %add3A_661 : i32
        %swap3A_663 = arith.constant 1 : i32
        %swap3A_664 = arith.constant 9 : i32
        %swap3A_665 = arith.index_cast %swap3A_663 : i32 to index
        %swap3A_666 = arith.index_cast %swap3A_664 : i32 to index
        %swap3A_667 = arith.index_cast %add3A_662 : i32 to index
        %swap3A_668 = tpu.vector_load %arg7[%swap3A_665, %swap3A_666, %swap3A_667] {strides = array<i32>} : memref<5x10x512xf32, #tpu.memory_space<vmem>>, vector<16xf32>,
        tpu.vector_store %arg7[%swap3A_665, %swap3A_666, %swap3A_667], %gather3A_658 {strides = array<i32>} : memref<5x10x512xf32, #tpu.memory_space<vmem>>, vector<16xf32>,
      }
      %scan3A_256 = arith.constant 16 : i32
      %mul3A_257 = arith.constant 16384 : i32
      %mul3A_258 = arith.muli %add3A_227, %mul3A_257 : i32
      %add3A_259 = arith.addi %mul3A_258, %mul3A_2 : i32
      %dma_start3A_260 = arith.constant 1 : i32
      %dma_start3A_261 = arith.constant 0 : i32
      %dma_start3A_262 = arith.constant 0 : i32
      %dma_start3A_263 = tpu.memref_slice %arg7[%dma_start3A_260, %dma_start3A_261, %dma_start3A_262] : memref<5x10x512xf32, #tpu.memory_space<vmem>> -> memref<1x10x512xf32, #tpu.memory_space<vmem>>
      %dma_start3A_264 = tpu.memref_squeeze %dma_start3A_263 : memref<1x10x512xf32, #tpu.memory_space<vmem>> -> memref<10x512xf32, #tpu.memory_space<vmem>>
      %dma_start3A_265 = arith.constant 0 : i32
      %dma_start3A_266 = tpu.memref_slice %arg4[%dma_start3A_265, %add3A_259] : memref<10x819200xf32, #tpu.memory_space<hbm>> -> memref<10x512xf32, #tpu.memory_space<hbm>>
      %dma_start3A_267 = arith.constant 0 : i32
      %dma_start3A_268 = tpu.memref_slice %arg4[%dma_start3A_267, %add3A_259] : memref<10x819200xf32, #tpu.memory_space<hbm>> -> memref<10x512xf32, #tpu.memory_space<hbm>>
      %dma_start3A_269 = arith.constant 0 : i32
      %dma_start3A_270 = arith.constant 0 : i32
      %dma_start3A_271 = tpu.memref_slice %arg7[%dma_start3A_260, %dma_start3A_269, %dma_start3A_270] : memref<5x10x512xf32, #tpu.memory_space<vmem>> -> memref<1x10x512xf32, #tpu.memory_space<vmem>>
      %dma_start3A_272 = tpu.memref_squeeze %dma_start3A_271 : memref<1x10x512xf32, #tpu.memory_space<vmem>> -> memref<10x512xf32, #tpu.memory_space<vmem>>
      tpu.enqueue_dma source(%dma_start3A_272 : memref<10x512xf32, #tpu.memory_space<vmem>>) target(%dma_start3A_268 : memref<10x512xf32, #tpu.memory_space<hbm>>) target_semaphore(%arg19 : memref<!tpu.dma_semaphore, #tpu.memory_space<semaphore_mem>>)
      %lt3A_273 = arith.constant 9 : i32
      %lt3A_274 = arith.cmpi slt, %scan3A_164, %lt3A_273 : i32
      %convert_element_type3A_275 = arith.extui %lt3A_274 : i1 to i32
      %cond3A_276 = arith.constant 0 : i32
      %cond3A_277 = arith.cmpi ne, %convert_element_type3A_275, %cond3A_276 : i32
      scf.if %cond3A_277 {
        %add3A_434 = arith.constant 5 : i32
        %add3A_435 = arith.addi %add3A_227, %add3A_434 : i32
        %mul3A_436 = arith.constant 16384 : i32
        %mul3A_437 = arith.muli %add3A_435, %mul3A_436 : i32
        %add3A_438 = arith.addi %mul3A_437, %mul3A_2 : i32
        %mul3A_439 = arith.constant 512 : i32
        %mul3A_440 = arith.muli %select_n3A_177, %mul3A_439 : i32
        %dma_wait3A_441 = arith.constant 1 : i32
        %dma_wait3A_442 = tpu.memref_slice %arg5[%dma_wait3A_441, %mul3A_440] : memref<5x1024xi32, #tpu.memory_space<vmem>> -> memref<1x512xi32, #tpu.memory_space<vmem>>
        %dma_wait3A_443 = tpu.memref_squeeze %dma_wait3A_442 : memref<1x512xi32, #tpu.memory_space<vmem>> -> memref<512xi32, #tpu.memory_space<vmem>>
        %dma_wait3A_444 = tpu.memref_slice %arg2[%add3A_438] : memref<819200xi32, #tpu.memory_space<hbm>> -> memref<512xi32, #tpu.memory_space<hbm>>
        %dma_wait3A_445 = tpu.memref_slice %arg5[%dma_wait3A_441, %mul3A_440] : memref<5x1024xi32, #tpu.memory_space<vmem>> -> memref<1x512xi32, #tpu.memory_space<vmem>>
        %dma_wait3A_446 = tpu.memref_squeeze %dma_wait3A_445 : memref<1x512xi32, #tpu.memory_space<vmem>> -> memref<512xi32, #tpu.memory_space<vmem>>
        %dma_wait3A_447 = tpu.memref_slice %arg2[%add3A_438] : memref<819200xi32, #tpu.memory_space<hbm>> -> memref<512xi32, #tpu.memory_space<hbm>>
        tpu.wait_dma2 semaphore(%arg14 : memref<!tpu.dma_semaphore, #tpu.memory_space<semaphore_mem>>) src(%dma_wait3A_447 : memref<512xi32, #tpu.memory_space<hbm>>) dst(%dma_wait3A_446 : memref<512xi32, #tpu.memory_space<vmem>>)
        %mul3A_448 = arith.constant 512 : i32
        %mul3A_449 = arith.muli %select_n3A_177, %mul3A_448 : i32
        %dma_start3A_450 = arith.constant 1 : i32
        %dma_start3A_451 = arith.constant 512 : i32
        %dma_start3A_452 = arith.constant 0 : i32
        %dma_start3A_453 = tpu.memref_slice %arg6[%dma_start3A_451, %dma_start3A_452] : memref<2560x16xf32, #tpu.memory_space<vmem>> -> memref<512x16xf32, #tpu.memory_space<vmem>>
        %dma_start3A_454 = tpu.memref_slice %arg5[%dma_start3A_450, %mul3A_449] : memref<5x1024xi32, #tpu.memory_space<vmem>> -> memref<1x512xi32, #tpu.memory_space<vmem>>
        %dma_start3A_455 = tpu.memref_squeeze %dma_start3A_454 : memref<1x512xi32, #tpu.memory_space<vmem>> -> memref<512xi32, #tpu.memory_space<vmem>>
        %dma_start3A_456 = arith.constant 0 : i32
        %dma_start3A_457 = arith.constant 0 : i32
        %dma_start3A_458 = tpu.memref_slice %arg3[%dma_start3A_456, %dma_start3A_457] : memref<1015808x16xf32, #tpu.memory_space<hbm>> -> memref<1015808x16xf32, #tpu.memory_space<hbm>>
        tpu.enqueue_indirect_dma source(%dma_start3A_458 : memref<1015808x16xf32, #tpu.memory_space<hbm>>) target(%dma_start3A_453 : memref<512x16xf32, #tpu.memory_space<vmem>>) offsets(%dma_start3A_455 : memref<512xi32, #tpu.memory_space<vmem>>) semaphore(%arg9 : memref<!tpu.dma_semaphore, #tpu.memory_space<semaphore_mem>>)
      } else {
      }
      %add3A_278 = arith.constant 2 : i32
      %add3A_279 = arith.addi %mul3A_166, %add3A_278 : i32
      %lt3A_280 = arith.constant 9 : i32
      %lt3A_281 = arith.cmpi slt, %scan3A_164, %lt3A_280 : i32
      %convert_element_type3A_282 = arith.extui %lt3A_281 : i1 to i32
      %cond3A_283 = arith.constant 0 : i32
      %cond3A_284 = arith.cmpi ne, %convert_element_type3A_282, %cond3A_283 : i32
      scf.if %cond3A_284 {
        %add3A_434 = arith.constant 5 : i32
        %add3A_435 = arith.addi %add3A_279, %add3A_434 : i32
        %mul3A_436 = arith.constant 16384 : i32
        %mul3A_437 = arith.muli %add3A_435, %mul3A_436 : i32
        %add3A_438 = arith.addi %mul3A_437, %mul3A_2 : i32
        %mul3A_439 = arith.constant 512 : i32
        %mul3A_440 = arith.muli %select_n3A_177, %mul3A_439 : i32
        %dma_start3A_441 = arith.constant 2 : i32
        %dma_start3A_442 = tpu.memref_slice %arg5[%dma_start3A_441, %mul3A_440] : memref<5x1024xi32, #tpu.memory_space<vmem>> -> memref<1x512xi32, #tpu.memory_space<vmem>>
        %dma_start3A_443 = tpu.memref_squeeze %dma_start3A_442 : memref<1x512xi32, #tpu.memory_space<vmem>> -> memref<512xi32, #tpu.memory_space<vmem>>
        %dma_start3A_444 = tpu.memref_slice %arg2[%add3A_438] : memref<819200xi32, #tpu.memory_space<hbm>> -> memref<512xi32, #tpu.memory_space<hbm>>
        %dma_start3A_445 = tpu.memref_slice %arg5[%dma_start3A_441, %mul3A_440] : memref<5x1024xi32, #tpu.memory_space<vmem>> -> memref<1x512xi32, #tpu.memory_space<vmem>>
        %dma_start3A_446 = tpu.memref_squeeze %dma_start3A_445 : memref<1x512xi32, #tpu.memory_space<vmem>> -> memref<512xi32, #tpu.memory_space<vmem>>
        %dma_start3A_447 = tpu.memref_slice %arg2[%add3A_438] : memref<819200xi32, #tpu.memory_space<hbm>> -> memref<512xi32, #tpu.memory_space<hbm>>
        tpu.enqueue_dma source(%dma_start3A_447 : memref<512xi32, #tpu.memory_space<hbm>>) target(%dma_start3A_446 : memref<512xi32, #tpu.memory_space<vmem>>) target_semaphore(%arg15 : memref<!tpu.dma_semaphore, #tpu.memory_space<semaphore_mem>>)
      } else {
      }
      %sub3A_285 = arith.constant 1 : i32
      %sub3A_286 = arith.subi %sub3A_285, %select_n3A_177 : i32
      %mul3A_287 = arith.constant 512 : i32
      %mul3A_288 = arith.muli %sub3A_286, %mul3A_287 : i32
      %dma_wait3A_289 = arith.constant 2 : i32
      %dma_wait3A_290 = arith.constant 1024 : i32
      %dma_wait3A_291 = arith.constant 0 : i32
      %dma_wait3A_292 = tpu.memref_slice %arg6[%dma_wait3A_290, %dma_wait3A_291] : memref<2560x16xf32, #tpu.memory_space<vmem>> -> memref<512x16xf32, #tpu.memory_space<vmem>>
      %dma_wait3A_293 = tpu.memref_slice %arg5[%dma_wait3A_289, %mul3A_288] : memref<5x1024xi32, #tpu.memory_space<vmem>> -> memref<1x512xi32, #tpu.memory_space<vmem>>
      %dma_wait3A_294 = tpu.memref_squeeze %dma_wait3A_293 : memref<1x512xi32, #tpu.memory_space<vmem>> -> memref<512xi32, #tpu.memory_space<vmem>>
      %dma_wait3A_295 = arith.constant 0 : i32
      %dma_wait3A_296 = arith.constant 0 : i32
      %dma_wait3A_297 = tpu.memref_slice %arg3[%dma_wait3A_295, %dma_wait3A_296] : memref<1015808x16xf32, #tpu.memory_space<hbm>> -> memref<1015808x16xf32, #tpu.memory_space<hbm>>
      tpu.wait_indirect_dma semaphore(%arg10 : memref<!tpu.dma_semaphore, #tpu.memory_space<semaphore_mem>>) src(%dma_wait3A_297 : memref<1015808x16xf32, #tpu.memory_space<hbm>>) dst(%dma_wait3A_292 : memref<512x16xf32, #tpu.memory_space<vmem>>)
      %gt3A_298 = arith.constant 0 : i32
      %gt3A_299 = arith.cmpi sgt, %scan3A_164, %gt3A_298 : i32
      %convert_element_type3A_300 = arith.extui %gt3A_299 : i1 to i32
      %cond3A_301 = arith.constant 0 : i32
      %cond3A_302 = arith.cmpi ne, %convert_element_type3A_300, %cond3A_301 : i32
      scf.if %cond3A_302 {
        %sub3A_434 = arith.constant 5 : i32
        %sub3A_435 = arith.subi %add3A_279, %sub3A_434 : i32
        %mul3A_436 = arith.constant 16384 : i32
        %mul3A_437 = arith.muli %sub3A_435, %mul3A_436 : i32
        %add3A_438 = arith.addi %mul3A_437, %mul3A_2 : i32
        %dma_wait3A_439 = arith.constant 2 : i32
        %dma_wait3A_440 = arith.constant 0 : i32
        %dma_wait3A_441 = arith.constant 0 : i32
        %dma_wait3A_442 = tpu.memref_slice %arg7[%dma_wait3A_439, %dma_wait3A_440, %dma_wait3A_441] : memref<5x10x512xf32, #tpu.memory_space<vmem>> -> memref<1x10x512xf32, #tpu.memory_space<vmem>>
        %dma_wait3A_443 = tpu.memref_squeeze %dma_wait3A_442 : memref<1x10x512xf32, #tpu.memory_space<vmem>> -> memref<10x512xf32, #tpu.memory_space<vmem>>
        %dma_wait3A_444 = arith.constant 0 : i32
        %dma_wait3A_445 = tpu.memref_slice %arg4[%dma_wait3A_444, %add3A_438] : memref<10x819200xf32, #tpu.memory_space<hbm>> -> memref<10x512xf32, #tpu.memory_space<hbm>>
        %dma_wait3A_446 = arith.constant 0 : i32
        %dma_wait3A_447 = tpu.memref_slice %arg4[%dma_wait3A_446, %add3A_438] : memref<10x819200xf32, #tpu.memory_space<hbm>> -> memref<10x512xf32, #tpu.memory_space<hbm>>
        %dma_wait3A_448 = arith.constant 0 : i32
        %dma_wait3A_449 = arith.constant 0 : i32
        %dma_wait3A_450 = tpu.memref_slice %arg7[%dma_wait3A_439, %dma_wait3A_448, %dma_wait3A_449] : memref<5x10x512xf32, #tpu.memory_space<vmem>> -> memref<1x10x512xf32, #tpu.memory_space<vmem>>
        %dma_wait3A_451 = tpu.memref_squeeze %dma_wait3A_450 : memref<1x10x512xf32, #tpu.memory_space<vmem>> -> memref<10x512xf32, #tpu.memory_space<vmem>>
        tpu.wait_dma2 semaphore(%arg20 : memref<!tpu.dma_semaphore, #tpu.memory_space<semaphore_mem>>) src(%dma_wait3A_451 : memref<10x512xf32, #tpu.memory_space<vmem>>) dst(%dma_wait3A_447 : memref<10x512xf32, #tpu.memory_space<hbm>>)
      } else {
      }
      %scan3A_303 = arith.constant 0 : i32
      %scan3A_304 = arith.constant 0 : i32
      %scan3A_305 = arith.constant 16 : i32
      %scan3A_306 = arith.addi %scan3A_304, %scan3A_305 : i32
      %scan3A_307 = arith.constant 1 : i32
      scf.for %scan3A_434 = %scan3A_304 to %scan3A_306 step %scan3A_307  : i32 {
        %mul3A_435 = arith.constant 32 : i32
        %mul3A_436 = arith.muli %scan3A_434, %mul3A_435 : i32
        %add3A_437 = arith.constant 1024 : i32
        %add3A_438 = arith.addi %add3A_437, %mul3A_436 : i32
        %add3A_439 = arith.constant 0 : i32
        %add3A_440 = arith.addi %add3A_438, %add3A_439 : i32
        %add3A_441 = vector.broadcast %add3A_440 : i32 to vector<16xi32>
        %add3A_442 = arith.addi %add3A_441, %iota3A : vector<16xi32>
        %gather3A = tpu.vector_load_idx %arg6[%add3A_442, %broadcast_in_dim3A_3] : memref<2560x16xf32, #tpu.memory_space<vmem>>[vector<16xi32>, vector<16xi32>], vector<16xf32>,
        %mul3A_443 = arith.constant 32 : i32
        %mul3A_444 = arith.muli %scan3A_434, %mul3A_443 : i32
        %add3A_445 = arith.constant 0 : i32
        %add3A_446 = arith.addi %mul3A_444, %add3A_445 : i32
        %swap3A = arith.constant 2 : i32
        %swap3A_447 = arith.constant 0 : i32
        %swap3A_448 = arith.index_cast %swap3A : i32 to index
        %swap3A_449 = arith.index_cast %swap3A_447 : i32 to index
        %swap3A_450 = arith.index_cast %add3A_446 : i32 to index
        %swap3A_451 = tpu.vector_load %arg7[%swap3A_448, %swap3A_449, %swap3A_450] {strides = array<i32>} : memref<5x10x512xf32, #tpu.memory_space<vmem>>, vector<16xf32>,
        tpu.vector_store %arg7[%swap3A_448, %swap3A_449, %swap3A_450], %gather3A {strides = array<i32>} : memref<5x10x512xf32, #tpu.memory_space<vmem>>, vector<16xf32>,
        %gather3A_452 = tpu.vector_load_idx %arg6[%add3A_442, %broadcast_in_dim3A_5] : memref<2560x16xf32, #tpu.memory_space<vmem>>[vector<16xi32>, vector<16xi32>], vector<16xf32>,
        %mul3A_453 = arith.constant 32 : i32
        %mul3A_454 = arith.muli %scan3A_434, %mul3A_453 : i32
        %add3A_455 = arith.constant 0 : i32
        %add3A_456 = arith.addi %mul3A_454, %add3A_455 : i32
        %swap3A_457 = arith.constant 2 : i32
        %swap3A_458 = arith.constant 1 : i32
        %swap3A_459 = arith.index_cast %swap3A_457 : i32 to index
        %swap3A_460 = arith.index_cast %swap3A_458 : i32 to index
        %swap3A_461 = arith.index_cast %add3A_456 : i32 to index
        %swap3A_462 = tpu.vector_load %arg7[%swap3A_459, %swap3A_460, %swap3A_461] {strides = array<i32>} : memref<5x10x512xf32, #tpu.memory_space<vmem>>, vector<16xf32>,
        tpu.vector_store %arg7[%swap3A_459, %swap3A_460, %swap3A_461], %gather3A_452 {strides = array<i32>} : memref<5x10x512xf32, #tpu.memory_space<vmem>>, vector<16xf32>,
        %gather3A_463 = tpu.vector_load_idx %arg6[%add3A_442, %broadcast_in_dim3A_7] : memref<2560x16xf32, #tpu.memory_space<vmem>>[vector<16xi32>, vector<16xi32>], vector<16xf32>,
        %mul3A_464 = arith.constant 32 : i32
        %mul3A_465 = arith.muli %scan3A_434, %mul3A_464 : i32
        %add3A_466 = arith.constant 0 : i32
        %add3A_467 = arith.addi %mul3A_465, %add3A_466 : i32
        %swap3A_468 = arith.constant 2 : i32
        %swap3A_469 = arith.constant 2 : i32
        %swap3A_470 = arith.index_cast %swap3A_468 : i32 to index
        %swap3A_471 = arith.index_cast %swap3A_469 : i32 to index
        %swap3A_472 = arith.index_cast %add3A_467 : i32 to index
        %swap3A_473 = tpu.vector_load %arg7[%swap3A_470, %swap3A_471, %swap3A_472] {strides = array<i32>} : memref<5x10x512xf32, #tpu.memory_space<vmem>>, vector<16xf32>,
        tpu.vector_store %arg7[%swap3A_470, %swap3A_471, %swap3A_472], %gather3A_463 {strides = array<i32>} : memref<5x10x512xf32, #tpu.memory_space<vmem>>, vector<16xf32>,
        %gather3A_474 = tpu.vector_load_idx %arg6[%add3A_442, %broadcast_in_dim3A_9] : memref<2560x16xf32, #tpu.memory_space<vmem>>[vector<16xi32>, vector<16xi32>], vector<16xf32>,
        %mul3A_475 = arith.constant 32 : i32
        %mul3A_476 = arith.muli %scan3A_434, %mul3A_475 : i32
        %add3A_477 = arith.constant 0 : i32
        %add3A_478 = arith.addi %mul3A_476, %add3A_477 : i32
        %swap3A_479 = arith.constant 2 : i32
        %swap3A_480 = arith.constant 3 : i32
        %swap3A_481 = arith.index_cast %swap3A_479 : i32 to index
        %swap3A_482 = arith.index_cast %swap3A_480 : i32 to index
        %swap3A_483 = arith.index_cast %add3A_478 : i32 to index
        %swap3A_484 = tpu.vector_load %arg7[%swap3A_481, %swap3A_482, %swap3A_483] {strides = array<i32>} : memref<5x10x512xf32, #tpu.memory_space<vmem>>, vector<16xf32>,
        tpu.vector_store %arg7[%swap3A_481, %swap3A_482, %swap3A_483], %gather3A_474 {strides = array<i32>} : memref<5x10x512xf32, #tpu.memory_space<vmem>>, vector<16xf32>,
        %gather3A_485 = tpu.vector_load_idx %arg6[%add3A_442, %broadcast_in_dim3A_11] : memref<2560x16xf32, #tpu.memory_space<vmem>>[vector<16xi32>, vector<16xi32>], vector<16xf32>,
        %mul3A_486 = arith.constant 32 : i32
        %mul3A_487 = arith.muli %scan3A_434, %mul3A_486 : i32
        %add3A_488 = arith.constant 0 : i32
        %add3A_489 = arith.addi %mul3A_487, %add3A_488 : i32
        %swap3A_490 = arith.constant 2 : i32
        %swap3A_491 = arith.constant 4 : i32
        %swap3A_492 = arith.index_cast %swap3A_490 : i32 to index
        %swap3A_493 = arith.index_cast %swap3A_491 : i32 to index
        %swap3A_494 = arith.index_cast %add3A_489 : i32 to index
        %swap3A_495 = tpu.vector_load %arg7[%swap3A_492, %swap3A_493, %swap3A_494] {strides = array<i32>} : memref<5x10x512xf32, #tpu.memory_space<vmem>>, vector<16xf32>,
        tpu.vector_store %arg7[%swap3A_492, %swap3A_493, %swap3A_494], %gather3A_485 {strides = array<i32>} : memref<5x10x512xf32, #tpu.memory_space<vmem>>, vector<16xf32>,
        %gather3A_496 = tpu.vector_load_idx %arg6[%add3A_442, %broadcast_in_dim3A_13] : memref<2560x16xf32, #tpu.memory_space<vmem>>[vector<16xi32>, vector<16xi32>], vector<16xf32>,
        %mul3A_497 = arith.constant 32 : i32
        %mul3A_498 = arith.muli %scan3A_434, %mul3A_497 : i32
        %add3A_499 = arith.constant 0 : i32
        %add3A_500 = arith.addi %mul3A_498, %add3A_499 : i32
        %swap3A_501 = arith.constant 2 : i32
        %swap3A_502 = arith.constant 5 : i32
        %swap3A_503 = arith.index_cast %swap3A_501 : i32 to index
        %swap3A_504 = arith.index_cast %swap3A_502 : i32 to index
        %swap3A_505 = arith.index_cast %add3A_500 : i32 to index
        %swap3A_506 = tpu.vector_load %arg7[%swap3A_503, %swap3A_504, %swap3A_505] {strides = array<i32>} : memref<5x10x512xf32, #tpu.memory_space<vmem>>, vector<16xf32>,
        tpu.vector_store %arg7[%swap3A_503, %swap3A_504, %swap3A_505], %gather3A_496 {strides = array<i32>} : memref<5x10x512xf32, #tpu.memory_space<vmem>>, vector<16xf32>,
        %gather3A_507 = tpu.vector_load_idx %arg6[%add3A_442, %broadcast_in_dim3A_15] : memref<2560x16xf32, #tpu.memory_space<vmem>>[vector<16xi32>, vector<16xi32>], vector<16xf32>,
        %mul3A_508 = arith.constant 32 : i32
        %mul3A_509 = arith.muli %scan3A_434, %mul3A_508 : i32
        %add3A_510 = arith.constant 0 : i32
        %add3A_511 = arith.addi %mul3A_509, %add3A_510 : i32
        %swap3A_512 = arith.constant 2 : i32
        %swap3A_513 = arith.constant 6 : i32
        %swap3A_514 = arith.index_cast %swap3A_512 : i32 to index
        %swap3A_515 = arith.index_cast %swap3A_513 : i32 to index
        %swap3A_516 = arith.index_cast %add3A_511 : i32 to index
        %swap3A_517 = tpu.vector_load %arg7[%swap3A_514, %swap3A_515, %swap3A_516] {strides = array<i32>} : memref<5x10x512xf32, #tpu.memory_space<vmem>>, vector<16xf32>,
        tpu.vector_store %arg7[%swap3A_514, %swap3A_515, %swap3A_516], %gather3A_507 {strides = array<i32>} : memref<5x10x512xf32, #tpu.memory_space<vmem>>, vector<16xf32>,
        %gather3A_518 = tpu.vector_load_idx %arg6[%add3A_442, %broadcast_in_dim3A_17] : memref<2560x16xf32, #tpu.memory_space<vmem>>[vector<16xi32>, vector<16xi32>], vector<16xf32>,
        %mul3A_519 = arith.constant 32 : i32
        %mul3A_520 = arith.muli %scan3A_434, %mul3A_519 : i32
        %add3A_521 = arith.constant 0 : i32
        %add3A_522 = arith.addi %mul3A_520, %add3A_521 : i32
        %swap3A_523 = arith.constant 2 : i32
        %swap3A_524 = arith.constant 7 : i32
        %swap3A_525 = arith.index_cast %swap3A_523 : i32 to index
        %swap3A_526 = arith.index_cast %swap3A_524 : i32 to index
        %swap3A_527 = arith.index_cast %add3A_522 : i32 to index
        %swap3A_528 = tpu.vector_load %arg7[%swap3A_525, %swap3A_526, %swap3A_527] {strides = array<i32>} : memref<5x10x512xf32, #tpu.memory_space<vmem>>, vector<16xf32>,
        tpu.vector_store %arg7[%swap3A_525, %swap3A_526, %swap3A_527], %gather3A_518 {strides = array<i32>} : memref<5x10x512xf32, #tpu.memory_space<vmem>>, vector<16xf32>,
        %gather3A_529 = tpu.vector_load_idx %arg6[%add3A_442, %broadcast_in_dim3A_19] : memref<2560x16xf32, #tpu.memory_space<vmem>>[vector<16xi32>, vector<16xi32>], vector<16xf32>,
        %mul3A_530 = arith.constant 32 : i32
        %mul3A_531 = arith.muli %scan3A_434, %mul3A_530 : i32
        %add3A_532 = arith.constant 0 : i32
        %add3A_533 = arith.addi %mul3A_531, %add3A_532 : i32
        %swap3A_534 = arith.constant 2 : i32
        %swap3A_535 = arith.constant 8 : i32
        %swap3A_536 = arith.index_cast %swap3A_534 : i32 to index
        %swap3A_537 = arith.index_cast %swap3A_535 : i32 to index
        %swap3A_538 = arith.index_cast %add3A_533 : i32 to index
        %swap3A_539 = tpu.vector_load %arg7[%swap3A_536, %swap3A_537, %swap3A_538] {strides = array<i32>} : memref<5x10x512xf32, #tpu.memory_space<vmem>>, vector<16xf32>,
        tpu.vector_store %arg7[%swap3A_536, %swap3A_537, %swap3A_538], %gather3A_529 {strides = array<i32>} : memref<5x10x512xf32, #tpu.memory_space<vmem>>, vector<16xf32>,
        %gather3A_540 = tpu.vector_load_idx %arg6[%add3A_442, %broadcast_in_dim3A_21] : memref<2560x16xf32, #tpu.memory_space<vmem>>[vector<16xi32>, vector<16xi32>], vector<16xf32>,
        %mul3A_541 = arith.constant 32 : i32
        %mul3A_542 = arith.muli %scan3A_434, %mul3A_541 : i32
        %add3A_543 = arith.constant 0 : i32
        %add3A_544 = arith.addi %mul3A_542, %add3A_543 : i32
        %swap3A_545 = arith.constant 2 : i32
        %swap3A_546 = arith.constant 9 : i32
        %swap3A_547 = arith.index_cast %swap3A_545 : i32 to index
        %swap3A_548 = arith.index_cast %swap3A_546 : i32 to index
        %swap3A_549 = arith.index_cast %add3A_544 : i32 to index
        %swap3A_550 = tpu.vector_load %arg7[%swap3A_547, %swap3A_548, %swap3A_549] {strides = array<i32>} : memref<5x10x512xf32, #tpu.memory_space<vmem>>, vector<16xf32>,
        tpu.vector_store %arg7[%swap3A_547, %swap3A_548, %swap3A_549], %gather3A_540 {strides = array<i32>} : memref<5x10x512xf32, #tpu.memory_space<vmem>>, vector<16xf32>,
        %mul3A_551 = arith.constant 32 : i32
        %mul3A_552 = arith.muli %scan3A_434, %mul3A_551 : i32
        %add3A_553 = arith.constant 1024 : i32
        %add3A_554 = arith.addi %add3A_553, %mul3A_552 : i32
        %add3A_555 = arith.constant 16 : i32
        %add3A_556 = arith.addi %add3A_554, %add3A_555 : i32
        %add3A_557 = vector.broadcast %add3A_556 : i32 to vector<16xi32>
        %add3A_558 = arith.addi %add3A_557, %iota3A : vector<16xi32>
        %gather3A_559 = tpu.vector_load_idx %arg6[%add3A_558, %broadcast_in_dim3A_3] : memref<2560x16xf32, #tpu.memory_space<vmem>>[vector<16xi32>, vector<16xi32>], vector<16xf32>,
        %mul3A_560 = arith.constant 32 : i32
        %mul3A_561 = arith.muli %scan3A_434, %mul3A_560 : i32
        %add3A_562 = arith.constant 16 : i32
        %add3A_563 = arith.addi %mul3A_561, %add3A_562 : i32
        %swap3A_564 = arith.constant 2 : i32
        %swap3A_565 = arith.constant 0 : i32
        %swap3A_566 = arith.index_cast %swap3A_564 : i32 to index
        %swap3A_567 = arith.index_cast %swap3A_565 : i32 to index
        %swap3A_568 = arith.index_cast %add3A_563 : i32 to index
        %swap3A_569 = tpu.vector_load %arg7[%swap3A_566, %swap3A_567, %swap3A_568] {strides = array<i32>} : memref<5x10x512xf32, #tpu.memory_space<vmem>>, vector<16xf32>,
        tpu.vector_store %arg7[%swap3A_566, %swap3A_567, %swap3A_568], %gather3A_559 {strides = array<i32>} : memref<5x10x512xf32, #tpu.memory_space<vmem>>, vector<16xf32>,
        %gather3A_570 = tpu.vector_load_idx %arg6[%add3A_558, %broadcast_in_dim3A_5] : memref<2560x16xf32, #tpu.memory_space<vmem>>[vector<16xi32>, vector<16xi32>], vector<16xf32>,
        %mul3A_571 = arith.constant 32 : i32
        %mul3A_572 = arith.muli %scan3A_434, %mul3A_571 : i32
        %add3A_573 = arith.constant 16 : i32
        %add3A_574 = arith.addi %mul3A_572, %add3A_573 : i32
        %swap3A_575 = arith.constant 2 : i32
        %swap3A_576 = arith.constant 1 : i32
        %swap3A_577 = arith.index_cast %swap3A_575 : i32 to index
        %swap3A_578 = arith.index_cast %swap3A_576 : i32 to index
        %swap3A_579 = arith.index_cast %add3A_574 : i32 to index
        %swap3A_580 = tpu.vector_load %arg7[%swap3A_577, %swap3A_578, %swap3A_579] {strides = array<i32>} : memref<5x10x512xf32, #tpu.memory_space<vmem>>, vector<16xf32>,
        tpu.vector_store %arg7[%swap3A_577, %swap3A_578, %swap3A_579], %gather3A_570 {strides = array<i32>} : memref<5x10x512xf32, #tpu.memory_space<vmem>>, vector<16xf32>,
        %gather3A_581 = tpu.vector_load_idx %arg6[%add3A_558, %broadcast_in_dim3A_7] : memref<2560x16xf32, #tpu.memory_space<vmem>>[vector<16xi32>, vector<16xi32>], vector<16xf32>,
        %mul3A_582 = arith.constant 32 : i32
        %mul3A_583 = arith.muli %scan3A_434, %mul3A_582 : i32
        %add3A_584 = arith.constant 16 : i32
        %add3A_585 = arith.addi %mul3A_583, %add3A_584 : i32
        %swap3A_586 = arith.constant 2 : i32
        %swap3A_587 = arith.constant 2 : i32
        %swap3A_588 = arith.index_cast %swap3A_586 : i32 to index
        %swap3A_589 = arith.index_cast %swap3A_587 : i32 to index
        %swap3A_590 = arith.index_cast %add3A_585 : i32 to index
        %swap3A_591 = tpu.vector_load %arg7[%swap3A_588, %swap3A_589, %swap3A_590] {strides = array<i32>} : memref<5x10x512xf32, #tpu.memory_space<vmem>>, vector<16xf32>,
        tpu.vector_store %arg7[%swap3A_588, %swap3A_589, %swap3A_590], %gather3A_581 {strides = array<i32>} : memref<5x10x512xf32, #tpu.memory_space<vmem>>, vector<16xf32>,
        %gather3A_592 = tpu.vector_load_idx %arg6[%add3A_558, %broadcast_in_dim3A_9] : memref<2560x16xf32, #tpu.memory_space<vmem>>[vector<16xi32>, vector<16xi32>], vector<16xf32>,
        %mul3A_593 = arith.constant 32 : i32
        %mul3A_594 = arith.muli %scan3A_434, %mul3A_593 : i32
        %add3A_595 = arith.constant 16 : i32
        %add3A_596 = arith.addi %mul3A_594, %add3A_595 : i32
        %swap3A_597 = arith.constant 2 : i32
        %swap3A_598 = arith.constant 3 : i32
        %swap3A_599 = arith.index_cast %swap3A_597 : i32 to index
        %swap3A_600 = arith.index_cast %swap3A_598 : i32 to index
        %swap3A_601 = arith.index_cast %add3A_596 : i32 to index
        %swap3A_602 = tpu.vector_load %arg7[%swap3A_599, %swap3A_600, %swap3A_601] {strides = array<i32>} : memref<5x10x512xf32, #tpu.memory_space<vmem>>, vector<16xf32>,
        tpu.vector_store %arg7[%swap3A_599, %swap3A_600, %swap3A_601], %gather3A_592 {strides = array<i32>} : memref<5x10x512xf32, #tpu.memory_space<vmem>>, vector<16xf32>,
        %gather3A_603 = tpu.vector_load_idx %arg6[%add3A_558, %broadcast_in_dim3A_11] : memref<2560x16xf32, #tpu.memory_space<vmem>>[vector<16xi32>, vector<16xi32>], vector<16xf32>,
        %mul3A_604 = arith.constant 32 : i32
        %mul3A_605 = arith.muli %scan3A_434, %mul3A_604 : i32
        %add3A_606 = arith.constant 16 : i32
        %add3A_607 = arith.addi %mul3A_605, %add3A_606 : i32
        %swap3A_608 = arith.constant 2 : i32
        %swap3A_609 = arith.constant 4 : i32
        %swap3A_610 = arith.index_cast %swap3A_608 : i32 to index
        %swap3A_611 = arith.index_cast %swap3A_609 : i32 to index
        %swap3A_612 = arith.index_cast %add3A_607 : i32 to index
        %swap3A_613 = tpu.vector_load %arg7[%swap3A_610, %swap3A_611, %swap3A_612] {strides = array<i32>} : memref<5x10x512xf32, #tpu.memory_space<vmem>>, vector<16xf32>,
        tpu.vector_store %arg7[%swap3A_610, %swap3A_611, %swap3A_612], %gather3A_603 {strides = array<i32>} : memref<5x10x512xf32, #tpu.memory_space<vmem>>, vector<16xf32>,
        %gather3A_614 = tpu.vector_load_idx %arg6[%add3A_558, %broadcast_in_dim3A_13] : memref<2560x16xf32, #tpu.memory_space<vmem>>[vector<16xi32>, vector<16xi32>], vector<16xf32>,
        %mul3A_615 = arith.constant 32 : i32
        %mul3A_616 = arith.muli %scan3A_434, %mul3A_615 : i32
        %add3A_617 = arith.constant 16 : i32
        %add3A_618 = arith.addi %mul3A_616, %add3A_617 : i32
        %swap3A_619 = arith.constant 2 : i32
        %swap3A_620 = arith.constant 5 : i32
        %swap3A_621 = arith.index_cast %swap3A_619 : i32 to index
        %swap3A_622 = arith.index_cast %swap3A_620 : i32 to index
        %swap3A_623 = arith.index_cast %add3A_618 : i32 to index
        %swap3A_624 = tpu.vector_load %arg7[%swap3A_621, %swap3A_622, %swap3A_623] {strides = array<i32>} : memref<5x10x512xf32, #tpu.memory_space<vmem>>, vector<16xf32>,
        tpu.vector_store %arg7[%swap3A_621, %swap3A_622, %swap3A_623], %gather3A_614 {strides = array<i32>} : memref<5x10x512xf32, #tpu.memory_space<vmem>>, vector<16xf32>,
        %gather3A_625 = tpu.vector_load_idx %arg6[%add3A_558, %broadcast_in_dim3A_15] : memref<2560x16xf32, #tpu.memory_space<vmem>>[vector<16xi32>, vector<16xi32>], vector<16xf32>,
        %mul3A_626 = arith.constant 32 : i32
        %mul3A_627 = arith.muli %scan3A_434, %mul3A_626 : i32
        %add3A_628 = arith.constant 16 : i32
        %add3A_629 = arith.addi %mul3A_627, %add3A_628 : i32
        %swap3A_630 = arith.constant 2 : i32
        %swap3A_631 = arith.constant 6 : i32
        %swap3A_632 = arith.index_cast %swap3A_630 : i32 to index
        %swap3A_633 = arith.index_cast %swap3A_631 : i32 to index
        %swap3A_634 = arith.index_cast %add3A_629 : i32 to index
        %swap3A_635 = tpu.vector_load %arg7[%swap3A_632, %swap3A_633, %swap3A_634] {strides = array<i32>} : memref<5x10x512xf32, #tpu.memory_space<vmem>>, vector<16xf32>,
        tpu.vector_store %arg7[%swap3A_632, %swap3A_633, %swap3A_634], %gather3A_625 {strides = array<i32>} : memref<5x10x512xf32, #tpu.memory_space<vmem>>, vector<16xf32>,
        %gather3A_636 = tpu.vector_load_idx %arg6[%add3A_558, %broadcast_in_dim3A_17] : memref<2560x16xf32, #tpu.memory_space<vmem>>[vector<16xi32>, vector<16xi32>], vector<16xf32>,
        %mul3A_637 = arith.constant 32 : i32
        %mul3A_638 = arith.muli %scan3A_434, %mul3A_637 : i32
        %add3A_639 = arith.constant 16 : i32
        %add3A_640 = arith.addi %mul3A_638, %add3A_639 : i32
        %swap3A_641 = arith.constant 2 : i32
        %swap3A_642 = arith.constant 7 : i32
        %swap3A_643 = arith.index_cast %swap3A_641 : i32 to index
        %swap3A_644 = arith.index_cast %swap3A_642 : i32 to index
        %swap3A_645 = arith.index_cast %add3A_640 : i32 to index
        %swap3A_646 = tpu.vector_load %arg7[%swap3A_643, %swap3A_644, %swap3A_645] {strides = array<i32>} : memref<5x10x512xf32, #tpu.memory_space<vmem>>, vector<16xf32>,
        tpu.vector_store %arg7[%swap3A_643, %swap3A_644, %swap3A_645], %gather3A_636 {strides = array<i32>} : memref<5x10x512xf32, #tpu.memory_space<vmem>>, vector<16xf32>,
        %gather3A_647 = tpu.vector_load_idx %arg6[%add3A_558, %broadcast_in_dim3A_19] : memref<2560x16xf32, #tpu.memory_space<vmem>>[vector<16xi32>, vector<16xi32>], vector<16xf32>,
        %mul3A_648 = arith.constant 32 : i32
        %mul3A_649 = arith.muli %scan3A_434, %mul3A_648 : i32
        %add3A_650 = arith.constant 16 : i32
        %add3A_651 = arith.addi %mul3A_649, %add3A_650 : i32
        %swap3A_652 = arith.constant 2 : i32
        %swap3A_653 = arith.constant 8 : i32
        %swap3A_654 = arith.index_cast %swap3A_652 : i32 to index
        %swap3A_655 = arith.index_cast %swap3A_653 : i32 to index
        %swap3A_656 = arith.index_cast %add3A_651 : i32 to index
        %swap3A_657 = tpu.vector_load %arg7[%swap3A_654, %swap3A_655, %swap3A_656] {strides = array<i32>} : memref<5x10x512xf32, #tpu.memory_space<vmem>>, vector<16xf32>,
        tpu.vector_store %arg7[%swap3A_654, %swap3A_655, %swap3A_656], %gather3A_647 {strides = array<i32>} : memref<5x10x512xf32, #tpu.memory_space<vmem>>, vector<16xf32>,
        %gather3A_658 = tpu.vector_load_idx %arg6[%add3A_558, %broadcast_in_dim3A_21] : memref<2560x16xf32, #tpu.memory_space<vmem>>[vector<16xi32>, vector<16xi32>], vector<16xf32>,
        %mul3A_659 = arith.constant 32 : i32
        %mul3A_660 = arith.muli %scan3A_434, %mul3A_659 : i32
        %add3A_661 = arith.constant 16 : i32
        %add3A_662 = arith.addi %mul3A_660, %add3A_661 : i32
        %swap3A_663 = arith.constant 2 : i32
        %swap3A_664 = arith.constant 9 : i32
        %swap3A_665 = arith.index_cast %swap3A_663 : i32 to index
        %swap3A_666 = arith.index_cast %swap3A_664 : i32 to index
        %swap3A_667 = arith.index_cast %add3A_662 : i32 to index
        %swap3A_668 = tpu.vector_load %arg7[%swap3A_665, %swap3A_666, %swap3A_667] {strides = array<i32>} : memref<5x10x512xf32, #tpu.memory_space<vmem>>, vector<16xf32>,
        tpu.vector_store %arg7[%swap3A_665, %swap3A_666, %swap3A_667], %gather3A_658 {strides = array<i32>} : memref<5x10x512xf32, #tpu.memory_space<vmem>>, vector<16xf32>,
      }
      %scan3A_308 = arith.constant 16 : i32
      %mul3A_309 = arith.constant 16384 : i32
      %mul3A_310 = arith.muli %add3A_279, %mul3A_309 : i32
      %add3A_311 = arith.addi %mul3A_310, %mul3A_2 : i32
      %dma_start3A_312 = arith.constant 2 : i32
      %dma_start3A_313 = arith.constant 0 : i32
      %dma_start3A_314 = arith.constant 0 : i32
      %dma_start3A_315 = tpu.memref_slice %arg7[%dma_start3A_312, %dma_start3A_313, %dma_start3A_314] : memref<5x10x512xf32, #tpu.memory_space<vmem>> -> memref<1x10x512xf32, #tpu.memory_space<vmem>>
      %dma_start3A_316 = tpu.memref_squeeze %dma_start3A_315 : memref<1x10x512xf32, #tpu.memory_space<vmem>> -> memref<10x512xf32, #tpu.memory_space<vmem>>
      %dma_start3A_317 = arith.constant 0 : i32
      %dma_start3A_318 = tpu.memref_slice %arg4[%dma_start3A_317, %add3A_311] : memref<10x819200xf32, #tpu.memory_space<hbm>> -> memref<10x512xf32, #tpu.memory_space<hbm>>
      %dma_start3A_319 = arith.constant 0 : i32
      %dma_start3A_320 = tpu.memref_slice %arg4[%dma_start3A_319, %add3A_311] : memref<10x819200xf32, #tpu.memory_space<hbm>> -> memref<10x512xf32, #tpu.memory_space<hbm>>
      %dma_start3A_321 = arith.constant 0 : i32
      %dma_start3A_322 = arith.constant 0 : i32
      %dma_start3A_323 = tpu.memref_slice %arg7[%dma_start3A_312, %dma_start3A_321, %dma_start3A_322] : memref<5x10x512xf32, #tpu.memory_space<vmem>> -> memref<1x10x512xf32, #tpu.memory_space<vmem>>
      %dma_start3A_324 = tpu.memref_squeeze %dma_start3A_323 : memref<1x10x512xf32, #tpu.memory_space<vmem>> -> memref<10x512xf32, #tpu.memory_space<vmem>>
      tpu.enqueue_dma source(%dma_start3A_324 : memref<10x512xf32, #tpu.memory_space<vmem>>) target(%dma_start3A_320 : memref<10x512xf32, #tpu.memory_space<hbm>>) target_semaphore(%arg20 : memref<!tpu.dma_semaphore, #tpu.memory_space<semaphore_mem>>)
      %lt3A_325 = arith.constant 9 : i32
      %lt3A_326 = arith.cmpi slt, %scan3A_164, %lt3A_325 : i32
      %convert_element_type3A_327 = arith.extui %lt3A_326 : i1 to i32
      %cond3A_328 = arith.constant 0 : i32
      %cond3A_329 = arith.cmpi ne, %convert_element_type3A_327, %cond3A_328 : i32
      scf.if %cond3A_329 {
        %add3A_434 = arith.constant 5 : i32
        %add3A_435 = arith.addi %add3A_279, %add3A_434 : i32
        %mul3A_436 = arith.constant 16384 : i32
        %mul3A_437 = arith.muli %add3A_435, %mul3A_436 : i32
        %add3A_438 = arith.addi %mul3A_437, %mul3A_2 : i32
        %mul3A_439 = arith.constant 512 : i32
        %mul3A_440 = arith.muli %select_n3A_177, %mul3A_439 : i32
        %dma_wait3A_441 = arith.constant 2 : i32
        %dma_wait3A_442 = tpu.memref_slice %arg5[%dma_wait3A_441, %mul3A_440] : memref<5x1024xi32, #tpu.memory_space<vmem>> -> memref<1x512xi32, #tpu.memory_space<vmem>>
        %dma_wait3A_443 = tpu.memref_squeeze %dma_wait3A_442 : memref<1x512xi32, #tpu.memory_space<vmem>> -> memref<512xi32, #tpu.memory_space<vmem>>
        %dma_wait3A_444 = tpu.memref_slice %arg2[%add3A_438] : memref<819200xi32, #tpu.memory_space<hbm>> -> memref<512xi32, #tpu.memory_space<hbm>>
        %dma_wait3A_445 = tpu.memref_slice %arg5[%dma_wait3A_441, %mul3A_440] : memref<5x1024xi32, #tpu.memory_space<vmem>> -> memref<1x512xi32, #tpu.memory_space<vmem>>
        %dma_wait3A_446 = tpu.memref_squeeze %dma_wait3A_445 : memref<1x512xi32, #tpu.memory_space<vmem>> -> memref<512xi32, #tpu.memory_space<vmem>>
        %dma_wait3A_447 = tpu.memref_slice %arg2[%add3A_438] : memref<819200xi32, #tpu.memory_space<hbm>> -> memref<512xi32, #tpu.memory_space<hbm>>
        tpu.wait_dma2 semaphore(%arg15 : memref<!tpu.dma_semaphore, #tpu.memory_space<semaphore_mem>>) src(%dma_wait3A_447 : memref<512xi32, #tpu.memory_space<hbm>>) dst(%dma_wait3A_446 : memref<512xi32, #tpu.memory_space<vmem>>)
        %mul3A_448 = arith.constant 512 : i32
        %mul3A_449 = arith.muli %select_n3A_177, %mul3A_448 : i32
        %dma_start3A_450 = arith.constant 2 : i32
        %dma_start3A_451 = arith.constant 1024 : i32
        %dma_start3A_452 = arith.constant 0 : i32
        %dma_start3A_453 = tpu.memref_slice %arg6[%dma_start3A_451, %dma_start3A_452] : memref<2560x16xf32, #tpu.memory_space<vmem>> -> memref<512x16xf32, #tpu.memory_space<vmem>>
        %dma_start3A_454 = tpu.memref_slice %arg5[%dma_start3A_450, %mul3A_449] : memref<5x1024xi32, #tpu.memory_space<vmem>> -> memref<1x512xi32, #tpu.memory_space<vmem>>
        %dma_start3A_455 = tpu.memref_squeeze %dma_start3A_454 : memref<1x512xi32, #tpu.memory_space<vmem>> -> memref<512xi32, #tpu.memory_space<vmem>>
        %dma_start3A_456 = arith.constant 0 : i32
        %dma_start3A_457 = arith.constant 0 : i32
        %dma_start3A_458 = tpu.memref_slice %arg3[%dma_start3A_456, %dma_start3A_457] : memref<1015808x16xf32, #tpu.memory_space<hbm>> -> memref<1015808x16xf32, #tpu.memory_space<hbm>>
        tpu.enqueue_indirect_dma source(%dma_start3A_458 : memref<1015808x16xf32, #tpu.memory_space<hbm>>) target(%dma_start3A_453 : memref<512x16xf32, #tpu.memory_space<vmem>>) offsets(%dma_start3A_455 : memref<512xi32, #tpu.memory_space<vmem>>) semaphore(%arg10 : memref<!tpu.dma_semaphore, #tpu.memory_space<semaphore_mem>>)
      } else {
      }
      %add3A_330 = arith.constant 3 : i32
      %add3A_331 = arith.addi %mul3A_166, %add3A_330 : i32
      %lt3A_332 = arith.constant 9 : i32
      %lt3A_333 = arith.cmpi slt, %scan3A_164, %lt3A_332 : i32
      %convert_element_type3A_334 = arith.extui %lt3A_333 : i1 to i32
      %cond3A_335 = arith.constant 0 : i32
      %cond3A_336 = arith.cmpi ne, %convert_element_type3A_334, %cond3A_335 : i32
      scf.if %cond3A_336 {
        %add3A_434 = arith.constant 5 : i32
        %add3A_435 = arith.addi %add3A_331, %add3A_434 : i32
        %mul3A_436 = arith.constant 16384 : i32
        %mul3A_437 = arith.muli %add3A_435, %mul3A_436 : i32
        %add3A_438 = arith.addi %mul3A_437, %mul3A_2 : i32
        %mul3A_439 = arith.constant 512 : i32
        %mul3A_440 = arith.muli %select_n3A_177, %mul3A_439 : i32
        %dma_start3A_441 = arith.constant 3 : i32
        %dma_start3A_442 = tpu.memref_slice %arg5[%dma_start3A_441, %mul3A_440] : memref<5x1024xi32, #tpu.memory_space<vmem>> -> memref<1x512xi32, #tpu.memory_space<vmem>>
        %dma_start3A_443 = tpu.memref_squeeze %dma_start3A_442 : memref<1x512xi32, #tpu.memory_space<vmem>> -> memref<512xi32, #tpu.memory_space<vmem>>
        %dma_start3A_444 = tpu.memref_slice %arg2[%add3A_438] : memref<819200xi32, #tpu.memory_space<hbm>> -> memref<512xi32, #tpu.memory_space<hbm>>
        %dma_start3A_445 = tpu.memref_slice %arg5[%dma_start3A_441, %mul3A_440] : memref<5x1024xi32, #tpu.memory_space<vmem>> -> memref<1x512xi32, #tpu.memory_space<vmem>>
        %dma_start3A_446 = tpu.memref_squeeze %dma_start3A_445 : memref<1x512xi32, #tpu.memory_space<vmem>> -> memref<512xi32, #tpu.memory_space<vmem>>
        %dma_start3A_447 = tpu.memref_slice %arg2[%add3A_438] : memref<819200xi32, #tpu.memory_space<hbm>> -> memref<512xi32, #tpu.memory_space<hbm>>
        tpu.enqueue_dma source(%dma_start3A_447 : memref<512xi32, #tpu.memory_space<hbm>>) target(%dma_start3A_446 : memref<512xi32, #tpu.memory_space<vmem>>) target_semaphore(%arg16 : memref<!tpu.dma_semaphore, #tpu.memory_space<semaphore_mem>>)
      } else {
      }
      %sub3A_337 = arith.constant 1 : i32
      %sub3A_338 = arith.subi %sub3A_337, %select_n3A_177 : i32
      %mul3A_339 = arith.constant 512 : i32
      %mul3A_340 = arith.muli %sub3A_338, %mul3A_339 : i32
      %dma_wait3A_341 = arith.constant 3 : i32
      %dma_wait3A_342 = arith.constant 1536 : i32
      %dma_wait3A_343 = arith.constant 0 : i32
      %dma_wait3A_344 = tpu.memref_slice %arg6[%dma_wait3A_342, %dma_wait3A_343] : memref<2560x16xf32, #tpu.memory_space<vmem>> -> memref<512x16xf32, #tpu.memory_space<vmem>>
      %dma_wait3A_345 = tpu.memref_slice %arg5[%dma_wait3A_341, %mul3A_340] : memref<5x1024xi32, #tpu.memory_space<vmem>> -> memref<1x512xi32, #tpu.memory_space<vmem>>
      %dma_wait3A_346 = tpu.memref_squeeze %dma_wait3A_345 : memref<1x512xi32, #tpu.memory_space<vmem>> -> memref<512xi32, #tpu.memory_space<vmem>>
      %dma_wait3A_347 = arith.constant 0 : i32
      %dma_wait3A_348 = arith.constant 0 : i32
      %dma_wait3A_349 = tpu.memref_slice %arg3[%dma_wait3A_347, %dma_wait3A_348] : memref<1015808x16xf32, #tpu.memory_space<hbm>> -> memref<1015808x16xf32, #tpu.memory_space<hbm>>
      tpu.wait_indirect_dma semaphore(%arg11 : memref<!tpu.dma_semaphore, #tpu.memory_space<semaphore_mem>>) src(%dma_wait3A_349 : memref<1015808x16xf32, #tpu.memory_space<hbm>>) dst(%dma_wait3A_344 : memref<512x16xf32, #tpu.memory_space<vmem>>)
      %gt3A_350 = arith.constant 0 : i32
      %gt3A_351 = arith.cmpi sgt, %scan3A_164, %gt3A_350 : i32
      %convert_element_type3A_352 = arith.extui %gt3A_351 : i1 to i32
      %cond3A_353 = arith.constant 0 : i32
      %cond3A_354 = arith.cmpi ne, %convert_element_type3A_352, %cond3A_353 : i32
      scf.if %cond3A_354 {
        %sub3A_434 = arith.constant 5 : i32
        %sub3A_435 = arith.subi %add3A_331, %sub3A_434 : i32
        %mul3A_436 = arith.constant 16384 : i32
        %mul3A_437 = arith.muli %sub3A_435, %mul3A_436 : i32
        %add3A_438 = arith.addi %mul3A_437, %mul3A_2 : i32
        %dma_wait3A_439 = arith.constant 3 : i32
        %dma_wait3A_440 = arith.constant 0 : i32
        %dma_wait3A_441 = arith.constant 0 : i32
        %dma_wait3A_442 = tpu.memref_slice %arg7[%dma_wait3A_439, %dma_wait3A_440, %dma_wait3A_441] : memref<5x10x512xf32, #tpu.memory_space<vmem>> -> memref<1x10x512xf32, #tpu.memory_space<vmem>>
        %dma_wait3A_443 = tpu.memref_squeeze %dma_wait3A_442 : memref<1x10x512xf32, #tpu.memory_space<vmem>> -> memref<10x512xf32, #tpu.memory_space<vmem>>
        %dma_wait3A_444 = arith.constant 0 : i32
        %dma_wait3A_445 = tpu.memref_slice %arg4[%dma_wait3A_444, %add3A_438] : memref<10x819200xf32, #tpu.memory_space<hbm>> -> memref<10x512xf32, #tpu.memory_space<hbm>>
        %dma_wait3A_446 = arith.constant 0 : i32
        %dma_wait3A_447 = tpu.memref_slice %arg4[%dma_wait3A_446, %add3A_438] : memref<10x819200xf32, #tpu.memory_space<hbm>> -> memref<10x512xf32, #tpu.memory_space<hbm>>
        %dma_wait3A_448 = arith.constant 0 : i32
        %dma_wait3A_449 = arith.constant 0 : i32
        %dma_wait3A_450 = tpu.memref_slice %arg7[%dma_wait3A_439, %dma_wait3A_448, %dma_wait3A_449] : memref<5x10x512xf32, #tpu.memory_space<vmem>> -> memref<1x10x512xf32, #tpu.memory_space<vmem>>
        %dma_wait3A_451 = tpu.memref_squeeze %dma_wait3A_450 : memref<1x10x512xf32, #tpu.memory_space<vmem>> -> memref<10x512xf32, #tpu.memory_space<vmem>>
        tpu.wait_dma2 semaphore(%arg21 : memref<!tpu.dma_semaphore, #tpu.memory_space<semaphore_mem>>) src(%dma_wait3A_451 : memref<10x512xf32, #tpu.memory_space<vmem>>) dst(%dma_wait3A_447 : memref<10x512xf32, #tpu.memory_space<hbm>>)
      } else {
      }
      %scan3A_355 = arith.constant 0 : i32
      %scan3A_356 = arith.constant 0 : i32
      %scan3A_357 = arith.constant 16 : i32
      %scan3A_358 = arith.addi %scan3A_356, %scan3A_357 : i32
      %scan3A_359 = arith.constant 1 : i32
      scf.for %scan3A_434 = %scan3A_356 to %scan3A_358 step %scan3A_359  : i32 {
        %mul3A_435 = arith.constant 32 : i32
        %mul3A_436 = arith.muli %scan3A_434, %mul3A_435 : i32
        %add3A_437 = arith.constant 1536 : i32
        %add3A_438 = arith.addi %add3A_437, %mul3A_436 : i32
        %add3A_439 = arith.constant 0 : i32
        %add3A_440 = arith.addi %add3A_438, %add3A_439 : i32
        %add3A_441 = vector.broadcast %add3A_440 : i32 to vector<16xi32>
        %add3A_442 = arith.addi %add3A_441, %iota3A : vector<16xi32>
        %gather3A = tpu.vector_load_idx %arg6[%add3A_442, %broadcast_in_dim3A_3] : memref<2560x16xf32, #tpu.memory_space<vmem>>[vector<16xi32>, vector<16xi32>], vector<16xf32>,
        %mul3A_443 = arith.constant 32 : i32
        %mul3A_444 = arith.muli %scan3A_434, %mul3A_443 : i32
        %add3A_445 = arith.constant 0 : i32
        %add3A_446 = arith.addi %mul3A_444, %add3A_445 : i32
        %swap3A = arith.constant 3 : i32
        %swap3A_447 = arith.constant 0 : i32
        %swap3A_448 = arith.index_cast %swap3A : i32 to index
        %swap3A_449 = arith.index_cast %swap3A_447 : i32 to index
        %swap3A_450 = arith.index_cast %add3A_446 : i32 to index
        %swap3A_451 = tpu.vector_load %arg7[%swap3A_448, %swap3A_449, %swap3A_450] {strides = array<i32>} : memref<5x10x512xf32, #tpu.memory_space<vmem>>, vector<16xf32>,
        tpu.vector_store %arg7[%swap3A_448, %swap3A_449, %swap3A_450], %gather3A {strides = array<i32>} : memref<5x10x512xf32, #tpu.memory_space<vmem>>, vector<16xf32>,
        %gather3A_452 = tpu.vector_load_idx %arg6[%add3A_442, %broadcast_in_dim3A_5] : memref<2560x16xf32, #tpu.memory_space<vmem>>[vector<16xi32>, vector<16xi32>], vector<16xf32>,
        %mul3A_453 = arith.constant 32 : i32
        %mul3A_454 = arith.muli %scan3A_434, %mul3A_453 : i32
        %add3A_455 = arith.constant 0 : i32
        %add3A_456 = arith.addi %mul3A_454, %add3A_455 : i32
        %swap3A_457 = arith.constant 3 : i32
        %swap3A_458 = arith.constant 1 : i32
        %swap3A_459 = arith.index_cast %swap3A_457 : i32 to index
        %swap3A_460 = arith.index_cast %swap3A_458 : i32 to index
        %swap3A_461 = arith.index_cast %add3A_456 : i32 to index
        %swap3A_462 = tpu.vector_load %arg7[%swap3A_459, %swap3A_460, %swap3A_461] {strides = array<i32>} : memref<5x10x512xf32, #tpu.memory_space<vmem>>, vector<16xf32>,
        tpu.vector_store %arg7[%swap3A_459, %swap3A_460, %swap3A_461], %gather3A_452 {strides = array<i32>} : memref<5x10x512xf32, #tpu.memory_space<vmem>>, vector<16xf32>,
        %gather3A_463 = tpu.vector_load_idx %arg6[%add3A_442, %broadcast_in_dim3A_7] : memref<2560x16xf32, #tpu.memory_space<vmem>>[vector<16xi32>, vector<16xi32>], vector<16xf32>,
        %mul3A_464 = arith.constant 32 : i32
        %mul3A_465 = arith.muli %scan3A_434, %mul3A_464 : i32
        %add3A_466 = arith.constant 0 : i32
        %add3A_467 = arith.addi %mul3A_465, %add3A_466 : i32
        %swap3A_468 = arith.constant 3 : i32
        %swap3A_469 = arith.constant 2 : i32
        %swap3A_470 = arith.index_cast %swap3A_468 : i32 to index
        %swap3A_471 = arith.index_cast %swap3A_469 : i32 to index
        %swap3A_472 = arith.index_cast %add3A_467 : i32 to index
        %swap3A_473 = tpu.vector_load %arg7[%swap3A_470, %swap3A_471, %swap3A_472] {strides = array<i32>} : memref<5x10x512xf32, #tpu.memory_space<vmem>>, vector<16xf32>,
        tpu.vector_store %arg7[%swap3A_470, %swap3A_471, %swap3A_472], %gather3A_463 {strides = array<i32>} : memref<5x10x512xf32, #tpu.memory_space<vmem>>, vector<16xf32>,
        %gather3A_474 = tpu.vector_load_idx %arg6[%add3A_442, %broadcast_in_dim3A_9] : memref<2560x16xf32, #tpu.memory_space<vmem>>[vector<16xi32>, vector<16xi32>], vector<16xf32>,
        %mul3A_475 = arith.constant 32 : i32
        %mul3A_476 = arith.muli %scan3A_434, %mul3A_475 : i32
        %add3A_477 = arith.constant 0 : i32
        %add3A_478 = arith.addi %mul3A_476, %add3A_477 : i32
        %swap3A_479 = arith.constant 3 : i32
        %swap3A_480 = arith.constant 3 : i32
        %swap3A_481 = arith.index_cast %swap3A_479 : i32 to index
        %swap3A_482 = arith.index_cast %swap3A_480 : i32 to index
        %swap3A_483 = arith.index_cast %add3A_478 : i32 to index
        %swap3A_484 = tpu.vector_load %arg7[%swap3A_481, %swap3A_482, %swap3A_483] {strides = array<i32>} : memref<5x10x512xf32, #tpu.memory_space<vmem>>, vector<16xf32>,
        tpu.vector_store %arg7[%swap3A_481, %swap3A_482, %swap3A_483], %gather3A_474 {strides = array<i32>} : memref<5x10x512xf32, #tpu.memory_space<vmem>>, vector<16xf32>,
        %gather3A_485 = tpu.vector_load_idx %arg6[%add3A_442, %broadcast_in_dim3A_11] : memref<2560x16xf32, #tpu.memory_space<vmem>>[vector<16xi32>, vector<16xi32>], vector<16xf32>,
        %mul3A_486 = arith.constant 32 : i32
        %mul3A_487 = arith.muli %scan3A_434, %mul3A_486 : i32
        %add3A_488 = arith.constant 0 : i32
        %add3A_489 = arith.addi %mul3A_487, %add3A_488 : i32
        %swap3A_490 = arith.constant 3 : i32
        %swap3A_491 = arith.constant 4 : i32
        %swap3A_492 = arith.index_cast %swap3A_490 : i32 to index
        %swap3A_493 = arith.index_cast %swap3A_491 : i32 to index
        %swap3A_494 = arith.index_cast %add3A_489 : i32 to index
        %swap3A_495 = tpu.vector_load %arg7[%swap3A_492, %swap3A_493, %swap3A_494] {strides = array<i32>} : memref<5x10x512xf32, #tpu.memory_space<vmem>>, vector<16xf32>,
        tpu.vector_store %arg7[%swap3A_492, %swap3A_493, %swap3A_494], %gather3A_485 {strides = array<i32>} : memref<5x10x512xf32, #tpu.memory_space<vmem>>, vector<16xf32>,
        %gather3A_496 = tpu.vector_load_idx %arg6[%add3A_442, %broadcast_in_dim3A_13] : memref<2560x16xf32, #tpu.memory_space<vmem>>[vector<16xi32>, vector<16xi32>], vector<16xf32>,
        %mul3A_497 = arith.constant 32 : i32
        %mul3A_498 = arith.muli %scan3A_434, %mul3A_497 : i32
        %add3A_499 = arith.constant 0 : i32
        %add3A_500 = arith.addi %mul3A_498, %add3A_499 : i32
        %swap3A_501 = arith.constant 3 : i32
        %swap3A_502 = arith.constant 5 : i32
        %swap3A_503 = arith.index_cast %swap3A_501 : i32 to index
        %swap3A_504 = arith.index_cast %swap3A_502 : i32 to index
        %swap3A_505 = arith.index_cast %add3A_500 : i32 to index
        %swap3A_506 = tpu.vector_load %arg7[%swap3A_503, %swap3A_504, %swap3A_505] {strides = array<i32>} : memref<5x10x512xf32, #tpu.memory_space<vmem>>, vector<16xf32>,
        tpu.vector_store %arg7[%swap3A_503, %swap3A_504, %swap3A_505], %gather3A_496 {strides = array<i32>} : memref<5x10x512xf32, #tpu.memory_space<vmem>>, vector<16xf32>,
        %gather3A_507 = tpu.vector_load_idx %arg6[%add3A_442, %broadcast_in_dim3A_15] : memref<2560x16xf32, #tpu.memory_space<vmem>>[vector<16xi32>, vector<16xi32>], vector<16xf32>,
        %mul3A_508 = arith.constant 32 : i32
        %mul3A_509 = arith.muli %scan3A_434, %mul3A_508 : i32
        %add3A_510 = arith.constant 0 : i32
        %add3A_511 = arith.addi %mul3A_509, %add3A_510 : i32
        %swap3A_512 = arith.constant 3 : i32
        %swap3A_513 = arith.constant 6 : i32
        %swap3A_514 = arith.index_cast %swap3A_512 : i32 to index
        %swap3A_515 = arith.index_cast %swap3A_513 : i32 to index
        %swap3A_516 = arith.index_cast %add3A_511 : i32 to index
        %swap3A_517 = tpu.vector_load %arg7[%swap3A_514, %swap3A_515, %swap3A_516] {strides = array<i32>} : memref<5x10x512xf32, #tpu.memory_space<vmem>>, vector<16xf32>,
        tpu.vector_store %arg7[%swap3A_514, %swap3A_515, %swap3A_516], %gather3A_507 {strides = array<i32>} : memref<5x10x512xf32, #tpu.memory_space<vmem>>, vector<16xf32>,
        %gather3A_518 = tpu.vector_load_idx %arg6[%add3A_442, %broadcast_in_dim3A_17] : memref<2560x16xf32, #tpu.memory_space<vmem>>[vector<16xi32>, vector<16xi32>], vector<16xf32>,
        %mul3A_519 = arith.constant 32 : i32
        %mul3A_520 = arith.muli %scan3A_434, %mul3A_519 : i32
        %add3A_521 = arith.constant 0 : i32
        %add3A_522 = arith.addi %mul3A_520, %add3A_521 : i32
        %swap3A_523 = arith.constant 3 : i32
        %swap3A_524 = arith.constant 7 : i32
        %swap3A_525 = arith.index_cast %swap3A_523 : i32 to index
        %swap3A_526 = arith.index_cast %swap3A_524 : i32 to index
        %swap3A_527 = arith.index_cast %add3A_522 : i32 to index
        %swap3A_528 = tpu.vector_load %arg7[%swap3A_525, %swap3A_526, %swap3A_527] {strides = array<i32>} : memref<5x10x512xf32, #tpu.memory_space<vmem>>, vector<16xf32>,
        tpu.vector_store %arg7[%swap3A_525, %swap3A_526, %swap3A_527], %gather3A_518 {strides = array<i32>} : memref<5x10x512xf32, #tpu.memory_space<vmem>>, vector<16xf32>,
        %gather3A_529 = tpu.vector_load_idx %arg6[%add3A_442, %broadcast_in_dim3A_19] : memref<2560x16xf32, #tpu.memory_space<vmem>>[vector<16xi32>, vector<16xi32>], vector<16xf32>,
        %mul3A_530 = arith.constant 32 : i32
        %mul3A_531 = arith.muli %scan3A_434, %mul3A_530 : i32
        %add3A_532 = arith.constant 0 : i32
        %add3A_533 = arith.addi %mul3A_531, %add3A_532 : i32
        %swap3A_534 = arith.constant 3 : i32
        %swap3A_535 = arith.constant 8 : i32
        %swap3A_536 = arith.index_cast %swap3A_534 : i32 to index
        %swap3A_537 = arith.index_cast %swap3A_535 : i32 to index
        %swap3A_538 = arith.index_cast %add3A_533 : i32 to index
        %swap3A_539 = tpu.vector_load %arg7[%swap3A_536, %swap3A_537, %swap3A_538] {strides = array<i32>} : memref<5x10x512xf32, #tpu.memory_space<vmem>>, vector<16xf32>,
        tpu.vector_store %arg7[%swap3A_536, %swap3A_537, %swap3A_538], %gather3A_529 {strides = array<i32>} : memref<5x10x512xf32, #tpu.memory_space<vmem>>, vector<16xf32>,
        %gather3A_540 = tpu.vector_load_idx %arg6[%add3A_442, %broadcast_in_dim3A_21] : memref<2560x16xf32, #tpu.memory_space<vmem>>[vector<16xi32>, vector<16xi32>], vector<16xf32>,
        %mul3A_541 = arith.constant 32 : i32
        %mul3A_542 = arith.muli %scan3A_434, %mul3A_541 : i32
        %add3A_543 = arith.constant 0 : i32
        %add3A_544 = arith.addi %mul3A_542, %add3A_543 : i32
        %swap3A_545 = arith.constant 3 : i32
        %swap3A_546 = arith.constant 9 : i32
        %swap3A_547 = arith.index_cast %swap3A_545 : i32 to index
        %swap3A_548 = arith.index_cast %swap3A_546 : i32 to index
        %swap3A_549 = arith.index_cast %add3A_544 : i32 to index
        %swap3A_550 = tpu.vector_load %arg7[%swap3A_547, %swap3A_548, %swap3A_549] {strides = array<i32>} : memref<5x10x512xf32, #tpu.memory_space<vmem>>, vector<16xf32>,
        tpu.vector_store %arg7[%swap3A_547, %swap3A_548, %swap3A_549], %gather3A_540 {strides = array<i32>} : memref<5x10x512xf32, #tpu.memory_space<vmem>>, vector<16xf32>,
        %mul3A_551 = arith.constant 32 : i32
        %mul3A_552 = arith.muli %scan3A_434, %mul3A_551 : i32
        %add3A_553 = arith.constant 1536 : i32
        %add3A_554 = arith.addi %add3A_553, %mul3A_552 : i32
        %add3A_555 = arith.constant 16 : i32
        %add3A_556 = arith.addi %add3A_554, %add3A_555 : i32
        %add3A_557 = vector.broadcast %add3A_556 : i32 to vector<16xi32>
        %add3A_558 = arith.addi %add3A_557, %iota3A : vector<16xi32>
        %gather3A_559 = tpu.vector_load_idx %arg6[%add3A_558, %broadcast_in_dim3A_3] : memref<2560x16xf32, #tpu.memory_space<vmem>>[vector<16xi32>, vector<16xi32>], vector<16xf32>,
        %mul3A_560 = arith.constant 32 : i32
        %mul3A_561 = arith.muli %scan3A_434, %mul3A_560 : i32
        %add3A_562 = arith.constant 16 : i32
        %add3A_563 = arith.addi %mul3A_561, %add3A_562 : i32
        %swap3A_564 = arith.constant 3 : i32
        %swap3A_565 = arith.constant 0 : i32
        %swap3A_566 = arith.index_cast %swap3A_564 : i32 to index
        %swap3A_567 = arith.index_cast %swap3A_565 : i32 to index
        %swap3A_568 = arith.index_cast %add3A_563 : i32 to index
        %swap3A_569 = tpu.vector_load %arg7[%swap3A_566, %swap3A_567, %swap3A_568] {strides = array<i32>} : memref<5x10x512xf32, #tpu.memory_space<vmem>>, vector<16xf32>,
        tpu.vector_store %arg7[%swap3A_566, %swap3A_567, %swap3A_568], %gather3A_559 {strides = array<i32>} : memref<5x10x512xf32, #tpu.memory_space<vmem>>, vector<16xf32>,
        %gather3A_570 = tpu.vector_load_idx %arg6[%add3A_558, %broadcast_in_dim3A_5] : memref<2560x16xf32, #tpu.memory_space<vmem>>[vector<16xi32>, vector<16xi32>], vector<16xf32>,
        %mul3A_571 = arith.constant 32 : i32
        %mul3A_572 = arith.muli %scan3A_434, %mul3A_571 : i32
        %add3A_573 = arith.constant 16 : i32
        %add3A_574 = arith.addi %mul3A_572, %add3A_573 : i32
        %swap3A_575 = arith.constant 3 : i32
        %swap3A_576 = arith.constant 1 : i32
        %swap3A_577 = arith.index_cast %swap3A_575 : i32 to index
        %swap3A_578 = arith.index_cast %swap3A_576 : i32 to index
        %swap3A_579 = arith.index_cast %add3A_574 : i32 to index
        %swap3A_580 = tpu.vector_load %arg7[%swap3A_577, %swap3A_578, %swap3A_579] {strides = array<i32>} : memref<5x10x512xf32, #tpu.memory_space<vmem>>, vector<16xf32>,
        tpu.vector_store %arg7[%swap3A_577, %swap3A_578, %swap3A_579], %gather3A_570 {strides = array<i32>} : memref<5x10x512xf32, #tpu.memory_space<vmem>>, vector<16xf32>,
        %gather3A_581 = tpu.vector_load_idx %arg6[%add3A_558, %broadcast_in_dim3A_7] : memref<2560x16xf32, #tpu.memory_space<vmem>>[vector<16xi32>, vector<16xi32>], vector<16xf32>,
        %mul3A_582 = arith.constant 32 : i32
        %mul3A_583 = arith.muli %scan3A_434, %mul3A_582 : i32
        %add3A_584 = arith.constant 16 : i32
        %add3A_585 = arith.addi %mul3A_583, %add3A_584 : i32
        %swap3A_586 = arith.constant 3 : i32
        %swap3A_587 = arith.constant 2 : i32
        %swap3A_588 = arith.index_cast %swap3A_586 : i32 to index
        %swap3A_589 = arith.index_cast %swap3A_587 : i32 to index
        %swap3A_590 = arith.index_cast %add3A_585 : i32 to index
        %swap3A_591 = tpu.vector_load %arg7[%swap3A_588, %swap3A_589, %swap3A_590] {strides = array<i32>} : memref<5x10x512xf32, #tpu.memory_space<vmem>>, vector<16xf32>,
        tpu.vector_store %arg7[%swap3A_588, %swap3A_589, %swap3A_590], %gather3A_581 {strides = array<i32>} : memref<5x10x512xf32, #tpu.memory_space<vmem>>, vector<16xf32>,
        %gather3A_592 = tpu.vector_load_idx %arg6[%add3A_558, %broadcast_in_dim3A_9] : memref<2560x16xf32, #tpu.memory_space<vmem>>[vector<16xi32>, vector<16xi32>], vector<16xf32>,
        %mul3A_593 = arith.constant 32 : i32
        %mul3A_594 = arith.muli %scan3A_434, %mul3A_593 : i32
        %add3A_595 = arith.constant 16 : i32
        %add3A_596 = arith.addi %mul3A_594, %add3A_595 : i32
        %swap3A_597 = arith.constant 3 : i32
        %swap3A_598 = arith.constant 3 : i32
        %swap3A_599 = arith.index_cast %swap3A_597 : i32 to index
        %swap3A_600 = arith.index_cast %swap3A_598 : i32 to index
        %swap3A_601 = arith.index_cast %add3A_596 : i32 to index
        %swap3A_602 = tpu.vector_load %arg7[%swap3A_599, %swap3A_600, %swap3A_601] {strides = array<i32>} : memref<5x10x512xf32, #tpu.memory_space<vmem>>, vector<16xf32>,
        tpu.vector_store %arg7[%swap3A_599, %swap3A_600, %swap3A_601], %gather3A_592 {strides = array<i32>} : memref<5x10x512xf32, #tpu.memory_space<vmem>>, vector<16xf32>,
        %gather3A_603 = tpu.vector_load_idx %arg6[%add3A_558, %broadcast_in_dim3A_11] : memref<2560x16xf32, #tpu.memory_space<vmem>>[vector<16xi32>, vector<16xi32>], vector<16xf32>,
        %mul3A_604 = arith.constant 32 : i32
        %mul3A_605 = arith.muli %scan3A_434, %mul3A_604 : i32
        %add3A_606 = arith.constant 16 : i32
        %add3A_607 = arith.addi %mul3A_605, %add3A_606 : i32
        %swap3A_608 = arith.constant 3 : i32
        %swap3A_609 = arith.constant 4 : i32
        %swap3A_610 = arith.index_cast %swap3A_608 : i32 to index
        %swap3A_611 = arith.index_cast %swap3A_609 : i32 to index
        %swap3A_612 = arith.index_cast %add3A_607 : i32 to index
        %swap3A_613 = tpu.vector_load %arg7[%swap3A_610, %swap3A_611, %swap3A_612] {strides = array<i32>} : memref<5x10x512xf32, #tpu.memory_space<vmem>>, vector<16xf32>,
        tpu.vector_store %arg7[%swap3A_610, %swap3A_611, %swap3A_612], %gather3A_603 {strides = array<i32>} : memref<5x10x512xf32, #tpu.memory_space<vmem>>, vector<16xf32>,
        %gather3A_614 = tpu.vector_load_idx %arg6[%add3A_558, %broadcast_in_dim3A_13] : memref<2560x16xf32, #tpu.memory_space<vmem>>[vector<16xi32>, vector<16xi32>], vector<16xf32>,
        %mul3A_615 = arith.constant 32 : i32
        %mul3A_616 = arith.muli %scan3A_434, %mul3A_615 : i32
        %add3A_617 = arith.constant 16 : i32
        %add3A_618 = arith.addi %mul3A_616, %add3A_617 : i32
        %swap3A_619 = arith.constant 3 : i32
        %swap3A_620 = arith.constant 5 : i32
        %swap3A_621 = arith.index_cast %swap3A_619 : i32 to index
        %swap3A_622 = arith.index_cast %swap3A_620 : i32 to index
        %swap3A_623 = arith.index_cast %add3A_618 : i32 to index
        %swap3A_624 = tpu.vector_load %arg7[%swap3A_621, %swap3A_622, %swap3A_623] {strides = array<i32>} : memref<5x10x512xf32, #tpu.memory_space<vmem>>, vector<16xf32>,
        tpu.vector_store %arg7[%swap3A_621, %swap3A_622, %swap3A_623], %gather3A_614 {strides = array<i32>} : memref<5x10x512xf32, #tpu.memory_space<vmem>>, vector<16xf32>,
        %gather3A_625 = tpu.vector_load_idx %arg6[%add3A_558, %broadcast_in_dim3A_15] : memref<2560x16xf32, #tpu.memory_space<vmem>>[vector<16xi32>, vector<16xi32>], vector<16xf32>,
        %mul3A_626 = arith.constant 32 : i32
        %mul3A_627 = arith.muli %scan3A_434, %mul3A_626 : i32
        %add3A_628 = arith.constant 16 : i32
        %add3A_629 = arith.addi %mul3A_627, %add3A_628 : i32
        %swap3A_630 = arith.constant 3 : i32
        %swap3A_631 = arith.constant 6 : i32
        %swap3A_632 = arith.index_cast %swap3A_630 : i32 to index
        %swap3A_633 = arith.index_cast %swap3A_631 : i32 to index
        %swap3A_634 = arith.index_cast %add3A_629 : i32 to index
        %swap3A_635 = tpu.vector_load %arg7[%swap3A_632, %swap3A_633, %swap3A_634] {strides = array<i32>} : memref<5x10x512xf32, #tpu.memory_space<vmem>>, vector<16xf32>,
        tpu.vector_store %arg7[%swap3A_632, %swap3A_633, %swap3A_634], %gather3A_625 {strides = array<i32>} : memref<5x10x512xf32, #tpu.memory_space<vmem>>, vector<16xf32>,
        %gather3A_636 = tpu.vector_load_idx %arg6[%add3A_558, %broadcast_in_dim3A_17] : memref<2560x16xf32, #tpu.memory_space<vmem>>[vector<16xi32>, vector<16xi32>], vector<16xf32>,
        %mul3A_637 = arith.constant 32 : i32
        %mul3A_638 = arith.muli %scan3A_434, %mul3A_637 : i32
        %add3A_639 = arith.constant 16 : i32
        %add3A_640 = arith.addi %mul3A_638, %add3A_639 : i32
        %swap3A_641 = arith.constant 3 : i32
        %swap3A_642 = arith.constant 7 : i32
        %swap3A_643 = arith.index_cast %swap3A_641 : i32 to index
        %swap3A_644 = arith.index_cast %swap3A_642 : i32 to index
        %swap3A_645 = arith.index_cast %add3A_640 : i32 to index
        %swap3A_646 = tpu.vector_load %arg7[%swap3A_643, %swap3A_644, %swap3A_645] {strides = array<i32>} : memref<5x10x512xf32, #tpu.memory_space<vmem>>, vector<16xf32>,
        tpu.vector_store %arg7[%swap3A_643, %swap3A_644, %swap3A_645], %gather3A_636 {strides = array<i32>} : memref<5x10x512xf32, #tpu.memory_space<vmem>>, vector<16xf32>,
        %gather3A_647 = tpu.vector_load_idx %arg6[%add3A_558, %broadcast_in_dim3A_19] : memref<2560x16xf32, #tpu.memory_space<vmem>>[vector<16xi32>, vector<16xi32>], vector<16xf32>,
        %mul3A_648 = arith.constant 32 : i32
        %mul3A_649 = arith.muli %scan3A_434, %mul3A_648 : i32
        %add3A_650 = arith.constant 16 : i32
        %add3A_651 = arith.addi %mul3A_649, %add3A_650 : i32
        %swap3A_652 = arith.constant 3 : i32
        %swap3A_653 = arith.constant 8 : i32
        %swap3A_654 = arith.index_cast %swap3A_652 : i32 to index
        %swap3A_655 = arith.index_cast %swap3A_653 : i32 to index
        %swap3A_656 = arith.index_cast %add3A_651 : i32 to index
        %swap3A_657 = tpu.vector_load %arg7[%swap3A_654, %swap3A_655, %swap3A_656] {strides = array<i32>} : memref<5x10x512xf32, #tpu.memory_space<vmem>>, vector<16xf32>,
        tpu.vector_store %arg7[%swap3A_654, %swap3A_655, %swap3A_656], %gather3A_647 {strides = array<i32>} : memref<5x10x512xf32, #tpu.memory_space<vmem>>, vector<16xf32>,
        %gather3A_658 = tpu.vector_load_idx %arg6[%add3A_558, %broadcast_in_dim3A_21] : memref<2560x16xf32, #tpu.memory_space<vmem>>[vector<16xi32>, vector<16xi32>], vector<16xf32>,
        %mul3A_659 = arith.constant 32 : i32
        %mul3A_660 = arith.muli %scan3A_434, %mul3A_659 : i32
        %add3A_661 = arith.constant 16 : i32
        %add3A_662 = arith.addi %mul3A_660, %add3A_661 : i32
        %swap3A_663 = arith.constant 3 : i32
        %swap3A_664 = arith.constant 9 : i32
        %swap3A_665 = arith.index_cast %swap3A_663 : i32 to index
        %swap3A_666 = arith.index_cast %swap3A_664 : i32 to index
        %swap3A_667 = arith.index_cast %add3A_662 : i32 to index
        %swap3A_668 = tpu.vector_load %arg7[%swap3A_665, %swap3A_666, %swap3A_667] {strides = array<i32>} : memref<5x10x512xf32, #tpu.memory_space<vmem>>, vector<16xf32>,
        tpu.vector_store %arg7[%swap3A_665, %swap3A_666, %swap3A_667], %gather3A_658 {strides = array<i32>} : memref<5x10x512xf32, #tpu.memory_space<vmem>>, vector<16xf32>,
      }
      %scan3A_360 = arith.constant 16 : i32
      %mul3A_361 = arith.constant 16384 : i32
      %mul3A_362 = arith.muli %add3A_331, %mul3A_361 : i32
      %add3A_363 = arith.addi %mul3A_362, %mul3A_2 : i32
      %dma_start3A_364 = arith.constant 3 : i32
      %dma_start3A_365 = arith.constant 0 : i32
      %dma_start3A_366 = arith.constant 0 : i32
      %dma_start3A_367 = tpu.memref_slice %arg7[%dma_start3A_364, %dma_start3A_365, %dma_start3A_366] : memref<5x10x512xf32, #tpu.memory_space<vmem>> -> memref<1x10x512xf32, #tpu.memory_space<vmem>>
      %dma_start3A_368 = tpu.memref_squeeze %dma_start3A_367 : memref<1x10x512xf32, #tpu.memory_space<vmem>> -> memref<10x512xf32, #tpu.memory_space<vmem>>
      %dma_start3A_369 = arith.constant 0 : i32
      %dma_start3A_370 = tpu.memref_slice %arg4[%dma_start3A_369, %add3A_363] : memref<10x819200xf32, #tpu.memory_space<hbm>> -> memref<10x512xf32, #tpu.memory_space<hbm>>
      %dma_start3A_371 = arith.constant 0 : i32
      %dma_start3A_372 = tpu.memref_slice %arg4[%dma_start3A_371, %add3A_363] : memref<10x819200xf32, #tpu.memory_space<hbm>> -> memref<10x512xf32, #tpu.memory_space<hbm>>
      %dma_start3A_373 = arith.constant 0 : i32
      %dma_start3A_374 = arith.constant 0 : i32
      %dma_start3A_375 = tpu.memref_slice %arg7[%dma_start3A_364, %dma_start3A_373, %dma_start3A_374] : memref<5x10x512xf32, #tpu.memory_space<vmem>> -> memref<1x10x512xf32, #tpu.memory_space<vmem>>
      %dma_start3A_376 = tpu.memref_squeeze %dma_start3A_375 : memref<1x10x512xf32, #tpu.memory_space<vmem>> -> memref<10x512xf32, #tpu.memory_space<vmem>>
      tpu.enqueue_dma source(%dma_start3A_376 : memref<10x512xf32, #tpu.memory_space<vmem>>) target(%dma_start3A_372 : memref<10x512xf32, #tpu.memory_space<hbm>>) target_semaphore(%arg21 : memref<!tpu.dma_semaphore, #tpu.memory_space<semaphore_mem>>)
      %lt3A_377 = arith.constant 9 : i32
      %lt3A_378 = arith.cmpi slt, %scan3A_164, %lt3A_377 : i32
      %convert_element_type3A_379 = arith.extui %lt3A_378 : i1 to i32
      %cond3A_380 = arith.constant 0 : i32
      %cond3A_381 = arith.cmpi ne, %convert_element_type3A_379, %cond3A_380 : i32
      scf.if %cond3A_381 {
        %add3A_434 = arith.constant 5 : i32
        %add3A_435 = arith.addi %add3A_331, %add3A_434 : i32
        %mul3A_436 = arith.constant 16384 : i32
        %mul3A_437 = arith.muli %add3A_435, %mul3A_436 : i32
        %add3A_438 = arith.addi %mul3A_437, %mul3A_2 : i32
        %mul3A_439 = arith.constant 512 : i32
        %mul3A_440 = arith.muli %select_n3A_177, %mul3A_439 : i32
        %dma_wait3A_441 = arith.constant 3 : i32
        %dma_wait3A_442 = tpu.memref_slice %arg5[%dma_wait3A_441, %mul3A_440] : memref<5x1024xi32, #tpu.memory_space<vmem>> -> memref<1x512xi32, #tpu.memory_space<vmem>>
        %dma_wait3A_443 = tpu.memref_squeeze %dma_wait3A_442 : memref<1x512xi32, #tpu.memory_space<vmem>> -> memref<512xi32, #tpu.memory_space<vmem>>
        %dma_wait3A_444 = tpu.memref_slice %arg2[%add3A_438] : memref<819200xi32, #tpu.memory_space<hbm>> -> memref<512xi32, #tpu.memory_space<hbm>>
        %dma_wait3A_445 = tpu.memref_slice %arg5[%dma_wait3A_441, %mul3A_440] : memref<5x1024xi32, #tpu.memory_space<vmem>> -> memref<1x512xi32, #tpu.memory_space<vmem>>
        %dma_wait3A_446 = tpu.memref_squeeze %dma_wait3A_445 : memref<1x512xi32, #tpu.memory_space<vmem>> -> memref<512xi32, #tpu.memory_space<vmem>>
        %dma_wait3A_447 = tpu.memref_slice %arg2[%add3A_438] : memref<819200xi32, #tpu.memory_space<hbm>> -> memref<512xi32, #tpu.memory_space<hbm>>
        tpu.wait_dma2 semaphore(%arg16 : memref<!tpu.dma_semaphore, #tpu.memory_space<semaphore_mem>>) src(%dma_wait3A_447 : memref<512xi32, #tpu.memory_space<hbm>>) dst(%dma_wait3A_446 : memref<512xi32, #tpu.memory_space<vmem>>)
        %mul3A_448 = arith.constant 512 : i32
        %mul3A_449 = arith.muli %select_n3A_177, %mul3A_448 : i32
        %dma_start3A_450 = arith.constant 3 : i32
        %dma_start3A_451 = arith.constant 1536 : i32
        %dma_start3A_452 = arith.constant 0 : i32
        %dma_start3A_453 = tpu.memref_slice %arg6[%dma_start3A_451, %dma_start3A_452] : memref<2560x16xf32, #tpu.memory_space<vmem>> -> memref<512x16xf32, #tpu.memory_space<vmem>>
        %dma_start3A_454 = tpu.memref_slice %arg5[%dma_start3A_450, %mul3A_449] : memref<5x1024xi32, #tpu.memory_space<vmem>> -> memref<1x512xi32, #tpu.memory_space<vmem>>
        %dma_start3A_455 = tpu.memref_squeeze %dma_start3A_454 : memref<1x512xi32, #tpu.memory_space<vmem>> -> memref<512xi32, #tpu.memory_space<vmem>>
        %dma_start3A_456 = arith.constant 0 : i32
        %dma_start3A_457 = arith.constant 0 : i32
        %dma_start3A_458 = tpu.memref_slice %arg3[%dma_start3A_456, %dma_start3A_457] : memref<1015808x16xf32, #tpu.memory_space<hbm>> -> memref<1015808x16xf32, #tpu.memory_space<hbm>>
        tpu.enqueue_indirect_dma source(%dma_start3A_458 : memref<1015808x16xf32, #tpu.memory_space<hbm>>) target(%dma_start3A_453 : memref<512x16xf32, #tpu.memory_space<vmem>>) offsets(%dma_start3A_455 : memref<512xi32, #tpu.memory_space<vmem>>) semaphore(%arg11 : memref<!tpu.dma_semaphore, #tpu.memory_space<semaphore_mem>>)
      } else {
      }
      %add3A_382 = arith.constant 4 : i32
      %add3A_383 = arith.addi %mul3A_166, %add3A_382 : i32
      %lt3A_384 = arith.constant 9 : i32
      %lt3A_385 = arith.cmpi slt, %scan3A_164, %lt3A_384 : i32
      %convert_element_type3A_386 = arith.extui %lt3A_385 : i1 to i32
      %cond3A_387 = arith.constant 0 : i32
      %cond3A_388 = arith.cmpi ne, %convert_element_type3A_386, %cond3A_387 : i32
      scf.if %cond3A_388 {
        %add3A_434 = arith.constant 5 : i32
        %add3A_435 = arith.addi %add3A_383, %add3A_434 : i32
        %mul3A_436 = arith.constant 16384 : i32
        %mul3A_437 = arith.muli %add3A_435, %mul3A_436 : i32
        %add3A_438 = arith.addi %mul3A_437, %mul3A_2 : i32
        %mul3A_439 = arith.constant 512 : i32
        %mul3A_440 = arith.muli %select_n3A_177, %mul3A_439 : i32
        %dma_start3A_441 = arith.constant 4 : i32
        %dma_start3A_442 = tpu.memref_slice %arg5[%dma_start3A_441, %mul3A_440] : memref<5x1024xi32, #tpu.memory_space<vmem>> -> memref<1x512xi32, #tpu.memory_space<vmem>>
        %dma_start3A_443 = tpu.memref_squeeze %dma_start3A_442 : memref<1x512xi32, #tpu.memory_space<vmem>> -> memref<512xi32, #tpu.memory_space<vmem>>
        %dma_start3A_444 = tpu.memref_slice %arg2[%add3A_438] : memref<819200xi32, #tpu.memory_space<hbm>> -> memref<512xi32, #tpu.memory_space<hbm>>
        %dma_start3A_445 = tpu.memref_slice %arg5[%dma_start3A_441, %mul3A_440] : memref<5x1024xi32, #tpu.memory_space<vmem>> -> memref<1x512xi32, #tpu.memory_space<vmem>>
        %dma_start3A_446 = tpu.memref_squeeze %dma_start3A_445 : memref<1x512xi32, #tpu.memory_space<vmem>> -> memref<512xi32, #tpu.memory_space<vmem>>
        %dma_start3A_447 = tpu.memref_slice %arg2[%add3A_438] : memref<819200xi32, #tpu.memory_space<hbm>> -> memref<512xi32, #tpu.memory_space<hbm>>
        tpu.enqueue_dma source(%dma_start3A_447 : memref<512xi32, #tpu.memory_space<hbm>>) target(%dma_start3A_446 : memref<512xi32, #tpu.memory_space<vmem>>) target_semaphore(%arg17 : memref<!tpu.dma_semaphore, #tpu.memory_space<semaphore_mem>>)
      } else {
      }
      %sub3A_389 = arith.constant 1 : i32
      %sub3A_390 = arith.subi %sub3A_389, %select_n3A_177 : i32
      %mul3A_391 = arith.constant 512 : i32
      %mul3A_392 = arith.muli %sub3A_390, %mul3A_391 : i32
      %dma_wait3A_393 = arith.constant 4 : i32
      %dma_wait3A_394 = arith.constant 2048 : i32
      %dma_wait3A_395 = arith.constant 0 : i32
      %dma_wait3A_396 = tpu.memref_slice %arg6[%dma_wait3A_394, %dma_wait3A_395] : memref<2560x16xf32, #tpu.memory_space<vmem>> -> memref<512x16xf32, #tpu.memory_space<vmem>>
      %dma_wait3A_397 = tpu.memref_slice %arg5[%dma_wait3A_393, %mul3A_392] : memref<5x1024xi32, #tpu.memory_space<vmem>> -> memref<1x512xi32, #tpu.memory_space<vmem>>
      %dma_wait3A_398 = tpu.memref_squeeze %dma_wait3A_397 : memref<1x512xi32, #tpu.memory_space<vmem>> -> memref<512xi32, #tpu.memory_space<vmem>>
      %dma_wait3A_399 = arith.constant 0 : i32
      %dma_wait3A_400 = arith.constant 0 : i32
      %dma_wait3A_401 = tpu.memref_slice %arg3[%dma_wait3A_399, %dma_wait3A_400] : memref<1015808x16xf32, #tpu.memory_space<hbm>> -> memref<1015808x16xf32, #tpu.memory_space<hbm>>
      tpu.wait_indirect_dma semaphore(%arg12 : memref<!tpu.dma_semaphore, #tpu.memory_space<semaphore_mem>>) src(%dma_wait3A_401 : memref<1015808x16xf32, #tpu.memory_space<hbm>>) dst(%dma_wait3A_396 : memref<512x16xf32, #tpu.memory_space<vmem>>)
      %gt3A_402 = arith.constant 0 : i32
      %gt3A_403 = arith.cmpi sgt, %scan3A_164, %gt3A_402 : i32
      %convert_element_type3A_404 = arith.extui %gt3A_403 : i1 to i32
      %cond3A_405 = arith.constant 0 : i32
      %cond3A_406 = arith.cmpi ne, %convert_element_type3A_404, %cond3A_405 : i32
      scf.if %cond3A_406 {
        %sub3A_434 = arith.constant 5 : i32
        %sub3A_435 = arith.subi %add3A_383, %sub3A_434 : i32
        %mul3A_436 = arith.constant 16384 : i32
        %mul3A_437 = arith.muli %sub3A_435, %mul3A_436 : i32
        %add3A_438 = arith.addi %mul3A_437, %mul3A_2 : i32
        %dma_wait3A_439 = arith.constant 4 : i32
        %dma_wait3A_440 = arith.constant 0 : i32
        %dma_wait3A_441 = arith.constant 0 : i32
        %dma_wait3A_442 = tpu.memref_slice %arg7[%dma_wait3A_439, %dma_wait3A_440, %dma_wait3A_441] : memref<5x10x512xf32, #tpu.memory_space<vmem>> -> memref<1x10x512xf32, #tpu.memory_space<vmem>>
        %dma_wait3A_443 = tpu.memref_squeeze %dma_wait3A_442 : memref<1x10x512xf32, #tpu.memory_space<vmem>> -> memref<10x512xf32, #tpu.memory_space<vmem>>
        %dma_wait3A_444 = arith.constant 0 : i32
        %dma_wait3A_445 = tpu.memref_slice %arg4[%dma_wait3A_444, %add3A_438] : memref<10x819200xf32, #tpu.memory_space<hbm>> -> memref<10x512xf32, #tpu.memory_space<hbm>>
        %dma_wait3A_446 = arith.constant 0 : i32
        %dma_wait3A_447 = tpu.memref_slice %arg4[%dma_wait3A_446, %add3A_438] : memref<10x819200xf32, #tpu.memory_space<hbm>> -> memref<10x512xf32, #tpu.memory_space<hbm>>
        %dma_wait3A_448 = arith.constant 0 : i32
        %dma_wait3A_449 = arith.constant 0 : i32
        %dma_wait3A_450 = tpu.memref_slice %arg7[%dma_wait3A_439, %dma_wait3A_448, %dma_wait3A_449] : memref<5x10x512xf32, #tpu.memory_space<vmem>> -> memref<1x10x512xf32, #tpu.memory_space<vmem>>
        %dma_wait3A_451 = tpu.memref_squeeze %dma_wait3A_450 : memref<1x10x512xf32, #tpu.memory_space<vmem>> -> memref<10x512xf32, #tpu.memory_space<vmem>>
        tpu.wait_dma2 semaphore(%arg22 : memref<!tpu.dma_semaphore, #tpu.memory_space<semaphore_mem>>) src(%dma_wait3A_451 : memref<10x512xf32, #tpu.memory_space<vmem>>) dst(%dma_wait3A_447 : memref<10x512xf32, #tpu.memory_space<hbm>>)
      } else {
      }
      %scan3A_407 = arith.constant 0 : i32
      %scan3A_408 = arith.constant 0 : i32
      %scan3A_409 = arith.constant 16 : i32
      %scan3A_410 = arith.addi %scan3A_408, %scan3A_409 : i32
      %scan3A_411 = arith.constant 1 : i32
      scf.for %scan3A_434 = %scan3A_408 to %scan3A_410 step %scan3A_411  : i32 {
        %mul3A_435 = arith.constant 32 : i32
        %mul3A_436 = arith.muli %scan3A_434, %mul3A_435 : i32
        %add3A_437 = arith.constant 2048 : i32
        %add3A_438 = arith.addi %add3A_437, %mul3A_436 : i32
        %add3A_439 = arith.constant 0 : i32
        %add3A_440 = arith.addi %add3A_438, %add3A_439 : i32
        %add3A_441 = vector.broadcast %add3A_440 : i32 to vector<16xi32>
        %add3A_442 = arith.addi %add3A_441, %iota3A : vector<16xi32>
        %gather3A = tpu.vector_load_idx %arg6[%add3A_442, %broadcast_in_dim3A_3] : memref<2560x16xf32, #tpu.memory_space<vmem>>[vector<16xi32>, vector<16xi32>], vector<16xf32>,
        %mul3A_443 = arith.constant 32 : i32
        %mul3A_444 = arith.muli %scan3A_434, %mul3A_443 : i32
        %add3A_445 = arith.constant 0 : i32
        %add3A_446 = arith.addi %mul3A_444, %add3A_445 : i32
        %swap3A = arith.constant 4 : i32
        %swap3A_447 = arith.constant 0 : i32
        %swap3A_448 = arith.index_cast %swap3A : i32 to index
        %swap3A_449 = arith.index_cast %swap3A_447 : i32 to index
        %swap3A_450 = arith.index_cast %add3A_446 : i32 to index
        %swap3A_451 = tpu.vector_load %arg7[%swap3A_448, %swap3A_449, %swap3A_450] {strides = array<i32>} : memref<5x10x512xf32, #tpu.memory_space<vmem>>, vector<16xf32>,
        tpu.vector_store %arg7[%swap3A_448, %swap3A_449, %swap3A_450], %gather3A {strides = array<i32>} : memref<5x10x512xf32, #tpu.memory_space<vmem>>, vector<16xf32>,
        %gather3A_452 = tpu.vector_load_idx %arg6[%add3A_442, %broadcast_in_dim3A_5] : memref<2560x16xf32, #tpu.memory_space<vmem>>[vector<16xi32>, vector<16xi32>], vector<16xf32>,
        %mul3A_453 = arith.constant 32 : i32
        %mul3A_454 = arith.muli %scan3A_434, %mul3A_453 : i32
        %add3A_455 = arith.constant 0 : i32
        %add3A_456 = arith.addi %mul3A_454, %add3A_455 : i32
        %swap3A_457 = arith.constant 4 : i32
        %swap3A_458 = arith.constant 1 : i32
        %swap3A_459 = arith.index_cast %swap3A_457 : i32 to index
        %swap3A_460 = arith.index_cast %swap3A_458 : i32 to index
        %swap3A_461 = arith.index_cast %add3A_456 : i32 to index
        %swap3A_462 = tpu.vector_load %arg7[%swap3A_459, %swap3A_460, %swap3A_461] {strides = array<i32>} : memref<5x10x512xf32, #tpu.memory_space<vmem>>, vector<16xf32>,
        tpu.vector_store %arg7[%swap3A_459, %swap3A_460, %swap3A_461], %gather3A_452 {strides = array<i32>} : memref<5x10x512xf32, #tpu.memory_space<vmem>>, vector<16xf32>,
        %gather3A_463 = tpu.vector_load_idx %arg6[%add3A_442, %broadcast_in_dim3A_7] : memref<2560x16xf32, #tpu.memory_space<vmem>>[vector<16xi32>, vector<16xi32>], vector<16xf32>,
        %mul3A_464 = arith.constant 32 : i32
        %mul3A_465 = arith.muli %scan3A_434, %mul3A_464 : i32
        %add3A_466 = arith.constant 0 : i32
        %add3A_467 = arith.addi %mul3A_465, %add3A_466 : i32
        %swap3A_468 = arith.constant 4 : i32
        %swap3A_469 = arith.constant 2 : i32
        %swap3A_470 = arith.index_cast %swap3A_468 : i32 to index
        %swap3A_471 = arith.index_cast %swap3A_469 : i32 to index
        %swap3A_472 = arith.index_cast %add3A_467 : i32 to index
        %swap3A_473 = tpu.vector_load %arg7[%swap3A_470, %swap3A_471, %swap3A_472] {strides = array<i32>} : memref<5x10x512xf32, #tpu.memory_space<vmem>>, vector<16xf32>,
        tpu.vector_store %arg7[%swap3A_470, %swap3A_471, %swap3A_472], %gather3A_463 {strides = array<i32>} : memref<5x10x512xf32, #tpu.memory_space<vmem>>, vector<16xf32>,
        %gather3A_474 = tpu.vector_load_idx %arg6[%add3A_442, %broadcast_in_dim3A_9] : memref<2560x16xf32, #tpu.memory_space<vmem>>[vector<16xi32>, vector<16xi32>], vector<16xf32>,
        %mul3A_475 = arith.constant 32 : i32
        %mul3A_476 = arith.muli %scan3A_434, %mul3A_475 : i32
        %add3A_477 = arith.constant 0 : i32
        %add3A_478 = arith.addi %mul3A_476, %add3A_477 : i32
        %swap3A_479 = arith.constant 4 : i32
        %swap3A_480 = arith.constant 3 : i32
        %swap3A_481 = arith.index_cast %swap3A_479 : i32 to index
        %swap3A_482 = arith.index_cast %swap3A_480 : i32 to index
        %swap3A_483 = arith.index_cast %add3A_478 : i32 to index
        %swap3A_484 = tpu.vector_load %arg7[%swap3A_481, %swap3A_482, %swap3A_483] {strides = array<i32>} : memref<5x10x512xf32, #tpu.memory_space<vmem>>, vector<16xf32>,
        tpu.vector_store %arg7[%swap3A_481, %swap3A_482, %swap3A_483], %gather3A_474 {strides = array<i32>} : memref<5x10x512xf32, #tpu.memory_space<vmem>>, vector<16xf32>,
        %gather3A_485 = tpu.vector_load_idx %arg6[%add3A_442, %broadcast_in_dim3A_11] : memref<2560x16xf32, #tpu.memory_space<vmem>>[vector<16xi32>, vector<16xi32>], vector<16xf32>,
        %mul3A_486 = arith.constant 32 : i32
        %mul3A_487 = arith.muli %scan3A_434, %mul3A_486 : i32
        %add3A_488 = arith.constant 0 : i32
        %add3A_489 = arith.addi %mul3A_487, %add3A_488 : i32
        %swap3A_490 = arith.constant 4 : i32
        %swap3A_491 = arith.constant 4 : i32
        %swap3A_492 = arith.index_cast %swap3A_490 : i32 to index
        %swap3A_493 = arith.index_cast %swap3A_491 : i32 to index
        %swap3A_494 = arith.index_cast %add3A_489 : i32 to index
        %swap3A_495 = tpu.vector_load %arg7[%swap3A_492, %swap3A_493, %swap3A_494] {strides = array<i32>} : memref<5x10x512xf32, #tpu.memory_space<vmem>>, vector<16xf32>,
        tpu.vector_store %arg7[%swap3A_492, %swap3A_493, %swap3A_494], %gather3A_485 {strides = array<i32>} : memref<5x10x512xf32, #tpu.memory_space<vmem>>, vector<16xf32>,
        %gather3A_496 = tpu.vector_load_idx %arg6[%add3A_442, %broadcast_in_dim3A_13] : memref<2560x16xf32, #tpu.memory_space<vmem>>[vector<16xi32>, vector<16xi32>], vector<16xf32>,
        %mul3A_497 = arith.constant 32 : i32
        %mul3A_498 = arith.muli %scan3A_434, %mul3A_497 : i32
        %add3A_499 = arith.constant 0 : i32
        %add3A_500 = arith.addi %mul3A_498, %add3A_499 : i32
        %swap3A_501 = arith.constant 4 : i32
        %swap3A_502 = arith.constant 5 : i32
        %swap3A_503 = arith.index_cast %swap3A_501 : i32 to index
        %swap3A_504 = arith.index_cast %swap3A_502 : i32 to index
        %swap3A_505 = arith.index_cast %add3A_500 : i32 to index
        %swap3A_506 = tpu.vector_load %arg7[%swap3A_503, %swap3A_504, %swap3A_505] {strides = array<i32>} : memref<5x10x512xf32, #tpu.memory_space<vmem>>, vector<16xf32>,
        tpu.vector_store %arg7[%swap3A_503, %swap3A_504, %swap3A_505], %gather3A_496 {strides = array<i32>} : memref<5x10x512xf32, #tpu.memory_space<vmem>>, vector<16xf32>,
        %gather3A_507 = tpu.vector_load_idx %arg6[%add3A_442, %broadcast_in_dim3A_15] : memref<2560x16xf32, #tpu.memory_space<vmem>>[vector<16xi32>, vector<16xi32>], vector<16xf32>,
        %mul3A_508 = arith.constant 32 : i32
        %mul3A_509 = arith.muli %scan3A_434, %mul3A_508 : i32
        %add3A_510 = arith.constant 0 : i32
        %add3A_511 = arith.addi %mul3A_509, %add3A_510 : i32
        %swap3A_512 = arith.constant 4 : i32
        %swap3A_513 = arith.constant 6 : i32
        %swap3A_514 = arith.index_cast %swap3A_512 : i32 to index
        %swap3A_515 = arith.index_cast %swap3A_513 : i32 to index
        %swap3A_516 = arith.index_cast %add3A_511 : i32 to index
        %swap3A_517 = tpu.vector_load %arg7[%swap3A_514, %swap3A_515, %swap3A_516] {strides = array<i32>} : memref<5x10x512xf32, #tpu.memory_space<vmem>>, vector<16xf32>,
        tpu.vector_store %arg7[%swap3A_514, %swap3A_515, %swap3A_516], %gather3A_507 {strides = array<i32>} : memref<5x10x512xf32, #tpu.memory_space<vmem>>, vector<16xf32>,
        %gather3A_518 = tpu.vector_load_idx %arg6[%add3A_442, %broadcast_in_dim3A_17] : memref<2560x16xf32, #tpu.memory_space<vmem>>[vector<16xi32>, vector<16xi32>], vector<16xf32>,
        %mul3A_519 = arith.constant 32 : i32
        %mul3A_520 = arith.muli %scan3A_434, %mul3A_519 : i32
        %add3A_521 = arith.constant 0 : i32
        %add3A_522 = arith.addi %mul3A_520, %add3A_521 : i32
        %swap3A_523 = arith.constant 4 : i32
        %swap3A_524 = arith.constant 7 : i32
        %swap3A_525 = arith.index_cast %swap3A_523 : i32 to index
        %swap3A_526 = arith.index_cast %swap3A_524 : i32 to index
        %swap3A_527 = arith.index_cast %add3A_522 : i32 to index
        %swap3A_528 = tpu.vector_load %arg7[%swap3A_525, %swap3A_526, %swap3A_527] {strides = array<i32>} : memref<5x10x512xf32, #tpu.memory_space<vmem>>, vector<16xf32>,
        tpu.vector_store %arg7[%swap3A_525, %swap3A_526, %swap3A_527], %gather3A_518 {strides = array<i32>} : memref<5x10x512xf32, #tpu.memory_space<vmem>>, vector<16xf32>,
        %gather3A_529 = tpu.vector_load_idx %arg6[%add3A_442, %broadcast_in_dim3A_19] : memref<2560x16xf32, #tpu.memory_space<vmem>>[vector<16xi32>, vector<16xi32>], vector<16xf32>,
        %mul3A_530 = arith.constant 32 : i32
        %mul3A_531 = arith.muli %scan3A_434, %mul3A_530 : i32
        %add3A_532 = arith.constant 0 : i32
        %add3A_533 = arith.addi %mul3A_531, %add3A_532 : i32
        %swap3A_534 = arith.constant 4 : i32
        %swap3A_535 = arith.constant 8 : i32
        %swap3A_536 = arith.index_cast %swap3A_534 : i32 to index
        %swap3A_537 = arith.index_cast %swap3A_535 : i32 to index
        %swap3A_538 = arith.index_cast %add3A_533 : i32 to index
        %swap3A_539 = tpu.vector_load %arg7[%swap3A_536, %swap3A_537, %swap3A_538] {strides = array<i32>} : memref<5x10x512xf32, #tpu.memory_space<vmem>>, vector<16xf32>,
        tpu.vector_store %arg7[%swap3A_536, %swap3A_537, %swap3A_538], %gather3A_529 {strides = array<i32>} : memref<5x10x512xf32, #tpu.memory_space<vmem>>, vector<16xf32>,
        %gather3A_540 = tpu.vector_load_idx %arg6[%add3A_442, %broadcast_in_dim3A_21] : memref<2560x16xf32, #tpu.memory_space<vmem>>[vector<16xi32>, vector<16xi32>], vector<16xf32>,
        %mul3A_541 = arith.constant 32 : i32
        %mul3A_542 = arith.muli %scan3A_434, %mul3A_541 : i32
        %add3A_543 = arith.constant 0 : i32
        %add3A_544 = arith.addi %mul3A_542, %add3A_543 : i32
        %swap3A_545 = arith.constant 4 : i32
        %swap3A_546 = arith.constant 9 : i32
        %swap3A_547 = arith.index_cast %swap3A_545 : i32 to index
        %swap3A_548 = arith.index_cast %swap3A_546 : i32 to index
        %swap3A_549 = arith.index_cast %add3A_544 : i32 to index
        %swap3A_550 = tpu.vector_load %arg7[%swap3A_547, %swap3A_548, %swap3A_549] {strides = array<i32>} : memref<5x10x512xf32, #tpu.memory_space<vmem>>, vector<16xf32>,
        tpu.vector_store %arg7[%swap3A_547, %swap3A_548, %swap3A_549], %gather3A_540 {strides = array<i32>} : memref<5x10x512xf32, #tpu.memory_space<vmem>>, vector<16xf32>,
        %mul3A_551 = arith.constant 32 : i32
        %mul3A_552 = arith.muli %scan3A_434, %mul3A_551 : i32
        %add3A_553 = arith.constant 2048 : i32
        %add3A_554 = arith.addi %add3A_553, %mul3A_552 : i32
        %add3A_555 = arith.constant 16 : i32
        %add3A_556 = arith.addi %add3A_554, %add3A_555 : i32
        %add3A_557 = vector.broadcast %add3A_556 : i32 to vector<16xi32>
        %add3A_558 = arith.addi %add3A_557, %iota3A : vector<16xi32>
        %gather3A_559 = tpu.vector_load_idx %arg6[%add3A_558, %broadcast_in_dim3A_3] : memref<2560x16xf32, #tpu.memory_space<vmem>>[vector<16xi32>, vector<16xi32>], vector<16xf32>,
        %mul3A_560 = arith.constant 32 : i32
        %mul3A_561 = arith.muli %scan3A_434, %mul3A_560 : i32
        %add3A_562 = arith.constant 16 : i32
        %add3A_563 = arith.addi %mul3A_561, %add3A_562 : i32
        %swap3A_564 = arith.constant 4 : i32
        %swap3A_565 = arith.constant 0 : i32
        %swap3A_566 = arith.index_cast %swap3A_564 : i32 to index
        %swap3A_567 = arith.index_cast %swap3A_565 : i32 to index
        %swap3A_568 = arith.index_cast %add3A_563 : i32 to index
        %swap3A_569 = tpu.vector_load %arg7[%swap3A_566, %swap3A_567, %swap3A_568] {strides = array<i32>} : memref<5x10x512xf32, #tpu.memory_space<vmem>>, vector<16xf32>,
        tpu.vector_store %arg7[%swap3A_566, %swap3A_567, %swap3A_568], %gather3A_559 {strides = array<i32>} : memref<5x10x512xf32, #tpu.memory_space<vmem>>, vector<16xf32>,
        %gather3A_570 = tpu.vector_load_idx %arg6[%add3A_558, %broadcast_in_dim3A_5] : memref<2560x16xf32, #tpu.memory_space<vmem>>[vector<16xi32>, vector<16xi32>], vector<16xf32>,
        %mul3A_571 = arith.constant 32 : i32
        %mul3A_572 = arith.muli %scan3A_434, %mul3A_571 : i32
        %add3A_573 = arith.constant 16 : i32
        %add3A_574 = arith.addi %mul3A_572, %add3A_573 : i32
        %swap3A_575 = arith.constant 4 : i32
        %swap3A_576 = arith.constant 1 : i32
        %swap3A_577 = arith.index_cast %swap3A_575 : i32 to index
        %swap3A_578 = arith.index_cast %swap3A_576 : i32 to index
        %swap3A_579 = arith.index_cast %add3A_574 : i32 to index
        %swap3A_580 = tpu.vector_load %arg7[%swap3A_577, %swap3A_578, %swap3A_579] {strides = array<i32>} : memref<5x10x512xf32, #tpu.memory_space<vmem>>, vector<16xf32>,
        tpu.vector_store %arg7[%swap3A_577, %swap3A_578, %swap3A_579], %gather3A_570 {strides = array<i32>} : memref<5x10x512xf32, #tpu.memory_space<vmem>>, vector<16xf32>,
        %gather3A_581 = tpu.vector_load_idx %arg6[%add3A_558, %broadcast_in_dim3A_7] : memref<2560x16xf32, #tpu.memory_space<vmem>>[vector<16xi32>, vector<16xi32>], vector<16xf32>,
        %mul3A_582 = arith.constant 32 : i32
        %mul3A_583 = arith.muli %scan3A_434, %mul3A_582 : i32
        %add3A_584 = arith.constant 16 : i32
        %add3A_585 = arith.addi %mul3A_583, %add3A_584 : i32
        %swap3A_586 = arith.constant 4 : i32
        %swap3A_587 = arith.constant 2 : i32
        %swap3A_588 = arith.index_cast %swap3A_586 : i32 to index
        %swap3A_589 = arith.index_cast %swap3A_587 : i32 to index
        %swap3A_590 = arith.index_cast %add3A_585 : i32 to index
        %swap3A_591 = tpu.vector_load %arg7[%swap3A_588, %swap3A_589, %swap3A_590] {strides = array<i32>} : memref<5x10x512xf32, #tpu.memory_space<vmem>>, vector<16xf32>,
        tpu.vector_store %arg7[%swap3A_588, %swap3A_589, %swap3A_590], %gather3A_581 {strides = array<i32>} : memref<5x10x512xf32, #tpu.memory_space<vmem>>, vector<16xf32>,
        %gather3A_592 = tpu.vector_load_idx %arg6[%add3A_558, %broadcast_in_dim3A_9] : memref<2560x16xf32, #tpu.memory_space<vmem>>[vector<16xi32>, vector<16xi32>], vector<16xf32>,
        %mul3A_593 = arith.constant 32 : i32
        %mul3A_594 = arith.muli %scan3A_434, %mul3A_593 : i32
        %add3A_595 = arith.constant 16 : i32
        %add3A_596 = arith.addi %mul3A_594, %add3A_595 : i32
        %swap3A_597 = arith.constant 4 : i32
        %swap3A_598 = arith.constant 3 : i32
        %swap3A_599 = arith.index_cast %swap3A_597 : i32 to index
        %swap3A_600 = arith.index_cast %swap3A_598 : i32 to index
        %swap3A_601 = arith.index_cast %add3A_596 : i32 to index
        %swap3A_602 = tpu.vector_load %arg7[%swap3A_599, %swap3A_600, %swap3A_601] {strides = array<i32>} : memref<5x10x512xf32, #tpu.memory_space<vmem>>, vector<16xf32>,
        tpu.vector_store %arg7[%swap3A_599, %swap3A_600, %swap3A_601], %gather3A_592 {strides = array<i32>} : memref<5x10x512xf32, #tpu.memory_space<vmem>>, vector<16xf32>,
        %gather3A_603 = tpu.vector_load_idx %arg6[%add3A_558, %broadcast_in_dim3A_11] : memref<2560x16xf32, #tpu.memory_space<vmem>>[vector<16xi32>, vector<16xi32>], vector<16xf32>,
        %mul3A_604 = arith.constant 32 : i32
        %mul3A_605 = arith.muli %scan3A_434, %mul3A_604 : i32
        %add3A_606 = arith.constant 16 : i32
        %add3A_607 = arith.addi %mul3A_605, %add3A_606 : i32
        %swap3A_608 = arith.constant 4 : i32
        %swap3A_609 = arith.constant 4 : i32
        %swap3A_610 = arith.index_cast %swap3A_608 : i32 to index
        %swap3A_611 = arith.index_cast %swap3A_609 : i32 to index
        %swap3A_612 = arith.index_cast %add3A_607 : i32 to index
        %swap3A_613 = tpu.vector_load %arg7[%swap3A_610, %swap3A_611, %swap3A_612] {strides = array<i32>} : memref<5x10x512xf32, #tpu.memory_space<vmem>>, vector<16xf32>,
        tpu.vector_store %arg7[%swap3A_610, %swap3A_611, %swap3A_612], %gather3A_603 {strides = array<i32>} : memref<5x10x512xf32, #tpu.memory_space<vmem>>, vector<16xf32>,
        %gather3A_614 = tpu.vector_load_idx %arg6[%add3A_558, %broadcast_in_dim3A_13] : memref<2560x16xf32, #tpu.memory_space<vmem>>[vector<16xi32>, vector<16xi32>], vector<16xf32>,
        %mul3A_615 = arith.constant 32 : i32
        %mul3A_616 = arith.muli %scan3A_434, %mul3A_615 : i32
        %add3A_617 = arith.constant 16 : i32
        %add3A_618 = arith.addi %mul3A_616, %add3A_617 : i32
        %swap3A_619 = arith.constant 4 : i32
        %swap3A_620 = arith.constant 5 : i32
        %swap3A_621 = arith.index_cast %swap3A_619 : i32 to index
        %swap3A_622 = arith.index_cast %swap3A_620 : i32 to index
        %swap3A_623 = arith.index_cast %add3A_618 : i32 to index
        %swap3A_624 = tpu.vector_load %arg7[%swap3A_621, %swap3A_622, %swap3A_623] {strides = array<i32>} : memref<5x10x512xf32, #tpu.memory_space<vmem>>, vector<16xf32>,
        tpu.vector_store %arg7[%swap3A_621, %swap3A_622, %swap3A_623], %gather3A_614 {strides = array<i32>} : memref<5x10x512xf32, #tpu.memory_space<vmem>>, vector<16xf32>,
        %gather3A_625 = tpu.vector_load_idx %arg6[%add3A_558, %broadcast_in_dim3A_15] : memref<2560x16xf32, #tpu.memory_space<vmem>>[vector<16xi32>, vector<16xi32>], vector<16xf32>,
        %mul3A_626 = arith.constant 32 : i32
        %mul3A_627 = arith.muli %scan3A_434, %mul3A_626 : i32
        %add3A_628 = arith.constant 16 : i32
        %add3A_629 = arith.addi %mul3A_627, %add3A_628 : i32
        %swap3A_630 = arith.constant 4 : i32
        %swap3A_631 = arith.constant 6 : i32
        %swap3A_632 = arith.index_cast %swap3A_630 : i32 to index
        %swap3A_633 = arith.index_cast %swap3A_631 : i32 to index
        %swap3A_634 = arith.index_cast %add3A_629 : i32 to index
        %swap3A_635 = tpu.vector_load %arg7[%swap3A_632, %swap3A_633, %swap3A_634] {strides = array<i32>} : memref<5x10x512xf32, #tpu.memory_space<vmem>>, vector<16xf32>,
        tpu.vector_store %arg7[%swap3A_632, %swap3A_633, %swap3A_634], %gather3A_625 {strides = array<i32>} : memref<5x10x512xf32, #tpu.memory_space<vmem>>, vector<16xf32>,
        %gather3A_636 = tpu.vector_load_idx %arg6[%add3A_558, %broadcast_in_dim3A_17] : memref<2560x16xf32, #tpu.memory_space<vmem>>[vector<16xi32>, vector<16xi32>], vector<16xf32>,
        %mul3A_637 = arith.constant 32 : i32
        %mul3A_638 = arith.muli %scan3A_434, %mul3A_637 : i32
        %add3A_639 = arith.constant 16 : i32
        %add3A_640 = arith.addi %mul3A_638, %add3A_639 : i32
        %swap3A_641 = arith.constant 4 : i32
        %swap3A_642 = arith.constant 7 : i32
        %swap3A_643 = arith.index_cast %swap3A_641 : i32 to index
        %swap3A_644 = arith.index_cast %swap3A_642 : i32 to index
        %swap3A_645 = arith.index_cast %add3A_640 : i32 to index
        %swap3A_646 = tpu.vector_load %arg7[%swap3A_643, %swap3A_644, %swap3A_645] {strides = array<i32>} : memref<5x10x512xf32, #tpu.memory_space<vmem>>, vector<16xf32>,
        tpu.vector_store %arg7[%swap3A_643, %swap3A_644, %swap3A_645], %gather3A_636 {strides = array<i32>} : memref<5x10x512xf32, #tpu.memory_space<vmem>>, vector<16xf32>,
        %gather3A_647 = tpu.vector_load_idx %arg6[%add3A_558, %broadcast_in_dim3A_19] : memref<2560x16xf32, #tpu.memory_space<vmem>>[vector<16xi32>, vector<16xi32>], vector<16xf32>,
        %mul3A_648 = arith.constant 32 : i32
        %mul3A_649 = arith.muli %scan3A_434, %mul3A_648 : i32
        %add3A_650 = arith.constant 16 : i32
        %add3A_651 = arith.addi %mul3A_649, %add3A_650 : i32
        %swap3A_652 = arith.constant 4 : i32
        %swap3A_653 = arith.constant 8 : i32
        %swap3A_654 = arith.index_cast %swap3A_652 : i32 to index
        %swap3A_655 = arith.index_cast %swap3A_653 : i32 to index
        %swap3A_656 = arith.index_cast %add3A_651 : i32 to index
        %swap3A_657 = tpu.vector_load %arg7[%swap3A_654, %swap3A_655, %swap3A_656] {strides = array<i32>} : memref<5x10x512xf32, #tpu.memory_space<vmem>>, vector<16xf32>,
        tpu.vector_store %arg7[%swap3A_654, %swap3A_655, %swap3A_656], %gather3A_647 {strides = array<i32>} : memref<5x10x512xf32, #tpu.memory_space<vmem>>, vector<16xf32>,
        %gather3A_658 = tpu.vector_load_idx %arg6[%add3A_558, %broadcast_in_dim3A_21] : memref<2560x16xf32, #tpu.memory_space<vmem>>[vector<16xi32>, vector<16xi32>], vector<16xf32>,
        %mul3A_659 = arith.constant 32 : i32
        %mul3A_660 = arith.muli %scan3A_434, %mul3A_659 : i32
        %add3A_661 = arith.constant 16 : i32
        %add3A_662 = arith.addi %mul3A_660, %add3A_661 : i32
        %swap3A_663 = arith.constant 4 : i32
        %swap3A_664 = arith.constant 9 : i32
        %swap3A_665 = arith.index_cast %swap3A_663 : i32 to index
        %swap3A_666 = arith.index_cast %swap3A_664 : i32 to index
        %swap3A_667 = arith.index_cast %add3A_662 : i32 to index
        %swap3A_668 = tpu.vector_load %arg7[%swap3A_665, %swap3A_666, %swap3A_667] {strides = array<i32>} : memref<5x10x512xf32, #tpu.memory_space<vmem>>, vector<16xf32>,
        tpu.vector_store %arg7[%swap3A_665, %swap3A_666, %swap3A_667], %gather3A_658 {strides = array<i32>} : memref<5x10x512xf32, #tpu.memory_space<vmem>>, vector<16xf32>,
      }
      %scan3A_412 = arith.constant 16 : i32
      %mul3A_413 = arith.constant 16384 : i32
      %mul3A_414 = arith.muli %add3A_383, %mul3A_413 : i32
      %add3A_415 = arith.addi %mul3A_414, %mul3A_2 : i32
      %dma_start3A_416 = arith.constant 4 : i32
      %dma_start3A_417 = arith.constant 0 : i32
      %dma_start3A_418 = arith.constant 0 : i32
      %dma_start3A_419 = tpu.memref_slice %arg7[%dma_start3A_416, %dma_start3A_417, %dma_start3A_418] : memref<5x10x512xf32, #tpu.memory_space<vmem>> -> memref<1x10x512xf32, #tpu.memory_space<vmem>>
      %dma_start3A_420 = tpu.memref_squeeze %dma_start3A_419 : memref<1x10x512xf32, #tpu.memory_space<vmem>> -> memref<10x512xf32, #tpu.memory_space<vmem>>
      %dma_start3A_421 = arith.constant 0 : i32
      %dma_start3A_422 = tpu.memref_slice %arg4[%dma_start3A_421, %add3A_415] : memref<10x819200xf32, #tpu.memory_space<hbm>> -> memref<10x512xf32, #tpu.memory_space<hbm>>
      %dma_start3A_423 = arith.constant 0 : i32
      %dma_start3A_424 = tpu.memref_slice %arg4[%dma_start3A_423, %add3A_415] : memref<10x819200xf32, #tpu.memory_space<hbm>> -> memref<10x512xf32, #tpu.memory_space<hbm>>
      %dma_start3A_425 = arith.constant 0 : i32
      %dma_start3A_426 = arith.constant 0 : i32
      %dma_start3A_427 = tpu.memref_slice %arg7[%dma_start3A_416, %dma_start3A_425, %dma_start3A_426] : memref<5x10x512xf32, #tpu.memory_space<vmem>> -> memref<1x10x512xf32, #tpu.memory_space<vmem>>
      %dma_start3A_428 = tpu.memref_squeeze %dma_start3A_427 : memref<1x10x512xf32, #tpu.memory_space<vmem>> -> memref<10x512xf32, #tpu.memory_space<vmem>>
      tpu.enqueue_dma source(%dma_start3A_428 : memref<10x512xf32, #tpu.memory_space<vmem>>) target(%dma_start3A_424 : memref<10x512xf32, #tpu.memory_space<hbm>>) target_semaphore(%arg22 : memref<!tpu.dma_semaphore, #tpu.memory_space<semaphore_mem>>)
      %lt3A_429 = arith.constant 9 : i32
      %lt3A_430 = arith.cmpi slt, %scan3A_164, %lt3A_429 : i32
      %convert_element_type3A_431 = arith.extui %lt3A_430 : i1 to i32
      %cond3A_432 = arith.constant 0 : i32
      %cond3A_433 = arith.cmpi ne, %convert_element_type3A_431, %cond3A_432 : i32
      scf.if %cond3A_433 {
        %add3A_434 = arith.constant 5 : i32
        %add3A_435 = arith.addi %add3A_383, %add3A_434 : i32
        %mul3A_436 = arith.constant 16384 : i32
        %mul3A_437 = arith.muli %add3A_435, %mul3A_436 : i32
        %add3A_438 = arith.addi %mul3A_437, %mul3A_2 : i32
        %mul3A_439 = arith.constant 512 : i32
        %mul3A_440 = arith.muli %select_n3A_177, %mul3A_439 : i32
        %dma_wait3A_441 = arith.constant 4 : i32
        %dma_wait3A_442 = tpu.memref_slice %arg5[%dma_wait3A_441, %mul3A_440] : memref<5x1024xi32, #tpu.memory_space<vmem>> -> memref<1x512xi32, #tpu.memory_space<vmem>>
        %dma_wait3A_443 = tpu.memref_squeeze %dma_wait3A_442 : memref<1x512xi32, #tpu.memory_space<vmem>> -> memref<512xi32, #tpu.memory_space<vmem>>
        %dma_wait3A_444 = tpu.memref_slice %arg2[%add3A_438] : memref<819200xi32, #tpu.memory_space<hbm>> -> memref<512xi32, #tpu.memory_space<hbm>>
        %dma_wait3A_445 = tpu.memref_slice %arg5[%dma_wait3A_441, %mul3A_440] : memref<5x1024xi32, #tpu.memory_space<vmem>> -> memref<1x512xi32, #tpu.memory_space<vmem>>
        %dma_wait3A_446 = tpu.memref_squeeze %dma_wait3A_445 : memref<1x512xi32, #tpu.memory_space<vmem>> -> memref<512xi32, #tpu.memory_space<vmem>>
        %dma_wait3A_447 = tpu.memref_slice %arg2[%add3A_438] : memref<819200xi32, #tpu.memory_space<hbm>> -> memref<512xi32, #tpu.memory_space<hbm>>
        tpu.wait_dma2 semaphore(%arg17 : memref<!tpu.dma_semaphore, #tpu.memory_space<semaphore_mem>>) src(%dma_wait3A_447 : memref<512xi32, #tpu.memory_space<hbm>>) dst(%dma_wait3A_446 : memref<512xi32, #tpu.memory_space<vmem>>)
        %mul3A_448 = arith.constant 512 : i32
        %mul3A_449 = arith.muli %select_n3A_177, %mul3A_448 : i32
        %dma_start3A_450 = arith.constant 4 : i32
        %dma_start3A_451 = arith.constant 2048 : i32
        %dma_start3A_452 = arith.constant 0 : i32
        %dma_start3A_453 = tpu.memref_slice %arg6[%dma_start3A_451, %dma_start3A_452] : memref<2560x16xf32, #tpu.memory_space<vmem>> -> memref<512x16xf32, #tpu.memory_space<vmem>>
        %dma_start3A_454 = tpu.memref_slice %arg5[%dma_start3A_450, %mul3A_449] : memref<5x1024xi32, #tpu.memory_space<vmem>> -> memref<1x512xi32, #tpu.memory_space<vmem>>
        %dma_start3A_455 = tpu.memref_squeeze %dma_start3A_454 : memref<1x512xi32, #tpu.memory_space<vmem>> -> memref<512xi32, #tpu.memory_space<vmem>>
        %dma_start3A_456 = arith.constant 0 : i32
        %dma_start3A_457 = arith.constant 0 : i32
        %dma_start3A_458 = tpu.memref_slice %arg3[%dma_start3A_456, %dma_start3A_457] : memref<1015808x16xf32, #tpu.memory_space<hbm>> -> memref<1015808x16xf32, #tpu.memory_space<hbm>>
        tpu.enqueue_indirect_dma source(%dma_start3A_458 : memref<1015808x16xf32, #tpu.memory_space<hbm>>) target(%dma_start3A_453 : memref<512x16xf32, #tpu.memory_space<vmem>>) offsets(%dma_start3A_455 : memref<512xi32, #tpu.memory_space<vmem>>) semaphore(%arg12 : memref<!tpu.dma_semaphore, #tpu.memory_space<semaphore_mem>>)
      } else {
      }
    }
    %scan3A_89 = arith.constant 10 : i32
    %add3A_90 = arith.constant 737280 : i32
    %add3A_91 = arith.addi %add3A_90, %mul3A_2 : i32
    %dma_wait3A = arith.constant 0 : i32
    %dma_wait3A_92 = arith.constant 0 : i32
    %dma_wait3A_93 = arith.constant 0 : i32
    %dma_wait3A_94 = tpu.memref_slice %arg7[%dma_wait3A, %dma_wait3A_92, %dma_wait3A_93] : memref<5x10x512xf32, #tpu.memory_space<vmem>> -> memref<1x10x512xf32, #tpu.memory_space<vmem>>
    %dma_wait3A_95 = tpu.memref_squeeze %dma_wait3A_94 : memref<1x10x512xf32, #tpu.memory_space<vmem>> -> memref<10x512xf32, #tpu.memory_space<vmem>>
    %dma_wait3A_96 = arith.constant 0 : i32
    %dma_wait3A_97 = tpu.memref_slice %arg4[%dma_wait3A_96, %add3A_91] : memref<10x819200xf32, #tpu.memory_space<hbm>> -> memref<10x512xf32, #tpu.memory_space<hbm>>
    %dma_wait3A_98 = arith.constant 0 : i32
    %dma_wait3A_99 = tpu.memref_slice %arg4[%dma_wait3A_98, %add3A_91] : memref<10x819200xf32, #tpu.memory_space<hbm>> -> memref<10x512xf32, #tpu.memory_space<hbm>>
    %dma_wait3A_100 = arith.constant 0 : i32
    %dma_wait3A_101 = arith.constant 0 : i32
    %dma_wait3A_102 = tpu.memref_slice %arg7[%dma_wait3A, %dma_wait3A_100, %dma_wait3A_101] : memref<5x10x512xf32, #tpu.memory_space<vmem>> -> memref<1x10x512xf32, #tpu.memory_space<vmem>>
    %dma_wait3A_103 = tpu.memref_squeeze %dma_wait3A_102 : memref<1x10x512xf32, #tpu.memory_space<vmem>> -> memref<10x512xf32, #tpu.memory_space<vmem>>
    tpu.wait_dma2 semaphore(%arg18 : memref<!tpu.dma_semaphore, #tpu.memory_space<semaphore_mem>>) src(%dma_wait3A_103 : memref<10x512xf32, #tpu.memory_space<vmem>>) dst(%dma_wait3A_99 : memref<10x512xf32, #tpu.memory_space<hbm>>)
    %add3A_104 = arith.constant 753664 : i32
    %add3A_105 = arith.addi %add3A_104, %mul3A_2 : i32
    %dma_wait3A_106 = arith.constant 1 : i32
    %dma_wait3A_107 = arith.constant 0 : i32
    %dma_wait3A_108 = arith.constant 0 : i32
    %dma_wait3A_109 = tpu.memref_slice %arg7[%dma_wait3A_106, %dma_wait3A_107, %dma_wait3A_108] : memref<5x10x512xf32, #tpu.memory_space<vmem>> -> memref<1x10x512xf32, #tpu.memory_space<vmem>>
    %dma_wait3A_110 = tpu.memref_squeeze %dma_wait3A_109 : memref<1x10x512xf32, #tpu.memory_space<vmem>> -> memref<10x512xf32, #tpu.memory_space<vmem>>
    %dma_wait3A_111 = arith.constant 0 : i32
    %dma_wait3A_112 = tpu.memref_slice %arg4[%dma_wait3A_111, %add3A_105] : memref<10x819200xf32, #tpu.memory_space<hbm>> -> memref<10x512xf32, #tpu.memory_space<hbm>>
    %dma_wait3A_113 = arith.constant 0 : i32
    %dma_wait3A_114 = tpu.memref_slice %arg4[%dma_wait3A_113, %add3A_105] : memref<10x819200xf32, #tpu.memory_space<hbm>> -> memref<10x512xf32, #tpu.memory_space<hbm>>
    %dma_wait3A_115 = arith.constant 0 : i32
    %dma_wait3A_116 = arith.constant 0 : i32
    %dma_wait3A_117 = tpu.memref_slice %arg7[%dma_wait3A_106, %dma_wait3A_115, %dma_wait3A_116] : memref<5x10x512xf32, #tpu.memory_space<vmem>> -> memref<1x10x512xf32, #tpu.memory_space<vmem>>
    %dma_wait3A_118 = tpu.memref_squeeze %dma_wait3A_117 : memref<1x10x512xf32, #tpu.memory_space<vmem>> -> memref<10x512xf32, #tpu.memory_space<vmem>>
    tpu.wait_dma2 semaphore(%arg19 : memref<!tpu.dma_semaphore, #tpu.memory_space<semaphore_mem>>) src(%dma_wait3A_118 : memref<10x512xf32, #tpu.memory_space<vmem>>) dst(%dma_wait3A_114 : memref<10x512xf32, #tpu.memory_space<hbm>>)
    %add3A_119 = arith.constant 770048 : i32
    %add3A_120 = arith.addi %add3A_119, %mul3A_2 : i32
    %dma_wait3A_121 = arith.constant 2 : i32
    %dma_wait3A_122 = arith.constant 0 : i32
    %dma_wait3A_123 = arith.constant 0 : i32
    %dma_wait3A_124 = tpu.memref_slice %arg7[%dma_wait3A_121, %dma_wait3A_122, %dma_wait3A_123] : memref<5x10x512xf32, #tpu.memory_space<vmem>> -> memref<1x10x512xf32, #tpu.memory_space<vmem>>
    %dma_wait3A_125 = tpu.memref_squeeze %dma_wait3A_124 : memref<1x10x512xf32, #tpu.memory_space<vmem>> -> memref<10x512xf32, #tpu.memory_space<vmem>>
    %dma_wait3A_126 = arith.constant 0 : i32
    %dma_wait3A_127 = tpu.memref_slice %arg4[%dma_wait3A_126, %add3A_120] : memref<10x819200xf32, #tpu.memory_space<hbm>> -> memref<10x512xf32, #tpu.memory_space<hbm>>
    %dma_wait3A_128 = arith.constant 0 : i32
    %dma_wait3A_129 = tpu.memref_slice %arg4[%dma_wait3A_128, %add3A_120] : memref<10x819200xf32, #tpu.memory_space<hbm>> -> memref<10x512xf32, #tpu.memory_space<hbm>>
    %dma_wait3A_130 = arith.constant 0 : i32
    %dma_wait3A_131 = arith.constant 0 : i32
    %dma_wait3A_132 = tpu.memref_slice %arg7[%dma_wait3A_121, %dma_wait3A_130, %dma_wait3A_131] : memref<5x10x512xf32, #tpu.memory_space<vmem>> -> memref<1x10x512xf32, #tpu.memory_space<vmem>>
    %dma_wait3A_133 = tpu.memref_squeeze %dma_wait3A_132 : memref<1x10x512xf32, #tpu.memory_space<vmem>> -> memref<10x512xf32, #tpu.memory_space<vmem>>
    tpu.wait_dma2 semaphore(%arg20 : memref<!tpu.dma_semaphore, #tpu.memory_space<semaphore_mem>>) src(%dma_wait3A_133 : memref<10x512xf32, #tpu.memory_space<vmem>>) dst(%dma_wait3A_129 : memref<10x512xf32, #tpu.memory_space<hbm>>)
    %add3A_134 = arith.constant 786432 : i32
    %add3A_135 = arith.addi %add3A_134, %mul3A_2 : i32
    %dma_wait3A_136 = arith.constant 3 : i32
    %dma_wait3A_137 = arith.constant 0 : i32
    %dma_wait3A_138 = arith.constant 0 : i32
    %dma_wait3A_139 = tpu.memref_slice %arg7[%dma_wait3A_136, %dma_wait3A_137, %dma_wait3A_138] : memref<5x10x512xf32, #tpu.memory_space<vmem>> -> memref<1x10x512xf32, #tpu.memory_space<vmem>>
    %dma_wait3A_140 = tpu.memref_squeeze %dma_wait3A_139 : memref<1x10x512xf32, #tpu.memory_space<vmem>> -> memref<10x512xf32, #tpu.memory_space<vmem>>
    %dma_wait3A_141 = arith.constant 0 : i32
    %dma_wait3A_142 = tpu.memref_slice %arg4[%dma_wait3A_141, %add3A_135] : memref<10x819200xf32, #tpu.memory_space<hbm>> -> memref<10x512xf32, #tpu.memory_space<hbm>>
    %dma_wait3A_143 = arith.constant 0 : i32
    %dma_wait3A_144 = tpu.memref_slice %arg4[%dma_wait3A_143, %add3A_135] : memref<10x819200xf32, #tpu.memory_space<hbm>> -> memref<10x512xf32, #tpu.memory_space<hbm>>
    %dma_wait3A_145 = arith.constant 0 : i32
    %dma_wait3A_146 = arith.constant 0 : i32
    %dma_wait3A_147 = tpu.memref_slice %arg7[%dma_wait3A_136, %dma_wait3A_145, %dma_wait3A_146] : memref<5x10x512xf32, #tpu.memory_space<vmem>> -> memref<1x10x512xf32, #tpu.memory_space<vmem>>
    %dma_wait3A_148 = tpu.memref_squeeze %dma_wait3A_147 : memref<1x10x512xf32, #tpu.memory_space<vmem>> -> memref<10x512xf32, #tpu.memory_space<vmem>>
    tpu.wait_dma2 semaphore(%arg21 : memref<!tpu.dma_semaphore, #tpu.memory_space<semaphore_mem>>) src(%dma_wait3A_148 : memref<10x512xf32, #tpu.memory_space<vmem>>) dst(%dma_wait3A_144 : memref<10x512xf32, #tpu.memory_space<hbm>>)
    %add3A_149 = arith.constant 802816 : i32
    %add3A_150 = arith.addi %add3A_149, %mul3A_2 : i32
    %dma_wait3A_151 = arith.constant 4 : i32
    %dma_wait3A_152 = arith.constant 0 : i32
    %dma_wait3A_153 = arith.constant 0 : i32
    %dma_wait3A_154 = tpu.memref_slice %arg7[%dma_wait3A_151, %dma_wait3A_152, %dma_wait3A_153] : memref<5x10x512xf32, #tpu.memory_space<vmem>> -> memref<1x10x512xf32, #tpu.memory_space<vmem>>
    %dma_wait3A_155 = tpu.memref_squeeze %dma_wait3A_154 : memref<1x10x512xf32, #tpu.memory_space<vmem>> -> memref<10x512xf32, #tpu.memory_space<vmem>>
    %dma_wait3A_156 = arith.constant 0 : i32
    %dma_wait3A_157 = tpu.memref_slice %arg4[%dma_wait3A_156, %add3A_150] : memref<10x819200xf32, #tpu.memory_space<hbm>> -> memref<10x512xf32, #tpu.memory_space<hbm>>
    %dma_wait3A_158 = arith.constant 0 : i32
    %dma_wait3A_159 = tpu.memref_slice %arg4[%dma_wait3A_158, %add3A_150] : memref<10x819200xf32, #tpu.memory_space<hbm>> -> memref<10x512xf32, #tpu.memory_space<hbm>>
    %dma_wait3A_160 = arith.constant 0 : i32
    %dma_wait3A_161 = arith.constant 0 : i32
    %dma_wait3A_162 = tpu.memref_slice %arg7[%dma_wait3A_151, %dma_wait3A_160, %dma_wait3A_161] : memref<5x10x512xf32, #tpu.memory_space<vmem>> -> memref<1x10x512xf32, #tpu.memory_space<vmem>>
    %dma_wait3A_163 = tpu.memref_squeeze %dma_wait3A_162 : memref<1x10x512xf32, #tpu.memory_space<vmem>> -> memref<10x512xf32, #tpu.memory_space<vmem>>
    tpu.wait_dma2 semaphore(%arg22 : memref<!tpu.dma_semaphore, #tpu.memory_space<semaphore_mem>>) src(%dma_wait3A_163 : memref<10x512xf32, #tpu.memory_space<vmem>>) dst(%dma_wait3A_159 : memref<10x512xf32, #tpu.memory_space<hbm>>)
    return
  }
}

module attributes {stable_mosaic.version = 14 : i64} {
  func.func @_proj_body(%arg0: i32, %arg1: memref<32x16384xf32, #tpu.memory_space<vmem>>, %arg2: memref<32x16xbf16, #tpu.memory_space<vmem>>, %arg3: memref<1x16xf32, #tpu.memory_space<vmem>>, %arg4: memref<2048x128xf32, #tpu.memory_space<vmem>>) attributes {dimension_semantics = [#tpu.dimension_semantics<arbitrary>], iteration_bounds = array<i64: 62>, scalar_prefetch = 0 : i64, scratch_operands = 0 : i64, tpu.core_type = #tpu.core_type<tc>, window_params = [{transform_indices = @transform_0, window_bounds = array<i64: 32, 16384>}, {pipeline_mode = #tpu.pipeline_mode<synchronous>, transform_indices = @transform_1, window_bounds = array<i64: 32, 16>}, {pipeline_mode = #tpu.pipeline_mode<synchronous>, transform_indices = @transform_2, window_bounds = array<i64: 1, 16>}, {transform_indices = @transform_3, window_bounds = array<i64: 2048, 128>}]} {
    %get3A = arith.constant 0 : index
    %get3A_0 = arith.constant 0 : index
    %get3A_1 = vector.load %arg1[%get3A, %get3A_0] : memref<32x16384xf32, #tpu.memory_space<vmem>>, vector<32x16384xf32>
    %convert_element_type3A = arith.truncf %get3A_1 : vector<32x16384xf32> to vector<32x16384xbf16>
    %slice3A = vector.extract_strided_slice %convert_element_type3A {offsets = [0, 0], sizes = [32, 2048], strides = [1, 1]} : vector<32x16384xbf16> to vector<32x2048xbf16>
    %get3A_2 = arith.constant 0 : index
    %get3A_3 = arith.constant 0 : index
    %get3A_4 = vector.load %arg2[%get3A_2, %get3A_3] : memref<32x16xbf16, #tpu.memory_space<vmem>>, vector<32x16xbf16>
    %dot_general3A = arith.constant dense<0.000000e+00> : vector<2048x16xf32>
    %dot_general3A_5 = tpu.matmul %slice3A, %get3A_4, %dot_general3A {dimension_numbers = #tpu.dot_dimension_numbers<[0], [0], [1], [1], [0, 1, 1, 1], [], []>, transpose_lhs_hint = true} : vector<32x2048xbf16>, vector<32x16xbf16>, vector<2048x16xf32> -> vector<2048x16xf32>
    %get3A_6 = arith.constant 0 : index
    %get3A_7 = arith.constant 0 : index
    %get3A_8 = vector.load %arg3[%get3A_6, %get3A_7] : memref<1x16xf32, #tpu.memory_space<vmem>>, vector<1x16xf32>
    %add3A = vector.broadcast %get3A_8 : vector<1x16xf32> to vector<2048x16xf32>
    %add3A_9 = arith.addf %dot_general3A_5, %add3A : vector<2048x16xf32>
    %swap3A = arith.constant 0 : index
    %swap3A_10 = arith.constant 0 : index
    %swap3A_11 = vector.load %arg4[%swap3A, %swap3A_10] : memref<2048x128xf32, #tpu.memory_space<vmem>>, vector<2048x16xf32>
    tpu.vector_store %arg4[%swap3A, %swap3A_10], %add3A_9 {strides = array<i32>} : memref<2048x128xf32, #tpu.memory_space<vmem>>, vector<2048x16xf32>,
    %slice3A_12 = vector.extract_strided_slice %convert_element_type3A {offsets = [0, 2048], sizes = [32, 2048], strides = [1, 1]} : vector<32x16384xbf16> to vector<32x2048xbf16>
    %get3A_13 = arith.constant 0 : index
    %get3A_14 = arith.constant 0 : index
    %get3A_15 = vector.load %arg2[%get3A_13, %get3A_14] : memref<32x16xbf16, #tpu.memory_space<vmem>>, vector<32x16xbf16>
    %dot_general3A_16 = arith.constant dense<0.000000e+00> : vector<2048x16xf32>
    %dot_general3A_17 = tpu.matmul %slice3A_12, %get3A_15, %dot_general3A_16 {dimension_numbers = #tpu.dot_dimension_numbers<[0], [0], [1], [1], [0, 1, 1, 1], [], []>, transpose_lhs_hint = true} : vector<32x2048xbf16>, vector<32x16xbf16>, vector<2048x16xf32> -> vector<2048x16xf32>
    %get3A_18 = arith.constant 0 : index
    %get3A_19 = arith.constant 0 : index
    %get3A_20 = vector.load %arg3[%get3A_18, %get3A_19] : memref<1x16xf32, #tpu.memory_space<vmem>>, vector<1x16xf32>
    %add3A_21 = vector.broadcast %get3A_20 : vector<1x16xf32> to vector<2048x16xf32>
    %add3A_22 = arith.addf %dot_general3A_17, %add3A_21 : vector<2048x16xf32>
    %swap3A_23 = arith.constant 0 : index
    %swap3A_24 = arith.constant 16 : index
    %swap3A_25 = vector.load %arg4[%swap3A_23, %swap3A_24] : memref<2048x128xf32, #tpu.memory_space<vmem>>, vector<2048x16xf32>
    tpu.vector_store %arg4[%swap3A_23, %swap3A_24], %add3A_22 {strides = array<i32>} : memref<2048x128xf32, #tpu.memory_space<vmem>>, vector<2048x16xf32>,
    %slice3A_26 = vector.extract_strided_slice %convert_element_type3A {offsets = [0, 4096], sizes = [32, 2048], strides = [1, 1]} : vector<32x16384xbf16> to vector<32x2048xbf16>
    %get3A_27 = arith.constant 0 : index
    %get3A_28 = arith.constant 0 : index
    %get3A_29 = vector.load %arg2[%get3A_27, %get3A_28] : memref<32x16xbf16, #tpu.memory_space<vmem>>, vector<32x16xbf16>
    %dot_general3A_30 = arith.constant dense<0.000000e+00> : vector<2048x16xf32>
    %dot_general3A_31 = tpu.matmul %slice3A_26, %get3A_29, %dot_general3A_30 {dimension_numbers = #tpu.dot_dimension_numbers<[0], [0], [1], [1], [0, 1, 1, 1], [], []>, transpose_lhs_hint = true} : vector<32x2048xbf16>, vector<32x16xbf16>, vector<2048x16xf32> -> vector<2048x16xf32>
    %get3A_32 = arith.constant 0 : index
    %get3A_33 = arith.constant 0 : index
    %get3A_34 = vector.load %arg3[%get3A_32, %get3A_33] : memref<1x16xf32, #tpu.memory_space<vmem>>, vector<1x16xf32>
    %add3A_35 = vector.broadcast %get3A_34 : vector<1x16xf32> to vector<2048x16xf32>
    %add3A_36 = arith.addf %dot_general3A_31, %add3A_35 : vector<2048x16xf32>
    %swap3A_37 = arith.constant 0 : index
    %swap3A_38 = arith.constant 32 : index
    %swap3A_39 = vector.load %arg4[%swap3A_37, %swap3A_38] : memref<2048x128xf32, #tpu.memory_space<vmem>>, vector<2048x16xf32>
    tpu.vector_store %arg4[%swap3A_37, %swap3A_38], %add3A_36 {strides = array<i32>} : memref<2048x128xf32, #tpu.memory_space<vmem>>, vector<2048x16xf32>,
    %slice3A_40 = vector.extract_strided_slice %convert_element_type3A {offsets = [0, 6144], sizes = [32, 2048], strides = [1, 1]} : vector<32x16384xbf16> to vector<32x2048xbf16>
    %get3A_41 = arith.constant 0 : index
    %get3A_42 = arith.constant 0 : index
    %get3A_43 = vector.load %arg2[%get3A_41, %get3A_42] : memref<32x16xbf16, #tpu.memory_space<vmem>>, vector<32x16xbf16>
    %dot_general3A_44 = arith.constant dense<0.000000e+00> : vector<2048x16xf32>
    %dot_general3A_45 = tpu.matmul %slice3A_40, %get3A_43, %dot_general3A_44 {dimension_numbers = #tpu.dot_dimension_numbers<[0], [0], [1], [1], [0, 1, 1, 1], [], []>, transpose_lhs_hint = true} : vector<32x2048xbf16>, vector<32x16xbf16>, vector<2048x16xf32> -> vector<2048x16xf32>
    %get3A_46 = arith.constant 0 : index
    %get3A_47 = arith.constant 0 : index
    %get3A_48 = vector.load %arg3[%get3A_46, %get3A_47] : memref<1x16xf32, #tpu.memory_space<vmem>>, vector<1x16xf32>
    %add3A_49 = vector.broadcast %get3A_48 : vector<1x16xf32> to vector<2048x16xf32>
    %add3A_50 = arith.addf %dot_general3A_45, %add3A_49 : vector<2048x16xf32>
    %swap3A_51 = arith.constant 0 : index
    %swap3A_52 = arith.constant 48 : index
    %swap3A_53 = vector.load %arg4[%swap3A_51, %swap3A_52] : memref<2048x128xf32, #tpu.memory_space<vmem>>, vector<2048x16xf32>
    tpu.vector_store %arg4[%swap3A_51, %swap3A_52], %add3A_50 {strides = array<i32>} : memref<2048x128xf32, #tpu.memory_space<vmem>>, vector<2048x16xf32>,
    %slice3A_54 = vector.extract_strided_slice %convert_element_type3A {offsets = [0, 8192], sizes = [32, 2048], strides = [1, 1]} : vector<32x16384xbf16> to vector<32x2048xbf16>
    %get3A_55 = arith.constant 0 : index
    %get3A_56 = arith.constant 0 : index
    %get3A_57 = vector.load %arg2[%get3A_55, %get3A_56] : memref<32x16xbf16, #tpu.memory_space<vmem>>, vector<32x16xbf16>
    %dot_general3A_58 = arith.constant dense<0.000000e+00> : vector<2048x16xf32>
    %dot_general3A_59 = tpu.matmul %slice3A_54, %get3A_57, %dot_general3A_58 {dimension_numbers = #tpu.dot_dimension_numbers<[0], [0], [1], [1], [0, 1, 1, 1], [], []>, transpose_lhs_hint = true} : vector<32x2048xbf16>, vector<32x16xbf16>, vector<2048x16xf32> -> vector<2048x16xf32>
    %get3A_60 = arith.constant 0 : index
    %get3A_61 = arith.constant 0 : index
    %get3A_62 = vector.load %arg3[%get3A_60, %get3A_61] : memref<1x16xf32, #tpu.memory_space<vmem>>, vector<1x16xf32>
    %add3A_63 = vector.broadcast %get3A_62 : vector<1x16xf32> to vector<2048x16xf32>
    %add3A_64 = arith.addf %dot_general3A_59, %add3A_63 : vector<2048x16xf32>
    %swap3A_65 = arith.constant 0 : index
    %swap3A_66 = arith.constant 64 : index
    %swap3A_67 = vector.load %arg4[%swap3A_65, %swap3A_66] : memref<2048x128xf32, #tpu.memory_space<vmem>>, vector<2048x16xf32>
    tpu.vector_store %arg4[%swap3A_65, %swap3A_66], %add3A_64 {strides = array<i32>} : memref<2048x128xf32, #tpu.memory_space<vmem>>, vector<2048x16xf32>,
    %slice3A_68 = vector.extract_strided_slice %convert_element_type3A {offsets = [0, 10240], sizes = [32, 2048], strides = [1, 1]} : vector<32x16384xbf16> to vector<32x2048xbf16>
    %get3A_69 = arith.constant 0 : index
    %get3A_70 = arith.constant 0 : index
    %get3A_71 = vector.load %arg2[%get3A_69, %get3A_70] : memref<32x16xbf16, #tpu.memory_space<vmem>>, vector<32x16xbf16>
    %dot_general3A_72 = arith.constant dense<0.000000e+00> : vector<2048x16xf32>
    %dot_general3A_73 = tpu.matmul %slice3A_68, %get3A_71, %dot_general3A_72 {dimension_numbers = #tpu.dot_dimension_numbers<[0], [0], [1], [1], [0, 1, 1, 1], [], []>, transpose_lhs_hint = true} : vector<32x2048xbf16>, vector<32x16xbf16>, vector<2048x16xf32> -> vector<2048x16xf32>
    %get3A_74 = arith.constant 0 : index
    %get3A_75 = arith.constant 0 : index
    %get3A_76 = vector.load %arg3[%get3A_74, %get3A_75] : memref<1x16xf32, #tpu.memory_space<vmem>>, vector<1x16xf32>
    %add3A_77 = vector.broadcast %get3A_76 : vector<1x16xf32> to vector<2048x16xf32>
    %add3A_78 = arith.addf %dot_general3A_73, %add3A_77 : vector<2048x16xf32>
    %swap3A_79 = arith.constant 0 : index
    %swap3A_80 = arith.constant 80 : index
    %swap3A_81 = vector.load %arg4[%swap3A_79, %swap3A_80] : memref<2048x128xf32, #tpu.memory_space<vmem>>, vector<2048x16xf32>
    tpu.vector_store %arg4[%swap3A_79, %swap3A_80], %add3A_78 {strides = array<i32>} : memref<2048x128xf32, #tpu.memory_space<vmem>>, vector<2048x16xf32>,
    %slice3A_82 = vector.extract_strided_slice %convert_element_type3A {offsets = [0, 12288], sizes = [32, 2048], strides = [1, 1]} : vector<32x16384xbf16> to vector<32x2048xbf16>
    %get3A_83 = arith.constant 0 : index
    %get3A_84 = arith.constant 0 : index
    %get3A_85 = vector.load %arg2[%get3A_83, %get3A_84] : memref<32x16xbf16, #tpu.memory_space<vmem>>, vector<32x16xbf16>
    %dot_general3A_86 = arith.constant dense<0.000000e+00> : vector<2048x16xf32>
    %dot_general3A_87 = tpu.matmul %slice3A_82, %get3A_85, %dot_general3A_86 {dimension_numbers = #tpu.dot_dimension_numbers<[0], [0], [1], [1], [0, 1, 1, 1], [], []>, transpose_lhs_hint = true} : vector<32x2048xbf16>, vector<32x16xbf16>, vector<2048x16xf32> -> vector<2048x16xf32>
    %get3A_88 = arith.constant 0 : index
    %get3A_89 = arith.constant 0 : index
    %get3A_90 = vector.load %arg3[%get3A_88, %get3A_89] : memref<1x16xf32, #tpu.memory_space<vmem>>, vector<1x16xf32>
    %add3A_91 = vector.broadcast %get3A_90 : vector<1x16xf32> to vector<2048x16xf32>
    %add3A_92 = arith.addf %dot_general3A_87, %add3A_91 : vector<2048x16xf32>
    %swap3A_93 = arith.constant 0 : index
    %swap3A_94 = arith.constant 96 : index
    %swap3A_95 = vector.load %arg4[%swap3A_93, %swap3A_94] : memref<2048x128xf32, #tpu.memory_space<vmem>>, vector<2048x16xf32>
    tpu.vector_store %arg4[%swap3A_93, %swap3A_94], %add3A_92 {strides = array<i32>} : memref<2048x128xf32, #tpu.memory_space<vmem>>, vector<2048x16xf32>,
    %slice3A_96 = vector.extract_strided_slice %convert_element_type3A {offsets = [0, 14336], sizes = [32, 2048], strides = [1, 1]} : vector<32x16384xbf16> to vector<32x2048xbf16>
    %get3A_97 = arith.constant 0 : index
    %get3A_98 = arith.constant 0 : index
    %get3A_99 = vector.load %arg2[%get3A_97, %get3A_98] : memref<32x16xbf16, #tpu.memory_space<vmem>>, vector<32x16xbf16>
    %dot_general3A_100 = arith.constant dense<0.000000e+00> : vector<2048x16xf32>
    %dot_general3A_101 = tpu.matmul %slice3A_96, %get3A_99, %dot_general3A_100 {dimension_numbers = #tpu.dot_dimension_numbers<[0], [0], [1], [1], [0, 1, 1, 1], [], []>, transpose_lhs_hint = true} : vector<32x2048xbf16>, vector<32x16xbf16>, vector<2048x16xf32> -> vector<2048x16xf32>
    %get3A_102 = arith.constant 0 : index
    %get3A_103 = arith.constant 0 : index
    %get3A_104 = vector.load %arg3[%get3A_102, %get3A_103] : memref<1x16xf32, #tpu.memory_space<vmem>>, vector<1x16xf32>
    %add3A_105 = vector.broadcast %get3A_104 : vector<1x16xf32> to vector<2048x16xf32>
    %add3A_106 = arith.addf %dot_general3A_101, %add3A_105 : vector<2048x16xf32>
    %swap3A_107 = arith.constant 0 : index
    %swap3A_108 = arith.constant 112 : index
    %swap3A_109 = vector.load %arg4[%swap3A_107, %swap3A_108] : memref<2048x128xf32, #tpu.memory_space<vmem>>, vector<2048x16xf32>
    tpu.vector_store %arg4[%swap3A_107, %swap3A_108], %add3A_106 {strides = array<i32>} : memref<2048x128xf32, #tpu.memory_space<vmem>>, vector<2048x16xf32>,
    return
  }
  func.func @transform_0(%arg0: i32) -> (i32, i32) {
    %c0_i32 = arith.constant 0 : i32
    %c0_i32_0 = arith.constant 0 : i32
    return %c0_i32, %arg0 : i32, i32
  }
  func.func @transform_1(%arg0: i32) -> (i32, i32) {
    %c0_i32 = arith.constant 0 : i32
    %c0_i32_0 = arith.constant 0 : i32
    %c0_i32_1 = arith.constant 0 : i32
    return %c0_i32, %c0_i32_0 : i32, i32
  }
  func.func @transform_2(%arg0: i32) -> (i32, i32) {
    %c0_i32 = arith.constant 0 : i32
    %c0_i32_0 = arith.constant 0 : i32
    %c0_i32_1 = arith.constant 0 : i32
    return %c0_i32, %c0_i32_0 : i32, i32
  }
  func.func @transform_3(%arg0: i32) -> (i32, i32) {
    %c0_i32 = arith.constant 0 : i32
    %c0_i32_0 = arith.constant 0 : i32
    return %arg0, %c0_i32 : i32, i32
  }
}

</mosaic_0001>

<sc_bundles>
// kernel: kernel.4.cloned.1.call-start
scs
__scs_entry_jumppad:
0x0: {  	(pc) =	sbr.rel $0x88, $3  }
0x1: {  	(tag) =	ssettag $0x0;
	lr =	simm.s32 $0x1  }
0x2: {  	[smem:$0x3F9D] =	sst lr;
	_ =	strace $0xD0000000  }
0x3: {  	_ = 	snop  }
0x4: {  	_ = 	snop  }
0x5: {  	_ = 	snop  }
0x6: {  	_ = 	snop  }
0x7: {  	_ = 	snop  }
__scs_overlays_trampoline_lowered:
0x8: {  	[smem:$0x3FAC] =	sst s0  }
0x9: {  	[smem:$0x3FAD] =	sst s1  }
0xa: {  	[smem:$0x3FAE] =	sst s2  }
0xb: {  	[smem:$0x3FAF] =	sst s3  }
0xc: {  	[smem:$0x3FB0] =	sst s4  }
0xd: {  	[smem:$0x3FB1] =	sst s5  }
0xe: {  	[smem:$0x3FB2] =	sst s6  }
0xf: {  	[smem:$0x3FB3] =	sst s7  }
0x10: {  	[smem:$0x3FB4] =	sst s8  }
0x11: {  	[smem:$0x3FB5] =	sst s9;
	s0 =	simm.s32 @!p0 $0x0  }
0x12: {  	s1 =	sld [smem:$0x3F9B];
	s0 =	simm.s32 @p0 $0x1  }
0x13: {  	[smem:$0x3FB6] =	sst s0;
	s0 =	simm.s32 @!p1 $0x0  }
0x14: {  	s2 =	sld [smem:$0x3F9A];
	s0 =	simm.s32 @p1 $0x1  }
0x15: {  	[smem:$0x3FB7] =	sst s0;
	s0 =	simm.s32 @!p2 $0x0  }
0x16: {  	s3 =	sld [smem:$0x3FDB];
	s0 =	simm.s32 @p2 $0x1  }
0x17: {  	s4 =	simm.s32 $0x1BF5;
	[smem:$0x3FB9] =	sst s0  }
0x18: {  	s0 =	sld [smem:$0x3F9C];
	_ =	swait.ge [sflag:s4], $0x0  }
0x19: {  	s7 =	sld [smem:$0x3F9D]  }
0x1a: {  	s8 =	sadd.s32 $0xFFFFE003, lr  }
0x1b: {  	s9 =	sadd.s32 $0xFFFFFEF7, lr;
	s5 =	simm.s32 $0xFFFFFFFF;
	p2 =	slt.u32 s8, $0xFFFFF086  }
0x1c: {  	p1 =	slt.u32 s9, $0xF7A;
	s5 =	simm.s32 @!p2 $0x0  }
0x1d: {  	s5 =	simm.s32 @p1 $0x1;
	p0 =	seq.s32 s7, s2  }
0x1e: {  	s7 =	smul.u32 @!p0 $0xF7A, s2;
	p2 =	seq.s32 @!p0 s5, $0x0  }
0x1f: {  	s9 =	smul.u32 $0xF7A, s1;
	s8 =	simm.s32 @!p0 $0x1BF5;
	p2 =	por !p2, p0  }
0x20: {  	[sflag:s8] =	ssyncset.s32 @!p0 $0xFFFFF086;
	s6 =	sadd.s32 @!p0 s3, s7;
	s7 =	simm.s32 @!p0 $0x108  }
0x21: {  	s3 =	sadd.s32 s3, s9;
	s6 =	sadd.s32 @!p0 $0x88, s6;
	s7 =	simm.s32 @p2 $0x1082  }
0x22: {  	[simem:s7], [sflag:s8] =	dma.local @!p0 [hbm:s6], $0xF7A  }
0x23: {  	s9 =	sor.u32 $0xD0000000, s2;
	s6 =	simm.s32 $0x108;
	_ =	swait.ge @!p0 [sflag:s8], $0x0  }
0x24: {  	s3 =	sadd.s32 $0x88, s3;
	s6 =	simm.s32 @!p1 $0x1082;
	[sflag:s4] =	ssyncset.s32 $0xFFFFF086  }
0x25: {  	[simem:s6], [sflag:s4] =	dma.local [hbm:s3], $0xF7A  }
0x26: {  	[smem:$0x3F9D] =	sst s1;
	(tag) =	ssettag s2;
	_ =	strace s9  }
0x27: {  	s1 =	sld [smem:$0x3FAD]  }
0x28: {  	s2 =	sld [smem:$0x3FAE]  }
0x29: {  	s4 =	sld [smem:$0x3FB0]  }
0x2a: {  	p0 =	seq.s32 s5, $0x0;
	s5 =	sld [smem:$0x3FB1]  }
0x2b: {  	s6 =	sld [smem:$0x3FB2]  }
0x2c: {  	s7 =	sld [smem:$0x3FB3]  }
0x2d: {  	s3 =	simm.s32 $0x108;
	s8 =	sld [smem:$0x3FB4]  }
0x2e: {  	s3 =	simm.s32 @!p0 $0x1082;
	s9 =	sld [smem:$0x3FB5]  }
0x2f: {  	lr =	sadd.s32 s0, s3;
	s0 =	sld [smem:$0x3FAC]  }
0x30: {  	s3 =	sld [smem:$0x3FAF]  }
0x31: {  	[smem:$0x3FB8] =	sst s10  }
0x32: {  	s10 =	sld [smem:$0x3FB6];
	_ =	sdelay $0x3  }
0x33: {  	p0 =	seq.s32 s10, $0x1;
	s10 =	sld [smem:$0x3FB8];
	_ =	sdelay $0x3  }
0x34: {  	[smem:$0x3FB8] =	sst s10  }
0x35: {  	s10 =	sld [smem:$0x3FB7];
	_ =	sdelay $0x3  }
0x36: {  	p1 =	seq.s32 s10, $0x1;
	s10 =	sld [smem:$0x3FB8];
	_ =	sdelay $0x3  }
0x37: {  	[smem:$0x3FB8] =	sst s10  }
0x38: {  	s10 =	sld [smem:$0x3FB9]  }
0x39: {  	_ = 	snop;
	(pc) =	sbr.ind lr, $3  }
0x3a: {  	_ = 	snop  }
0x3b: {  	_ = 	snop  }
0x3c: {  	p2 =	seq.s32 s10, $0x1;
	s10 =	sld [smem:$0x3FB8]  }
0x3d: {  	_ =	shalt  }
0x3e: {  	_ =	shalt  }
0x3f: {  	_ =	shalt  }
0x40: {  	_ =	shalt  }
0x41: {  	_ =	shalt  }
0x42: {  	_ =	shalt  }
0x43: {  	_ =	shalt  }
0x44: {  	_ =	shalt  }
0x45: {  	_ =	shalt  }
0x46: {  	_ =	shalt  }
0x47: {  	_ =	shalt  }
0x48: {  	_ =	shalt  }
0x49: {  	_ =	shalt  }
0x4a: {  	_ =	shalt  }
0x4b: {  	_ =	shalt  }
0x4c: {  	_ =	shalt  }
0x4d: {  	_ =	shalt  }
0x4e: {  	_ =	shalt  }
0x4f: {  	_ =	shalt  }
0x50: {  	_ =	shalt  }
0x51: {  	_ =	shalt  }
0x52: {  	_ =	shalt  }
0x53: {  	_ =	shalt  }
0x54: {  	_ =	shalt  }
0x55: {  	_ =	shalt  }
0x56: {  	_ =	shalt  }
0x57: {  	_ =	shalt  }
0x58: {  	_ =	shalt  }
0x59: {  	_ =	shalt  }
0x5a: {  	_ =	shalt  }
0x5b: {  	_ =	shalt  }
0x5c: {  	_ =	shalt  }
0x5d: {  	_ =	shalt  }
0x5e: {  	_ =	shalt  }
0x5f: {  	_ =	shalt  }
0x60: {  	_ =	shalt  }
0x61: {  	_ =	shalt  }
0x62: {  	_ =	shalt  }
0x63: {  	_ =	shalt  }
0x64: {  	_ =	shalt  }
0x65: {  	_ =	shalt  }
0x66: {  	_ =	shalt  }
0x67: {  	_ =	shalt  }
0x68: {  	_ =	shalt  }
0x69: {  	_ =	shalt  }
0x6a: {  	_ =	shalt  }
0x6b: {  	_ =	shalt  }
0x6c: {  	_ =	shalt  }
0x6d: {  	_ =	shalt  }
0x6e: {  	_ =	shalt  }
0x6f: {  	_ =	shalt  }
0x70: {  	_ =	shalt  }
0x71: {  	_ =	shalt  }
0x72: {  	_ =	shalt  }
0x73: {  	_ =	shalt  }
0x74: {  	_ =	shalt  }
0x75: {  	_ =	shalt  }
0x76: {  	_ =	shalt  }
0x77: {  	_ =	shalt  }
0x78: {  	_ =	shalt  }
0x79: {  	_ =	shalt  }
0x7a: {  	_ =	shalt  }
0x7b: {  	_ =	shalt  }
0x7c: {  	_ =	shalt  }
0x7d: {  	_ =	shalt  }
0x7e: {  	_ =	shalt  }
0x7f: {  	_ =	shalt  }
0x80: {  	_ =	shalt  }
0x81: {  	_ =	shalt  }
0x82: {  	_ =	shalt  }
0x83: {  	_ =	shalt  }
0x84: {  	_ =	shalt  }
0x85: {  	_ =	shalt  }
0x86: {  	_ =	shalt  }
0x87: {  	_ =	shalt  }
.Lfunc_end0:
.L_simem_size_0:
called_computation_lowered:
.L_overlay_start_0:
0x88: {  	s2 =	sld [smem:$0x3FD9]  }
0x89: {  	s3 =	sld [smem:$0x3FFE];
	_ =	sdelay $0x1  }
0x8a: {  	s1 =	srdreg.scid  }
0x8b: {  	s0 =	sand.u32 $0x1, s1  }
0x8c: {  	s17 =	sshll.u32 s0, $0xA;
	s2 =	sadd.s32 s3, s2  }
0x8d: {  	s2 =	sadd.s32 s2, s17  }
0x8e: {  	[smem:$0x3FC4] =	sst s2  }
0x8f: {  	_ = 	snop  }
0x90: {  	s2 =	sld [smem:$0x3FD0];
	(tm) =	ssettm $0x1  }
0x91: {  	s18 =	sld [smem:$0x3FFB];
	_ =	sdelay $0x3  }
0x92: {  	_ =	strace s18  }
0x93: {  	s3 =	sld [smem:$0x3FFC];
	_ =	sdelay $0x3  }
0x94: {  	_ =	strace s3  }
0x95: {  	s3 =	sld [smem:$0x3FFD];
	_ =	sdelay $0x3  }
0x96: {  	_ =	strace s3  }
0x97: {  	_ =	strace $0x8FFFFFFF  }
0x98: {  	s19 =	sld [smem:$0x3FDB];
	_ =	sdelay $0x1  }
0x99: {  	s4 =	simm.s32 $_scs_section_size  }
0x9a: {  	s5 =	simm.s32 $_size__tile_overlayer_lowered;
	s6 =	simm.s32 $_tile_overlayer_lowered  }
0x9b: {  	s22 =	simm.s32 $0x1BFF;
	s21 =	sshll.u32 s6, $0x1;
	s3 =	sadd.s32 s4, s19  }
0x9c: {  	s7 =	simm.s32 $0x0;
	s20 =	sshll.u32 s5, $0x1;
	s5 =	sadd.s32 s21, s3  }
0x9d: {  	[timem:s7], [sflag:s22] =	dma.local [hbm:s5], s20  }
0x9e: {  	_ =	swait.ge [sflag:s22], s20  }
0x9f: {  	s4 =	ssub.s32 $0x0, s20;
	[sflag:s22] =	ssyncset.done $0x0  }
0xa0: {  	[sflag:s22] =	ssyncadd.s32 s4;
	_ =	sdelay $0x1  }
0xa1: {  	s23 =	simm.s32 $0x1B8B  }
0xa2: {  	_ =	swait.ge [sflag:s23], $0x1  }
0xa3: {  	[sflag:s23] =	ssyncset.done $0x0  }
0xa4: {  	s25 =	simm.s32 $0x1B8E;
	s24 =	sld [smem:$0x3FFE];
	[sflag:s23] =	ssyncadd.s32 $0xFFFFFFFF  }
0xa5: {  	s26 =	simm.s32 $execute0_lowered;
	[smem:$0x3FD2] =	sst s25  }
0xa6: {  	s5 =	sshll.u32 s26, $0x1;
	_ =	strace $0x80000046;
	[dreg:$0x1] =	wrdreg $0xFFFFFFFF  }
0xa7: {  	s28 =	simm.s32 $_size_execute0_lowered;
	s3 =	sadd.s32 s3, s5;
	[dreg:$0x0] =	wrdreg $0x0  }
0xa8: {  	s5 =	sshll.u32 s28, $0x1;
	[dreg:$0x2] =	wrdreg s3  }
0xa9: {  	[dreg:$0x3] =	wrdreg s5  }
0xaa: {  	[dreg:$0x4] =	wrdreg $0xC0  }
0xab: {  	_ =	task [dreg:s7], $0x5FFFF  }
0xac: {  	[dreg:$0x1] =	wrdreg $0xFFFFFFFF  }
0xad: {  	[dreg:$0x0] =	wrdreg $0x60  }
0xae: {  	[dreg:$0x2] =	wrdreg s2  }
0xaf: {  	[dreg:$0x3] =	wrdreg s24  }
0xb0: {  	[dreg:$0x4] =	wrdreg $0x9  }
0xb1: {  	_ =	task.clear_ibuf [dreg:s7], $0x5FFFF;
	_ =	strace $0x90000046  }
0xb2: {  	s29 =	simm.s32 $0x9;
	_ =	strace $0x80000048  }
0xb3: {  	_ =	swait.ge [sflag:s29], $0x1  }
0xb4: {  	[sflag:s29] =	ssyncadd.s32 $0xFFFFFFFF  }
0xb5: {  	_ =	strace $0x90000048  }
0xb6: {  	_ =	sfence  }
0xb7: {  	s30 =	sld [smem:$0x0];
	_ =	sdelay $0x2  }
0xb8: {  	s31 =	sshll.u32 s1, $0xD;
	s1 =	sshrl.u32 s1, $0x2  }
0xb9: {  	s3 =	sand.u32 $0x4000, s31;
	s1 =	sadd.s32 s1, s30  }
0xba: {  	s0 =	sor.u32 s3, s0;
	s1 =	sshll.u32 s1, $0x11  }
0xbb: {  	s0 =	sor.u32 s1, s0  }
0xbc: {  	s0 =	sadd.s32 $0x8F2B, s0  }
0xbd: {  	[sflag:s0] =	ssyncadd.remote.s32 $0x1  }
0xbe: {  	_ =	sfence.sel $0xFFFF  }
0xbf: {  	[dreg:$0x0] =	wrdreg $0xFFFFFFFF;
	(pc) =	sbr.abs _section_cstart, $3  }
0xc0: {  	[dreg:$0x1] =	wrdreg $0xFFFFFFFF  }
0xc1: {  	_ =	task.clear_ibuf [dreg:s7], $0x2FFFF;
	_ =	strace $0x9FFFFFFF  }
0xc2: {  	(tm) =	ssettm $0x7FFFFFFF  }
0xc3: {  	_ =	shalt  }
tec
execute0_lowered:
.L_overlay_start_1:
0x0: {  	(tag) =	ssettag $0x1  }
0x1: {  	s0 =	srdreg.scid  }
0x2: {  	s2 =	rddreg [dreg:$0x0];
	s1 =	stileid.u32  }
0x3: {  	s3 =	rddreg [dreg:$0x1];
	s4 =	simm.s32 $0x0;
	s30 =	simm.s32 $0x2  }
0x4: {  	s9 =	simm.s32 $0x3;
	s10 =	simm.s32 $0xD;
	s21 =	simm.s32 $0x4  }
0x5: {  	s29 =	simm.s32 $0xF;
	s11 =	simm.s32 $0x0;
	s0 =	sand.u32 $0x1, s0  }
0x6: {  	s1 =	sshll.u32 s1, $0xA;
	[smem:$0x7FF] =	sst s4;
	s5 =	sshll.u32 s0, $0x9  }
0x7: {  	s7 =	sadd.s32 $0x1F0000, s3;
	s0 =	ssub.s32 $0x2, s0;
	s5 =	sor.u32 s5, s1  }
0x8: {  	_ =	strace $0x80000047;
	s6 =	sshrl.u32 s0, $0x1;
	s25 =	sor.u32 $0x18000, s5  }
0x9: {  	s1 =	sshrl.u32 s5, $0x3;
	s26 =	sor.u32 $0x1C000, s5;
	[dreg:$0x8] =	wrdreg s25  }
0xa: {  	s0 =	ssub.s32 s0, s6;
	s28 =	sor.u32 $0x20000, s5;
	[dreg:$0x9] =	wrdreg s26  }
0xb: {  	s12 =	sor.u32 $0x14000, s5;
	s31 =	sor.u32 $0x24000, s5;
	[dreg:$0xa] =	wrdreg s28  }
0xc: {  	s14 =	sor.u32 $0x4000, s5;
	s1 =	sadd.s32 s2, s1;
	[dreg:$0xb] =	wrdreg s31  }
0xd: {  	s16 =	sor.u32 $0x8000, s5;
	s0 =	smax.u32 s0, $0x1;
	[dreg:$0x3] =	wrdreg s1  }
0xe: {  	s18 =	sor.u32 $0xC000, s5;
	s22 =	sadd.s32 $0x800, s1;
	[dreg:$0xc] =	wrdreg s0  }
0xf: {  	s20 =	sor.u32 $0x10000, s5;
	s23 =	sadd.s32 $0x1000, s1;
	[dreg:$0x4] =	wrdreg s22  }
0x10: {  	s6 =	simm.s32 $0xE;
	s24 =	sadd.s32 $0x1800, s1;
	[dreg:$0x5] =	wrdreg s23  }
0x11: {  	s25 =	simm.s32 $0xC8000;
	s1 =	sadd.s32 $0x2000, s1;
	[dreg:$0x6] =	wrdreg s24  }
0x12: {  	v0 =	vlaneseq.u32;
	s26 =	simm.s32 $0x5;
	s0 =	simm.s32 $0x1;
	[dreg:$0x7] =	wrdreg s1  }
0x13: {  	v0 =	vmul.u32 $0x10, v0;
	s23 =	simm.s32 $0x200;
	s24 =	simm.s32 $0x1400;
	s1 =	simm.s32 $0xC  }
.LBB2_1:
0x14: {  	[dreg:$0xd] =	wrdreg s11  }
0x15: {  	s8 =	rddreg [dreg:$0x3];
	s11 =	simm.s32 $0x10  }
0x16: {  	[tilespmem:s4], [sflag:$0x10] =	stream.linear.gather [hbm4b:s8+s4], $0x200, $0x38;
	[tilespmem:$0x11800] =	vst v63  }
0x17: {  	_ =	swait.ge [sflag:s11], $0x200  }
0x18: {  	[sflag:s11] =	ssyncset.done $0x0  }
0x19: {  	[sflag:s11] =	ssyncadd.s32 $0xFFFFFE00  }
0x1a: {  	[tilespmem:s24], [sflag:$0x1] =	stream.indirect.gather [hbm4b:s3+s23], $0x10, s4, s23, $0xb8;
	[tilespmem:$0x11800] =	vst v63  }
0x1b: {  	s13 =	simm.s32 $0x400;
	s15 =	rddreg [dreg:$0x4]  }
0x1c: {  	[tilespmem:s13], [sflag:$0x10] =	stream.linear.gather [hbm4b:s15+s4], $0x200, $0x38;
	[tilespmem:$0x11800] =	vst v63  }
0x1d: {  	_ =	swait.ge [sflag:s11], $0x200  }
0x1e: {  	[sflag:s11] =	ssyncset.done $0x0  }
0x1f: {  	s17 =	simm.s32 $0x3400;
	[sflag:s11] =	ssyncadd.s32 $0xFFFFFE00  }
0x20: {  	[tilespmem:s17], [sflag:$0x2] =	stream.indirect.gather [hbm4b:s3+s23], $0x10, s13, s23, $0xb8;
	[tilespmem:$0x11800] =	vst v63  }
0x21: {  	s22 =	simm.s32 $0x800;
	s19 =	rddreg [dreg:$0x5]  }
0x22: {  	[tilespmem:s22], [sflag:$0x10] =	stream.linear.gather [hbm4b:s19+s4], $0x200, $0x38;
	[tilespmem:$0x11800] =	vst v63  }
0x23: {  	_ =	swait.ge [sflag:s11], $0x200  }
0x24: {  	[sflag:s11] =	ssyncset.done $0x0  }
0x25: {  	s31 =	simm.s32 $0x5400;
	[sflag:s11] =	ssyncadd.s32 $0xFFFFFE00  }
0x26: {  	[tilespmem:s31], [sflag:$0x3] =	stream.indirect.gather [hbm4b:s3+s23], $0x10, s22, s23, $0xb8;
	[tilespmem:$0x11800] =	vst v63  }
0x27: {  	s15 =	simm.s32 $0xC00;
	s13 =	rddreg [dreg:$0x6]  }
0x28: {  	[tilespmem:s15], [sflag:$0x10] =	stream.linear.gather [hbm4b:s13+s4], $0x200, $0x38;
	[tilespmem:$0x11800] =	vst v63  }
0x29: {  	_ =	swait.ge [sflag:s11], $0x200  }
0x2a: {  	[sflag:s11] =	ssyncset.done $0x0  }
0x2b: {  	s17 =	simm.s32 $0x7400;
	[sflag:s11] =	ssyncadd.s32 $0xFFFFFE00  }
0x2c: {  	[tilespmem:s17], [sflag:$0x4] =	stream.indirect.gather [hbm4b:s3+s23], $0x10, s15, s23, $0xb8;
	[tilespmem:$0x11800] =	vst v63  }
0x2d: {  	s22 =	simm.s32 $0x1000;
	s19 =	rddreg [dreg:$0x7]  }
0x2e: {  	[tilespmem:s22], [sflag:$0x10] =	stream.linear.gather [hbm4b:s19+s4], $0x200, $0x38;
	[tilespmem:$0x11800] =	vst v63  }
0x2f: {  	_ =	swait.ge [sflag:s11], $0x200  }
0x30: {  	[sflag:s11] =	ssyncset.done $0x0  }
0x31: {  	s28 =	simm.s32 $0x0;
	s31 =	simm.s32 $0x9400;
	[sflag:s11] =	ssyncadd.s32 $0xFFFFFE00  }
0x32: {  	[tilespmem:s31], [sflag:$0x5] =	stream.indirect.gather [hbm4b:s3+s23], $0x10, s22, s23, $0xb8;
	[tilespmem:$0x11800] =	vst v63  }
.LBB2_2:
0x33: {  	p0 =	seq.s32 s28, $0x9  }
0x34: {  	s8 =	smul.u32 @!p0 $0x14000, s28;
	_ =	sdelay $0x1  }
0x35: {  	s31 =	sadd.s32 $0x1, s28;
	s11 =	sadd.s32 @!p0 s12, s8  }
0x36: {  	s15 =	simm.s32 $0x0;
	s22 =	sand.u32 $0x1, s31;
	s11 =	sshrl.u32 @!p0 s11, $0x3  }
0x37: {  	s13 =	simm.s32 @!p0 $0x0;
	s8 =	sshll.u32 @!p0 s22, $0x9;
	s11 =	sadd.s32 @!p0 s2, s11  }
0x38: {  	v1 =	vmov s15;
	[tilespmem:s8], [sflag:$0x6] =	stream.linear.gather @!p0 [hbm4b:s11+s13], $0x200, $0x38;
	[tilespmem:$0x11800] =	vst v63  }
0x39: {  	v1 =	vshll.u32 v1, $0x4;
	_ =	swait.ge [sflag:s0], $0x2000  }
0x3a: {  	p1 =	seq.s32 s28, $0x0;
	v1 =	vor.u32 v0, v1;
	[sflag:s0] =	ssyncset.done $0x0  }
0x3b: {  	s11 =	simm.s32 @!p1 $0xB;
	[sflag:s0] =	ssyncadd.s32 $0xFFFFE000  }
0x3c: {  	_ =	swait.ge @!p1 [sflag:s11], $0x1400  }
0x3d: {  	[sflag:s11] =	ssyncset.done @!p1 $0x0  }
0x3e: {  	[sflag:s11] =	ssyncadd.s32 @!p1 $0xFFFFEC00  }
0x3f: {  	v2 =	vld.idx.msk [tilespmem:v1+s24+$0x0], $0xffff  }
0x40: {  	v3 =	vor.u32 $0x1, v1;
	_ =	sdelay $0x2  }
0x41: {  	s11 =	simm.s32 $0x0  }
0x42: {  	[tilespmem:s11+$0xB400] =	vst v2  }
0x43: {  	v2 =	vld.idx.msk [tilespmem:v3+s24+$0x0], $0xffff  }
0x44: {  	v3 =	vor.u32 $0x2, v1;
	_ =	sdelay $0x3  }
0x45: {  	[tilespmem:s11+$0xB600] =	vst v2  }
0x46: {  	v2 =	vld.idx.msk [tilespmem:v3+s24+$0x0], $0xffff  }
0x47: {  	v3 =	vor.u32 $0x3, v1;
	_ =	sdelay $0x3  }
0x48: {  	[tilespmem:s11+$0xB800] =	vst v2  }
0x49: {  	v2 =	vld.idx.msk [tilespmem:v3+s24+$0x0], $0xffff  }
0x4a: {  	v3 =	vor.u32 $0x4, v1;
	_ =	sdelay $0x3  }
0x4b: {  	[tilespmem:s11+$0xBA00] =	vst v2  }
0x4c: {  	v2 =	vld.idx.msk [tilespmem:v3+s24+$0x0], $0xffff  }
0x4d: {  	v3 =	vor.u32 $0x5, v1;
	_ =	sdelay $0x3  }
0x4e: {  	[tilespmem:s11+$0xBC00] =	vst v2  }
0x4f: {  	v2 =	vld.idx.msk [tilespmem:v3+s24+$0x0], $0xffff  }
0x50: {  	v3 =	vor.u32 $0x6, v1;
	_ =	sdelay $0x3  }
0x51: {  	[tilespmem:s11+$0xBE00] =	vst v2  }
0x52: {  	v2 =	vld.idx.msk [tilespmem:v3+s24+$0x0], $0xffff  }
0x53: {  	v3 =	vor.u32 $0x7, v1;
	_ =	sdelay $0x3  }
0x54: {  	[tilespmem:s11+$0xC000] =	vst v2  }
0x55: {  	v2 =	vld.idx.msk [tilespmem:v3+s24+$0x0], $0xffff  }
0x56: {  	v3 =	vor.u32 $0x8, v1;
	_ =	sdelay $0x3  }
0x57: {  	[tilespmem:s11+$0xC200] =	vst v2  }
0x58: {  	v2 =	vld.idx.msk [tilespmem:v3+s24+$0x0], $0xffff  }
0x59: {  	v1 =	vor.u32 $0x9, v1;
	_ =	sdelay $0x2  }
0x5a: {  	s19 =	simm.s32 $0x10  }
0x5b: {  	[tilespmem:s11+$0xC400] =	vst v2;
	v2 =	vmov s19  }
0x5c: {  	v1 =	vld.idx.msk [tilespmem:v1+s24+$0x0], $0xffff;
	v2 =	vshll.u32 v2, $0x4  }
0x5d: {  	v2 =	vor.u32 v0, v2;
	_ =	sdelay $0x3  }
0x5e: {  	[tilespmem:s11+$0xC600] =	vst v1  }
0x5f: {  	v1 =	vld.idx.msk [tilespmem:v2+s24+$0x0], $0xffff  }
0x60: {  	v3 =	vor.u32 $0x1, v2;
	_ =	sdelay $0x3  }
0x61: {  	[tilespmem:s11+$0xB410] =	vst v1  }
0x62: {  	v1 =	vld.idx.msk [tilespmem:v3+s24+$0x0], $0xffff  }
0x63: {  	v3 =	vor.u32 $0x2, v2;
	_ =	sdelay $0x3  }
0x64: {  	[tilespmem:s11+$0xB610] =	vst v1  }
0x65: {  	v1 =	vld.idx.msk [tilespmem:v3+s24+$0x0], $0xffff  }
0x66: {  	v3 =	vor.u32 $0x3, v2;
	_ =	sdelay $0x3  }
0x67: {  	[tilespmem:s11+$0xB810] =	vst v1  }
0x68: {  	v1 =	vld.idx.msk [tilespmem:v3+s24+$0x0], $0xffff  }
0x69: {  	v3 =	vor.u32 $0x4, v2;
	_ =	sdelay $0x3  }
0x6a: {  	[tilespmem:s11+$0xBA10] =	vst v1  }
0x6b: {  	v1 =	vld.idx.msk [tilespmem:v3+s24+$0x0], $0xffff  }
0x6c: {  	v3 =	vor.u32 $0x5, v2;
	_ =	sdelay $0x3  }
0x6d: {  	[tilespmem:s11+$0xBC10] =	vst v1  }
0x6e: {  	v1 =	vld.idx.msk [tilespmem:v3+s24+$0x0], $0xffff  }
0x6f: {  	v3 =	vor.u32 $0x6, v2;
	_ =	sdelay $0x3  }
0x70: {  	[tilespmem:s11+$0xBE10] =	vst v1  }
0x71: {  	v1 =	vld.idx.msk [tilespmem:v3+s24+$0x0], $0xffff  }
0x72: {  	v3 =	vor.u32 $0x7, v2;
	_ =	sdelay $0x3  }
0x73: {  	[tilespmem:s11+$0xC010] =	vst v1  }
0x74: {  	v1 =	vld.idx.msk [tilespmem:v3+s24+$0x0], $0xffff  }
0x75: {  	v3 =	vor.u32 $0x8, v2;
	_ =	sdelay $0x3  }
0x76: {  	[tilespmem:s11+$0xC210] =	vst v1  }
0x77: {  	v1 =	vld.idx.msk [tilespmem:v3+s24+$0x0], $0xffff  }
0x78: {  	v3 =	vor.u32 $0x9, v2;
	_ =	sdelay $0x3  }
0x79: {  	s13 =	simm.s32 $0x20;
	[tilespmem:s11+$0xC410] =	vst v1  }
0x7a: {  	s17 =	simm.s32 $0x100;
	s15 =	simm.s32 $0x80;
	v2 =	vmov s13;
	v1 =	vld.idx.msk [tilespmem:v3+s24+$0x0], $0xffff  }
.LBB2_3:
0x7b: {  	p2 =	sne.s32 s17, $0x780;
	v2 =	vshll.u32 v2, $0x4  }
0x7c: {  	v2 =	vor.u32 v0, v2;
	_ =	sdelay $0x3  }
0x7d: {  	[tilespmem:s11+$0xC610] =	vst v1  }
0x7e: {  	v1 =	vld.idx.msk [tilespmem:v2+s24+$0x0], $0xffff;
	_ =	sdelay $0x1  }
0x7f: {  	v3 =	vor.u32 $0x1, v2;
	_ =	sdelay $0x2  }
0x80: {  	s11 =	sshra.s32 s15, $0x2;
	s15 =	smov.u32 s17  }
0x81: {  	[tilespmem:s11+$0xB400] =	vst v1  }
0x82: {  	v1 =	vld.idx.msk [tilespmem:v3+s24+$0x0], $0xffff;
	_ =	sdelay $0x1  }
0x83: {  	v3 =	vor.u32 $0x2, v2;
	_ =	sdelay $0x3  }
0x84: {  	[tilespmem:s11+$0xB600] =	vst v1  }
0x85: {  	v1 =	vld.idx.msk [tilespmem:v3+s24+$0x0], $0xffff;
	_ =	sdelay $0x1  }
0x86: {  	v3 =	vor.u32 $0x3, v2;
	_ =	sdelay $0x3  }
0x87: {  	[tilespmem:s11+$0xB800] =	vst v1  }
0x88: {  	v1 =	vld.idx.msk [tilespmem:v3+s24+$0x0], $0xffff;
	_ =	sdelay $0x1  }
0x89: {  	v3 =	vor.u32 $0x4, v2;
	_ =	sdelay $0x3  }
0x8a: {  	[tilespmem:s11+$0xBA00] =	vst v1  }
0x8b: {  	v1 =	vld.idx.msk [tilespmem:v3+s24+$0x0], $0xffff;
	_ =	sdelay $0x1  }
0x8c: {  	v3 =	vor.u32 $0x5, v2;
	_ =	sdelay $0x3  }
0x8d: {  	[tilespmem:s11+$0xBC00] =	vst v1  }
0x8e: {  	v1 =	vld.idx.msk [tilespmem:v3+s24+$0x0], $0xffff;
	_ =	sdelay $0x1  }
0x8f: {  	v3 =	vor.u32 $0x6, v2;
	_ =	sdelay $0x3  }
0x90: {  	[tilespmem:s11+$0xBE00] =	vst v1  }
0x91: {  	v1 =	vld.idx.msk [tilespmem:v3+s24+$0x0], $0xffff;
	_ =	sdelay $0x1  }
0x92: {  	v3 =	vor.u32 $0x7, v2;
	_ =	sdelay $0x3  }
0x93: {  	[tilespmem:s11+$0xC000] =	vst v1  }
0x94: {  	v1 =	vld.idx.msk [tilespmem:v3+s24+$0x0], $0xffff;
	_ =	sdelay $0x1  }
0x95: {  	v3 =	vor.u32 $0x8, v2;
	_ =	sdelay $0x3  }
0x96: {  	[tilespmem:s11+$0xC200] =	vst v1  }
0x97: {  	v1 =	vld.idx.msk [tilespmem:v3+s24+$0x0], $0xffff;
	_ =	sdelay $0x1  }
0x98: {  	v2 =	vor.u32 $0x9, v2;
	_ =	sdelay $0x3  }
0x99: {  	s19 =	sadd.s32 $0x10, s13;
	[tilespmem:s11+$0xC400] =	vst v1  }
0x9a: {  	v1 =	vld.idx.msk [tilespmem:v2+s24+$0x0], $0xffff;
	v2 =	vmov s19  }
0x9b: {  	v2 =	vshll.u32 v2, $0x4  }
0x9c: {  	v2 =	vor.u32 v0, v2;
	_ =	sdelay $0x3  }
0x9d: {  	[tilespmem:s11+$0xC600] =	vst v1  }
0x9e: {  	v1 =	vld.idx.msk [tilespmem:v2+s24+$0x0], $0xffff;
	_ =	sdelay $0x1  }
0x9f: {  	v3 =	vor.u32 $0x1, v2;
	_ =	sdelay $0x3  }
0xa0: {  	[tilespmem:s11+$0xB410] =	vst v1  }
0xa1: {  	v1 =	vld.idx.msk [tilespmem:v3+s24+$0x0], $0xffff;
	_ =	sdelay $0x1  }
0xa2: {  	v3 =	vor.u32 $0x2, v2;
	_ =	sdelay $0x3  }
0xa3: {  	[tilespmem:s11+$0xB610] =	vst v1  }
0xa4: {  	v1 =	vld.idx.msk [tilespmem:v3+s24+$0x0], $0xffff;
	_ =	sdelay $0x1  }
0xa5: {  	v3 =	vor.u32 $0x3, v2;
	_ =	sdelay $0x3  }
0xa6: {  	[tilespmem:s11+$0xB810] =	vst v1  }
0xa7: {  	v1 =	vld.idx.msk [tilespmem:v3+s24+$0x0], $0xffff;
	_ =	sdelay $0x1  }
0xa8: {  	v3 =	vor.u32 $0x4, v2;
	_ =	sdelay $0x3  }
0xa9: {  	[tilespmem:s11+$0xBA10] =	vst v1  }
0xaa: {  	v1 =	vld.idx.msk [tilespmem:v3+s24+$0x0], $0xffff;
	_ =	sdelay $0x1  }
0xab: {  	v3 =	vor.u32 $0x5, v2;
	_ =	sdelay $0x3  }
0xac: {  	[tilespmem:s11+$0xBC10] =	vst v1  }
0xad: {  	v1 =	vld.idx.msk [tilespmem:v3+s24+$0x0], $0xffff;
	_ =	sdelay $0x1  }
0xae: {  	v3 =	vor.u32 $0x6, v2;
	_ =	sdelay $0x3  }
0xaf: {  	[tilespmem:s11+$0xBE10] =	vst v1  }
0xb0: {  	v1 =	vld.idx.msk [tilespmem:v3+s24+$0x0], $0xffff;
	_ =	sdelay $0x1  }
0xb1: {  	v3 =	vor.u32 $0x7, v2;
	_ =	sdelay $0x3  }
0xb2: {  	[tilespmem:s11+$0xC010] =	vst v1  }
0xb3: {  	v1 =	vld.idx.msk [tilespmem:v3+s24+$0x0], $0xffff;
	_ =	sdelay $0x1  }
0xb4: {  	v3 =	vor.u32 $0x8, v2;
	_ =	sdelay $0x3  }
0xb5: {  	[tilespmem:s11+$0xC210] =	vst v1  }
0xb6: {  	v1 =	vld.idx.msk [tilespmem:v3+s24+$0x0], $0xffff;
	_ =	sdelay $0x1  }
0xb7: {  	v3 =	vor.u32 $0x9, v2  }
.Ltmp0:
0xb8: {  	(pc) =	sbr.rel @p2 .LBB2_3-.Ltmp0, $3  }
0xb9: {  	_ =	sdelay $0x1  }
0xba: {  	s13 =	sadd.s32 $0x20, s13;
	[tilespmem:s11+$0xC410] =	vst v1  }
0xbb: {  	s17 =	sadd.s32 $0x80, s17;
	v2 =	vmov s13;
	v1 =	vld.idx.msk [tilespmem:v3+s24+$0x0], $0xffff  }
0xbc: {  	v2 =	vshll.u32 v2, $0x4  }
0xbd: {  	v2 =	vor.u32 v0, v2;
	_ =	sdelay $0x3  }
0xbe: {  	[tilespmem:s11+$0xC610] =	vst v1  }
0xbf: {  	v1 =	vld.idx.msk [tilespmem:v2+s24+$0x0], $0xffff  }
0xc0: {  	v3 =	vor.u32 $0x1, v2;
	_ =	sdelay $0x2  }
0xc1: {  	s15 =	sshra.s32 s15, $0x2  }
0xc2: {  	[tilespmem:s15+$0xB400] =	vst v1  }
0xc3: {  	v1 =	vld.idx.msk [tilespmem:v3+s24+$0x0], $0xffff  }
0xc4: {  	v3 =	vor.u32 $0x2, v2;
	_ =	sdelay $0x3  }
0xc5: {  	[tilespmem:s15+$0xB600] =	vst v1  }
0xc6: {  	v1 =	vld.idx.msk [tilespmem:v3+s24+$0x0], $0xffff  }
0xc7: {  	v3 =	vor.u32 $0x3, v2;
	_ =	sdelay $0x3  }
0xc8: {  	[tilespmem:s15+$0xB800] =	vst v1  }
0xc9: {  	v1 =	vld.idx.msk [tilespmem:v3+s24+$0x0], $0xffff  }
0xca: {  	v3 =	vor.u32 $0x4, v2;
	_ =	sdelay $0x3  }
0xcb: {  	[tilespmem:s15+$0xBA00] =	vst v1  }
0xcc: {  	v1 =	vld.idx.msk [tilespmem:v3+s24+$0x0], $0xffff  }
0xcd: {  	v3 =	vor.u32 $0x5, v2;
	_ =	sdelay $0x3  }
0xce: {  	[tilespmem:s15+$0xBC00] =	vst v1  }
0xcf: {  	v1 =	vld.idx.msk [tilespmem:v3+s24+$0x0], $0xffff  }
0xd0: {  	v3 =	vor.u32 $0x6, v2;
	_ =	sdelay $0x3  }
0xd1: {  	[tilespmem:s15+$0xBE00] =	vst v1  }
0xd2: {  	v1 =	vld.idx.msk [tilespmem:v3+s24+$0x0], $0xffff  }
0xd3: {  	v3 =	vor.u32 $0x7, v2;
	_ =	sdelay $0x3  }
0xd4: {  	[tilespmem:s15+$0xC000] =	vst v1  }
0xd5: {  	v1 =	vld.idx.msk [tilespmem:v3+s24+$0x0], $0xffff  }
0xd6: {  	v3 =	vor.u32 $0x8, v2;
	_ =	sdelay $0x3  }
0xd7: {  	[tilespmem:s15+$0xC200] =	vst v1  }
0xd8: {  	v1 =	vld.idx.msk [tilespmem:v3+s24+$0x0], $0xffff  }
0xd9: {  	v2 =	vor.u32 $0x9, v2;
	_ =	sdelay $0x2  }
0xda: {  	s13 =	sadd.s32 $0x10, s13  }
0xdb: {  	[tilespmem:s15+$0xC400] =	vst v1;
	v1 =	vmov s13  }
0xdc: {  	v2 =	vld.idx.msk [tilespmem:v2+s24+$0x0], $0xffff;
	v1 =	vshll.u32 v1, $0x4  }
0xdd: {  	v1 =	vor.u32 v0, v1;
	_ =	sdelay $0x3  }
0xde: {  	[tilespmem:s15+$0xC600] =	vst v2  }
0xdf: {  	v2 =	vld.idx.msk [tilespmem:v1+s24+$0x0], $0xffff  }
0xe0: {  	v3 =	vor.u32 $0x1, v1;
	_ =	sdelay $0x3  }
0xe1: {  	[tilespmem:s15+$0xB410] =	vst v2  }
0xe2: {  	v2 =	vld.idx.msk [tilespmem:v3+s24+$0x0], $0xffff  }
0xe3: {  	v3 =	vor.u32 $0x2, v1;
	_ =	sdelay $0x3  }
0xe4: {  	[tilespmem:s15+$0xB610] =	vst v2  }
0xe5: {  	v2 =	vld.idx.msk [tilespmem:v3+s24+$0x0], $0xffff  }
0xe6: {  	v3 =	vor.u32 $0x3, v1;
	_ =	sdelay $0x3  }
0xe7: {  	[tilespmem:s15+$0xB810] =	vst v2  }
0xe8: {  	v2 =	vld.idx.msk [tilespmem:v3+s24+$0x0], $0xffff  }
0xe9: {  	v3 =	vor.u32 $0x4, v1;
	_ =	sdelay $0x3  }
0xea: {  	[tilespmem:s15+$0xBA10] =	vst v2  }
0xeb: {  	v2 =	vld.idx.msk [tilespmem:v3+s24+$0x0], $0xffff  }
0xec: {  	v3 =	vor.u32 $0x5, v1;
	_ =	sdelay $0x3  }
0xed: {  	[tilespmem:s15+$0xBC10] =	vst v2  }
0xee: {  	v2 =	vld.idx.msk [tilespmem:v3+s24+$0x0], $0xffff  }
0xef: {  	v3 =	vor.u32 $0x6, v1;
	_ =	sdelay $0x3  }
0xf0: {  	[tilespmem:s15+$0xBE10] =	vst v2  }
0xf1: {  	v2 =	vld.idx.msk [tilespmem:v3+s24+$0x0], $0xffff  }
0xf2: {  	v3 =	vor.u32 $0x7, v1;
	_ =	sdelay $0x3  }
0xf3: {  	[tilespmem:s15+$0xC010] =	vst v2  }
0xf4: {  	v2 =	vld.idx.msk [tilespmem:v3+s24+$0x0], $0xffff  }
0xf5: {  	v3 =	vor.u32 $0x8, v1;
	_ =	sdelay $0x3  }
0xf6: {  	[tilespmem:s15+$0xC210] =	vst v2  }
0xf7: {  	v2 =	vld.idx.msk [tilespmem:v3+s24+$0x0], $0xffff  }
0xf8: {  	v1 =	vor.u32 $0x9, v1;
	_ =	sdelay $0x3  }
0xf9: {  	[tilespmem:s15+$0xC410] =	vst v2  }
0xfa: {  	v1 =	vld.idx.msk [tilespmem:v1+s24+$0x0], $0xffff  }
0xfb: {  	p2 =	sne.s32 s28, $0x9;
	s11 =	smul.u32 $0x14000, s28  }
.Ltmp1:
0xfc: {  	_ = 	snop;
	(pc) =	sbr.rel @p2 .LBB2_6-.Ltmp1, $4  }
0xfd: {  	s17 =	sor.u32 s5, s11  }
0xfe: {  	s13 =	sshrl.u32 s17, $0x3  }
0xff: {  	s19 =	simm.s32 $0xB400;
	s13 =	sadd.s32 s7, s13;
	[tilespmem:s15+$0xC610] =	vst v1  }
0x100: {  	[hbm4b:s13+s23] =	stream.strided.scatter [tilespmem:s19], [sflag:$0xB], $0x1400, s25, s23, $0x38;
	[tilespmem:$0x11800] =	vst v63  }
.Ltmp2:
0x101: {  	(pc) =	sbr.rel .LBB2_7-.Ltmp2, $4  }
0x102: {  	_ = 	snop  }
0x103: {  	_ =	swait.ge [sflag:s30], $0x2000  }
0x104: {  	[sflag:s30] =	ssyncset.done $0x0  }
0x105: {  	[sflag:s30] =	ssyncadd.s32 $0xFFFFE000  }
.LBB2_6:
0x106: {  	s15 =	simm.s32 $0x6  }
0x107: {  	_ =	swait.ge [sflag:s15], $0x200  }
0x108: {  	[sflag:s15] =	ssyncset.done $0x0;
	s28 =	rddreg [dreg:$0x8]  }
0x109: {  	s13 =	sshll.u32 s22, $0x9;
	[sflag:s15] =	ssyncadd.s32 $0xFFFFFE00;
	s15 =	sadd.s32 s28, s11  }
0x10a: {  	[tilespmem:s24], [sflag:$0x1] =	stream.indirect.gather [hbm4b:s3+s23], $0x10, s13, s23, $0xb8;
	[tilespmem:$0x11800] =	vst v63  }
0x10b: {  	s15 =	sshrl.u32 s15, $0x3  }
.Ltmp3:
0x10c: {  	s13 =	sor.u32 $0x400, s13;
	s15 =	sadd.s32 s2, s15;
	(pc) =	sbr.rel @p1 .LBB2_8-.Ltmp3, $4  }
0x10d: {  	[tilespmem:s13], [sflag:$0x7] =	stream.linear.gather [hbm4b:s15+s4], $0x200, $0x38;
	[tilespmem:$0x11800] =	vst v63  }
0x10e: {  	_ =	swait.ge [sflag:s30], $0x2000  }
0x10f: {  	[sflag:s30] =	ssyncset.done $0x0  }
0x110: {  	[sflag:s30] =	ssyncadd.s32 $0xFFFFE000  }
.LBB2_7:
0x111: {  	_ =	swait.ge [sflag:s1], $0x1400  }
0x112: {  	[sflag:s1] =	ssyncset.done $0x0  }
0x113: {  	[sflag:s1] =	ssyncadd.s32 $0xFFFFEC00  }
.LBB2_8:
0x114: {  	s13 =	simm.s32 $0x200  }
0x115: {  	v1 =	vmov s13  }
0x116: {  	v1 =	vshll.u32 v1, $0x4  }
0x117: {  	v1 =	vor.u32 v0, v1;
	_ =	sdelay $0x4  }
0x118: {  	v2 =	vld.idx.msk [tilespmem:v1+s24+$0x0], $0xffff  }
0x119: {  	v3 =	vor.u32 $0x1, v1;
	_ =	sdelay $0x2  }
0x11a: {  	s28 =	simm.s32 $0xDA10  }
0x11b: {  	[tilespmem:s28+$0xFFFFEDF0] =	vst v2  }
0x11c: {  	v2 =	vld.idx.msk [tilespmem:v3+s24+$0x0], $0xffff  }
0x11d: {  	v3 =	vor.u32 $0x2, v1;
	_ =	sdelay $0x3  }
0x11e: {  	[tilespmem:s28+$0xFFFFEFF0] =	vst v2  }
0x11f: {  	v2 =	vld.idx.msk [tilespmem:v3+s24+$0x0], $0xffff  }
0x120: {  	v3 =	vor.u32 $0x3, v1;
	_ =	sdelay $0x3  }
0x121: {  	[tilespmem:s28+$0xFFFFF1F0] =	vst v2  }
0x122: {  	v2 =	vld.idx.msk [tilespmem:v3+s24+$0x0], $0xffff  }
0x123: {  	v3 =	vor.u32 $0x4, v1;
	_ =	sdelay $0x3  }
0x124: {  	[tilespmem:s28+$0xFFFFF3F0] =	vst v2  }
0x125: {  	v2 =	vld.idx.msk [tilespmem:v3+s24+$0x0], $0xffff  }
0x126: {  	v3 =	vor.u32 $0x5, v1;
	_ =	sdelay $0x3  }
0x127: {  	[tilespmem:s28+$0xFFFFF5F0] =	vst v2  }
0x128: {  	v2 =	vld.idx.msk [tilespmem:v3+s24+$0x0], $0xffff  }
0x129: {  	v3 =	vor.u32 $0x6, v1;
	_ =	sdelay $0x3  }
0x12a: {  	[tilespmem:s28+$0xFFFFF7F0] =	vst v2  }
0x12b: {  	v2 =	vld.idx.msk [tilespmem:v3+s24+$0x0], $0xffff  }
0x12c: {  	v3 =	vor.u32 $0x7, v1;
	_ =	sdelay $0x3  }
0x12d: {  	[tilespmem:s28+$0xFFFFF9F0] =	vst v2  }
0x12e: {  	v2 =	vld.idx.msk [tilespmem:v3+s24+$0x0], $0xffff  }
0x12f: {  	v3 =	vor.u32 $0x8, v1;
	_ =	sdelay $0x3  }
0x130: {  	[tilespmem:s28+$0xFFFFFBF0] =	vst v2  }
0x131: {  	v2 =	vld.idx.msk [tilespmem:v3+s24+$0x0], $0xffff  }
0x132: {  	v1 =	vor.u32 $0x9, v1;
	_ =	sdelay $0x2  }
0x133: {  	s19 =	simm.s32 $0x210  }
0x134: {  	[tilespmem:s28+$0xFFFFFDF0] =	vst v2;
	v2 =	vmov s19  }
0x135: {  	v1 =	vld.idx.msk [tilespmem:v1+s24+$0x0], $0xffff;
	v2 =	vshll.u32 v2, $0x4  }
0x136: {  	v2 =	vor.u32 v0, v2;
	_ =	sdelay $0x3  }
0x137: {  	[tilespmem:s28+$0xFFFFFFF0] =	vst v1  }
0x138: {  	v1 =	vld.idx.msk [tilespmem:v2+s24+$0x0], $0xffff  }
0x139: {  	v3 =	vor.u32 $0x1, v2;
	_ =	sdelay $0x3  }
0x13a: {  	[tilespmem:s28+$0xFFFFEE00] =	vst v1  }
0x13b: {  	v1 =	vld.idx.msk [tilespmem:v3+s24+$0x0], $0xffff  }
0x13c: {  	v3 =	vor.u32 $0x2, v2;
	_ =	sdelay $0x3  }
0x13d: {  	[tilespmem:s28+$0xFFFFF000] =	vst v1  }
0x13e: {  	v1 =	vld.idx.msk [tilespmem:v3+s24+$0x0], $0xffff  }
0x13f: {  	v3 =	vor.u32 $0x3, v2;
	_ =	sdelay $0x3  }
0x140: {  	[tilespmem:s28+$0xFFFFF200] =	vst v1  }
0x141: {  	v1 =	vld.idx.msk [tilespmem:v3+s24+$0x0], $0xffff  }
0x142: {  	v3 =	vor.u32 $0x4, v2;
	_ =	sdelay $0x3  }
0x143: {  	[tilespmem:s28+$0xFFFFF400] =	vst v1  }
0x144: {  	v1 =	vld.idx.msk [tilespmem:v3+s24+$0x0], $0xffff  }
0x145: {  	v3 =	vor.u32 $0x5, v2;
	_ =	sdelay $0x3  }
0x146: {  	[tilespmem:s28+$0xFFFFF600] =	vst v1  }
0x147: {  	v1 =	vld.idx.msk [tilespmem:v3+s24+$0x0], $0xffff  }
0x148: {  	v3 =	vor.u32 $0x6, v2;
	_ =	sdelay $0x3  }
0x149: {  	[tilespmem:s28+$0xFFFFF800] =	vst v1  }
0x14a: {  	v1 =	vld.idx.msk [tilespmem:v3+s24+$0x0], $0xffff  }
0x14b: {  	v3 =	vor.u32 $0x7, v2;
	_ =	sdelay $0x3  }
0x14c: {  	[tilespmem:s28+$0xFFFFFA00] =	vst v1  }
0x14d: {  	v1 =	vld.idx.msk [tilespmem:v3+s24+$0x0], $0xffff  }
0x14e: {  	v3 =	vor.u32 $0x8, v2;
	_ =	sdelay $0x3  }
0x14f: {  	[tilespmem:s28+$0xFFFFFC00] =	vst v1  }
0x150: {  	v1 =	vld.idx.msk [tilespmem:v3+s24+$0x0], $0xffff  }
0x151: {  	v3 =	vor.u32 $0x9, v2;
	_ =	sdelay $0x3  }
0x152: {  	s13 =	simm.s32 $0x220;
	[tilespmem:s28+$0xFFFFFE00] =	vst v1  }
0x153: {  	s15 =	simm.s32 $0x240;
	v2 =	vmov s13;
	v1 =	vld.idx.msk [tilespmem:v3+s24+$0x0], $0xffff  }
.LBB2_9:
0x154: {  	p3 =	sne.s32 s15, $0x3E0;
	v2 =	vshll.u32 v2, $0x4  }
0x155: {  	v2 =	vor.u32 v0, v2;
	_ =	sdelay $0x3  }
0x156: {  	[tilespmem:s28+$0x0] =	vst v1  }
0x157: {  	v1 =	vld.idx.msk [tilespmem:v2+s24+$0x0], $0xffff;
	_ =	sdelay $0x1  }
0x158: {  	v3 =	vor.u32 $0x1, v2;
	_ =	sdelay $0x2  }
0x159: {  	s28 =	sadd.s32 $0x20, s28  }
0x15a: {  	[tilespmem:s28+$0xFFFFEDF0] =	vst v1  }
0x15b: {  	v1 =	vld.idx.msk [tilespmem:v3+s24+$0x0], $0xffff;
	_ =	sdelay $0x1  }
0x15c: {  	v3 =	vor.u32 $0x2, v2;
	_ =	sdelay $0x3  }
0x15d: {  	[tilespmem:s28+$0xFFFFEFF0] =	vst v1  }
0x15e: {  	v1 =	vld.idx.msk [tilespmem:v3+s24+$0x0], $0xffff;
	_ =	sdelay $0x1  }
0x15f: {  	v3 =	vor.u32 $0x3, v2;
	_ =	sdelay $0x3  }
0x160: {  	[tilespmem:s28+$0xFFFFF1F0] =	vst v1  }
0x161: {  	v1 =	vld.idx.msk [tilespmem:v3+s24+$0x0], $0xffff;
	_ =	sdelay $0x1  }
0x162: {  	v3 =	vor.u32 $0x4, v2;
	_ =	sdelay $0x3  }
0x163: {  	[tilespmem:s28+$0xFFFFF3F0] =	vst v1  }
0x164: {  	v1 =	vld.idx.msk [tilespmem:v3+s24+$0x0], $0xffff;
	_ =	sdelay $0x1  }
0x165: {  	v3 =	vor.u32 $0x5, v2;
	_ =	sdelay $0x3  }
0x166: {  	[tilespmem:s28+$0xFFFFF5F0] =	vst v1  }
0x167: {  	v1 =	vld.idx.msk [tilespmem:v3+s24+$0x0], $0xffff;
	_ =	sdelay $0x1  }
0x168: {  	v3 =	vor.u32 $0x6, v2;
	_ =	sdelay $0x3  }
0x169: {  	[tilespmem:s28+$0xFFFFF7F0] =	vst v1  }
0x16a: {  	v1 =	vld.idx.msk [tilespmem:v3+s24+$0x0], $0xffff;
	_ =	sdelay $0x1  }
0x16b: {  	v3 =	vor.u32 $0x7, v2;
	_ =	sdelay $0x3  }
0x16c: {  	[tilespmem:s28+$0xFFFFF9F0] =	vst v1  }
0x16d: {  	v1 =	vld.idx.msk [tilespmem:v3+s24+$0x0], $0xffff;
	_ =	sdelay $0x1  }
0x16e: {  	v3 =	vor.u32 $0x8, v2;
	_ =	sdelay $0x3  }
0x16f: {  	[tilespmem:s28+$0xFFFFFBF0] =	vst v1  }
0x170: {  	v1 =	vld.idx.msk [tilespmem:v3+s24+$0x0], $0xffff;
	_ =	sdelay $0x1  }
0x171: {  	v2 =	vor.u32 $0x9, v2;
	_ =	sdelay $0x3  }
0x172: {  	s17 =	sadd.s32 $0x10, s13;
	s13 =	smov.u32 s15;
	[tilespmem:s28+$0xFFFFFDF0] =	vst v1  }
0x173: {  	v1 =	vld.idx.msk [tilespmem:v2+s24+$0x0], $0xffff;
	v2 =	vmov s17  }
0x174: {  	v2 =	vshll.u32 v2, $0x4  }
0x175: {  	v2 =	vor.u32 v0, v2;
	_ =	sdelay $0x3  }
0x176: {  	[tilespmem:s28+$0xFFFFFFF0] =	vst v1  }
0x177: {  	v1 =	vld.idx.msk [tilespmem:v2+s24+$0x0], $0xffff;
	_ =	sdelay $0x1  }
0x178: {  	v3 =	vor.u32 $0x1, v2;
	_ =	sdelay $0x3  }
0x179: {  	[tilespmem:s28+$0xFFFFEE00] =	vst v1  }
0x17a: {  	v1 =	vld.idx.msk [tilespmem:v3+s24+$0x0], $0xffff;
	_ =	sdelay $0x1  }
0x17b: {  	v3 =	vor.u32 $0x2, v2;
	_ =	sdelay $0x3  }
0x17c: {  	[tilespmem:s28+$0xFFFFF000] =	vst v1  }
0x17d: {  	v1 =	vld.idx.msk [tilespmem:v3+s24+$0x0], $0xffff;
	_ =	sdelay $0x1  }
0x17e: {  	v3 =	vor.u32 $0x3, v2;
	_ =	sdelay $0x3  }
0x17f: {  	[tilespmem:s28+$0xFFFFF200] =	vst v1  }
0x180: {  	v1 =	vld.idx.msk [tilespmem:v3+s24+$0x0], $0xffff;
	_ =	sdelay $0x1  }
0x181: {  	v3 =	vor.u32 $0x4, v2;
	_ =	sdelay $0x3  }
0x182: {  	[tilespmem:s28+$0xFFFFF400] =	vst v1  }
0x183: {  	v1 =	vld.idx.msk [tilespmem:v3+s24+$0x0], $0xffff;
	_ =	sdelay $0x1  }
0x184: {  	v3 =	vor.u32 $0x5, v2;
	_ =	sdelay $0x3  }
0x185: {  	[tilespmem:s28+$0xFFFFF600] =	vst v1  }
0x186: {  	v1 =	vld.idx.msk [tilespmem:v3+s24+$0x0], $0xffff;
	_ =	sdelay $0x1  }
0x187: {  	v3 =	vor.u32 $0x6, v2;
	_ =	sdelay $0x3  }
0x188: {  	[tilespmem:s28+$0xFFFFF800] =	vst v1  }
0x189: {  	v1 =	vld.idx.msk [tilespmem:v3+s24+$0x0], $0xffff;
	_ =	sdelay $0x1  }
0x18a: {  	v3 =	vor.u32 $0x7, v2;
	_ =	sdelay $0x3  }
0x18b: {  	[tilespmem:s28+$0xFFFFFA00] =	vst v1  }
0x18c: {  	v1 =	vld.idx.msk [tilespmem:v3+s24+$0x0], $0xffff;
	_ =	sdelay $0x1  }
0x18d: {  	v3 =	vor.u32 $0x8, v2;
	_ =	sdelay $0x3  }
0x18e: {  	[tilespmem:s28+$0xFFFFFC00] =	vst v1  }
0x18f: {  	v1 =	vld.idx.msk [tilespmem:v3+s24+$0x0], $0xffff;
	_ =	sdelay $0x1  }
0x190: {  	v3 =	vor.u32 $0x9, v2  }
.Ltmp4:
0x191: {  	(pc) =	sbr.rel @p3 .LBB2_9-.Ltmp4, $3  }
0x192: {  	_ =	sdelay $0x1  }
0x193: {  	[tilespmem:s28+$0xFFFFFE00] =	vst v1  }
0x194: {  	s15 =	sadd.s32 $0x20, s15;
	v2 =	vmov s13;
	v1 =	vld.idx.msk [tilespmem:v3+s24+$0x0], $0xffff  }
0x195: {  	v2 =	vshll.u32 v2, $0x4  }
0x196: {  	v2 =	vor.u32 v0, v2;
	_ =	sdelay $0x3  }
0x197: {  	[tilespmem:s28+$0x0] =	vst v1  }
0x198: {  	v1 =	vld.idx.msk [tilespmem:v2+s24+$0x0], $0xffff  }
0x199: {  	v3 =	vor.u32 $0x1, v2;
	_ =	sdelay $0x2  }
0x19a: {  	s15 =	sadd.s32 $0x20, s28  }
0x19b: {  	[tilespmem:s15+$0xFFFFEDF0] =	vst v1  }
0x19c: {  	v1 =	vld.idx.msk [tilespmem:v3+s24+$0x0], $0xffff  }
0x19d: {  	v3 =	vor.u32 $0x2, v2;
	_ =	sdelay $0x3  }
0x19e: {  	[tilespmem:s15+$0xFFFFEFF0] =	vst v1  }
0x19f: {  	v1 =	vld.idx.msk [tilespmem:v3+s24+$0x0], $0xffff  }
0x1a0: {  	v3 =	vor.u32 $0x3, v2;
	_ =	sdelay $0x3  }
0x1a1: {  	[tilespmem:s15+$0xFFFFF1F0] =	vst v1  }
0x1a2: {  	v1 =	vld.idx.msk [tilespmem:v3+s24+$0x0], $0xffff  }
0x1a3: {  	v3 =	vor.u32 $0x4, v2;
	_ =	sdelay $0x3  }
0x1a4: {  	[tilespmem:s15+$0xFFFFF3F0] =	vst v1  }
0x1a5: {  	v1 =	vld.idx.msk [tilespmem:v3+s24+$0x0], $0xffff  }
0x1a6: {  	v3 =	vor.u32 $0x5, v2;
	_ =	sdelay $0x3  }
0x1a7: {  	[tilespmem:s15+$0xFFFFF5F0] =	vst v1  }
0x1a8: {  	v1 =	vld.idx.msk [tilespmem:v3+s24+$0x0], $0xffff  }
0x1a9: {  	v3 =	vor.u32 $0x6, v2;
	_ =	sdelay $0x3  }
0x1aa: {  	[tilespmem:s15+$0xFFFFF7F0] =	vst v1  }
0x1ab: {  	v1 =	vld.idx.msk [tilespmem:v3+s24+$0x0], $0xffff  }
0x1ac: {  	v3 =	vor.u32 $0x7, v2;
	_ =	sdelay $0x3  }
0x1ad: {  	[tilespmem:s15+$0xFFFFF9F0] =	vst v1  }
0x1ae: {  	v1 =	vld.idx.msk [tilespmem:v3+s24+$0x0], $0xffff  }
0x1af: {  	v3 =	vor.u32 $0x8, v2;
	_ =	sdelay $0x3  }
0x1b0: {  	[tilespmem:s15+$0xFFFFFBF0] =	vst v1  }
0x1b1: {  	v1 =	vld.idx.msk [tilespmem:v3+s24+$0x0], $0xffff  }
0x1b2: {  	v2 =	vor.u32 $0x9, v2;
	_ =	sdelay $0x2  }
0x1b3: {  	s13 =	sadd.s32 $0x10, s13  }
0x1b4: {  	[tilespmem:s15+$0xFFFFFDF0] =	vst v1;
	v1 =	vmov s13  }
0x1b5: {  	v2 =	vld.idx.msk [tilespmem:v2+s24+$0x0], $0xffff;
	v1 =	vshll.u32 v1, $0x4  }
0x1b6: {  	v1 =	vor.u32 v0, v1;
	_ =	sdelay $0x3  }
0x1b7: {  	[tilespmem:s15+$0xFFFFFFF0] =	vst v2  }
0x1b8: {  	v2 =	vld.idx.msk [tilespmem:v1+s24+$0x0], $0xffff  }
0x1b9: {  	v3 =	vor.u32 $0x1, v1;
	_ =	sdelay $0x3  }
0x1ba: {  	[tilespmem:s15+$0xFFFFEE00] =	vst v2  }
0x1bb: {  	v2 =	vld.idx.msk [tilespmem:v3+s24+$0x0], $0xffff  }
0x1bc: {  	v3 =	vor.u32 $0x2, v1;
	_ =	sdelay $0x3  }
0x1bd: {  	[tilespmem:s15+$0xFFFFF000] =	vst v2  }
0x1be: {  	v2 =	vld.idx.msk [tilespmem:v3+s24+$0x0], $0xffff  }
0x1bf: {  	v3 =	vor.u32 $0x3, v1;
	_ =	sdelay $0x3  }
0x1c0: {  	[tilespmem:s15+$0xFFFFF200] =	vst v2  }
0x1c1: {  	v2 =	vld.idx.msk [tilespmem:v3+s24+$0x0], $0xffff  }
0x1c2: {  	v3 =	vor.u32 $0x4, v1;
	_ =	sdelay $0x3  }
0x1c3: {  	[tilespmem:s15+$0xFFFFF400] =	vst v2  }
0x1c4: {  	v2 =	vld.idx.msk [tilespmem:v3+s24+$0x0], $0xffff  }
0x1c5: {  	v3 =	vor.u32 $0x5, v1;
	_ =	sdelay $0x3  }
0x1c6: {  	[tilespmem:s15+$0xFFFFF600] =	vst v2  }
0x1c7: {  	v2 =	vld.idx.msk [tilespmem:v3+s24+$0x0], $0xffff  }
0x1c8: {  	v3 =	vor.u32 $0x6, v1;
	_ =	sdelay $0x3  }
0x1c9: {  	[tilespmem:s15+$0xFFFFF800] =	vst v2  }
0x1ca: {  	v2 =	vld.idx.msk [tilespmem:v3+s24+$0x0], $0xffff  }
0x1cb: {  	v3 =	vor.u32 $0x7, v1;
	_ =	sdelay $0x3  }
0x1cc: {  	[tilespmem:s15+$0xFFFFFA00] =	vst v2  }
0x1cd: {  	v2 =	vld.idx.msk [tilespmem:v3+s24+$0x0], $0xffff  }
0x1ce: {  	v3 =	vor.u32 $0x8, v1;
	_ =	sdelay $0x3  }
0x1cf: {  	[tilespmem:s15+$0xFFFFFC00] =	vst v2  }
0x1d0: {  	v2 =	vld.idx.msk [tilespmem:v3+s24+$0x0], $0xffff  }
0x1d1: {  	v1 =	vor.u32 $0x9, v1;
	_ =	sdelay $0x3  }
0x1d2: {  	[tilespmem:s15+$0xFFFFFE00] =	vst v2  }
0x1d3: {  	v1 =	vld.idx.msk [tilespmem:v1+s24+$0x0], $0xffff;
	_ =	sdelay $0x1  }
.Ltmp5:
0x1d4: {  	_ = 	snop;
	(pc) =	sbr.rel @p2 .LBB2_12-.Ltmp5, $4  }
0x1d5: {  	s19 =	sadd.s32 s14, s11  }
0x1d6: {  	s13 =	sshrl.u32 s19, $0x3  }
0x1d7: {  	s28 =	simm.s32 $0xC800;
	s13 =	sadd.s32 s7, s13;
	[tilespmem:s15+$0x0] =	vst v1  }
0x1d8: {  	[hbm4b:s13+s23] =	stream.strided.scatter [tilespmem:s28], [sflag:$0xC], $0x1400, s25, s23, $0x38;
	[tilespmem:$0x11800] =	vst v63  }
.Ltmp6:
0x1d9: {  	(pc) =	sbr.rel .LBB2_13-.Ltmp6, $4  }
0x1da: {  	_ = 	snop  }
0x1db: {  	_ =	swait.ge [sflag:s9], $0x2000  }
0x1dc: {  	[sflag:s9] =	ssyncset.done $0x0  }
0x1dd: {  	[sflag:s9] =	ssyncadd.s32 $0xFFFFE000  }
.LBB2_12:
0x1de: {  	s17 =	simm.s32 $0x7  }
0x1df: {  	_ =	swait.ge [sflag:s17], $0x200  }
0x1e0: {  	s13 =	sshll.u32 s22, $0x9;
	s19 =	simm.s32 $0x3400;
	[sflag:s17] =	ssyncset.done $0x0  }
0x1e1: {  	s15 =	sor.u32 $0x400, s13;
	s28 =	rddreg [dreg:$0x9];
	[sflag:s17] =	ssyncadd.s32 $0xFFFFFE00  }
0x1e2: {  	[tilespmem:s19], [sflag:$0x2] =	stream.indirect.gather [hbm4b:s3+s23], $0x10, s15, s23, $0xb8;
	[tilespmem:$0x11800] =	vst v63  }
0x1e3: {  	s15 =	sadd.s32 s28, s11  }
0x1e4: {  	s15 =	sshrl.u32 s15, $0x3  }
.Ltmp7:
0x1e5: {  	s13 =	sor.u32 $0x800, s13;
	s15 =	sadd.s32 s2, s15;
	(pc) =	sbr.rel @p1 .LBB2_14-.Ltmp7, $4  }
0x1e6: {  	[tilespmem:s13], [sflag:$0x8] =	stream.linear.gather [hbm4b:s15+s4], $0x200, $0x38;
	[tilespmem:$0x11800] =	vst v63  }
0x1e7: {  	_ =	swait.ge [sflag:s9], $0x2000  }
0x1e8: {  	[sflag:s9] =	ssyncset.done $0x0  }
0x1e9: {  	[sflag:s9] =	ssyncadd.s32 $0xFFFFE000  }
.LBB2_13:
0x1ea: {  	_ =	swait.ge [sflag:s10], $0x1400  }
0x1eb: {  	[sflag:s10] =	ssyncset.done $0x0  }
0x1ec: {  	[sflag:s10] =	ssyncadd.s32 $0xFFFFEC00  }
.LBB2_14:
0x1ed: {  	s13 =	simm.s32 $0x400  }
0x1ee: {  	v1 =	vmov s13  }
0x1ef: {  	v1 =	vshll.u32 v1, $0x4  }
0x1f0: {  	v1 =	vor.u32 v0, v1;
	_ =	sdelay $0x4  }
0x1f1: {  	v2 =	vld.idx.msk [tilespmem:v1+s24+$0x0], $0xffff  }
0x1f2: {  	v3 =	vor.u32 $0x1, v1;
	_ =	sdelay $0x2  }
0x1f3: {  	s28 =	simm.s32 $0xEE10  }
0x1f4: {  	[tilespmem:s28+$0xFFFFEDF0] =	vst v2  }
0x1f5: {  	v2 =	vld.idx.msk [tilespmem:v3+s24+$0x0], $0xffff  }
0x1f6: {  	v3 =	vor.u32 $0x2, v1;
	_ =	sdelay $0x3  }
0x1f7: {  	[tilespmem:s28+$0xFFFFEFF0] =	vst v2  }
0x1f8: {  	v2 =	vld.idx.msk [tilespmem:v3+s24+$0x0], $0xffff  }
0x1f9: {  	v3 =	vor.u32 $0x3, v1;
	_ =	sdelay $0x3  }
0x1fa: {  	[tilespmem:s28+$0xFFFFF1F0] =	vst v2  }
0x1fb: {  	v2 =	vld.idx.msk [tilespmem:v3+s24+$0x0], $0xffff  }
0x1fc: {  	v3 =	vor.u32 $0x4, v1;
	_ =	sdelay $0x3  }
0x1fd: {  	[tilespmem:s28+$0xFFFFF3F0] =	vst v2  }
0x1fe: {  	v2 =	vld.idx.msk [tilespmem:v3+s24+$0x0], $0xffff  }
0x1ff: {  	v3 =	vor.u32 $0x5, v1;
	_ =	sdelay $0x3  }
0x200: {  	[tilespmem:s28+$0xFFFFF5F0] =	vst v2  }
0x201: {  	v2 =	vld.idx.msk [tilespmem:v3+s24+$0x0], $0xffff  }
0x202: {  	v3 =	vor.u32 $0x6, v1;
	_ =	sdelay $0x3  }
0x203: {  	[tilespmem:s28+$0xFFFFF7F0] =	vst v2  }
0x204: {  	v2 =	vld.idx.msk [tilespmem:v3+s24+$0x0], $0xffff  }
0x205: {  	v3 =	vor.u32 $0x7, v1;
	_ =	sdelay $0x3  }
0x206: {  	[tilespmem:s28+$0xFFFFF9F0] =	vst v2  }
0x207: {  	v2 =	vld.idx.msk [tilespmem:v3+s24+$0x0], $0xffff  }
0x208: {  	v3 =	vor.u32 $0x8, v1;
	_ =	sdelay $0x3  }
0x209: {  	[tilespmem:s28+$0xFFFFFBF0] =	vst v2  }
0x20a: {  	v2 =	vld.idx.msk [tilespmem:v3+s24+$0x0], $0xffff  }
0x20b: {  	v1 =	vor.u32 $0x9, v1;
	_ =	sdelay $0x2  }
0x20c: {  	s19 =	simm.s32 $0x410  }
0x20d: {  	[tilespmem:s28+$0xFFFFFDF0] =	vst v2;
	v2 =	vmov s19  }
0x20e: {  	v1 =	vld.idx.msk [tilespmem:v1+s24+$0x0], $0xffff;
	v2 =	vshll.u32 v2, $0x4  }
0x20f: {  	v2 =	vor.u32 v0, v2;
	_ =	sdelay $0x3  }
0x210: {  	[tilespmem:s28+$0xFFFFFFF0] =	vst v1  }
0x211: {  	v1 =	vld.idx.msk [tilespmem:v2+s24+$0x0], $0xffff  }
0x212: {  	v3 =	vor.u32 $0x1, v2;
	_ =	sdelay $0x3  }
0x213: {  	[tilespmem:s28+$0xFFFFEE00] =	vst v1  }
0x214: {  	v1 =	vld.idx.msk [tilespmem:v3+s24+$0x0], $0xffff  }
0x215: {  	v3 =	vor.u32 $0x2, v2;
	_ =	sdelay $0x3  }
0x216: {  	[tilespmem:s28+$0xFFFFF000] =	vst v1  }
0x217: {  	v1 =	vld.idx.msk [tilespmem:v3+s24+$0x0], $0xffff  }
0x218: {  	v3 =	vor.u32 $0x3, v2;
	_ =	sdelay $0x3  }
0x219: {  	[tilespmem:s28+$0xFFFFF200] =	vst v1  }
0x21a: {  	v1 =	vld.idx.msk [tilespmem:v3+s24+$0x0], $0xffff  }
0x21b: {  	v3 =	vor.u32 $0x4, v2;
	_ =	sdelay $0x3  }
0x21c: {  	[tilespmem:s28+$0xFFFFF400] =	vst v1  }
0x21d: {  	v1 =	vld.idx.msk [tilespmem:v3+s24+$0x0], $0xffff  }
0x21e: {  	v3 =	vor.u32 $0x5, v2;
	_ =	sdelay $0x3  }
0x21f: {  	[tilespmem:s28+$0xFFFFF600] =	vst v1  }
0x220: {  	v1 =	vld.idx.msk [tilespmem:v3+s24+$0x0], $0xffff  }
0x221: {  	v3 =	vor.u32 $0x6, v2;
	_ =	sdelay $0x3  }
0x222: {  	[tilespmem:s28+$0xFFFFF800] =	vst v1  }
0x223: {  	v1 =	vld.idx.msk [tilespmem:v3+s24+$0x0], $0xffff  }
0x224: {  	v3 =	vor.u32 $0x7, v2;
	_ =	sdelay $0x3  }
0x225: {  	[tilespmem:s28+$0xFFFFFA00] =	vst v1  }
0x226: {  	v1 =	vld.idx.msk [tilespmem:v3+s24+$0x0], $0xffff  }
0x227: {  	v3 =	vor.u32 $0x8, v2;
	_ =	sdelay $0x3  }
0x228: {  	[tilespmem:s28+$0xFFFFFC00] =	vst v1  }
0x229: {  	v1 =	vld.idx.msk [tilespmem:v3+s24+$0x0], $0xffff  }
0x22a: {  	v3 =	vor.u32 $0x9, v2;
	_ =	sdelay $0x3  }
0x22b: {  	s13 =	simm.s32 $0x420;
	[tilespmem:s28+$0xFFFFFE00] =	vst v1  }
0x22c: {  	s15 =	simm.s32 $0x440;
	v2 =	vmov s13;
	v1 =	vld.idx.msk [tilespmem:v3+s24+$0x0], $0xffff  }
.LBB2_15:
0x22d: {  	p3 =	sne.s32 s15, $0x5E0;
	v2 =	vshll.u32 v2, $0x4  }
0x22e: {  	v2 =	vor.u32 v0, v2;
	_ =	sdelay $0x3  }
0x22f: {  	[tilespmem:s28+$0x0] =	vst v1  }
0x230: {  	v1 =	vld.idx.msk [tilespmem:v2+s24+$0x0], $0xffff;
	_ =	sdelay $0x1  }
0x231: {  	v3 =	vor.u32 $0x1, v2;
	_ =	sdelay $0x2  }
0x232: {  	s28 =	sadd.s32 $0x20, s28  }
0x233: {  	[tilespmem:s28+$0xFFFFEDF0] =	vst v1  }
0x234: {  	v1 =	vld.idx.msk [tilespmem:v3+s24+$0x0], $0xffff;
	_ =	sdelay $0x1  }
0x235: {  	v3 =	vor.u32 $0x2, v2;
	_ =	sdelay $0x3  }
0x236: {  	[tilespmem:s28+$0xFFFFEFF0] =	vst v1  }
0x237: {  	v1 =	vld.idx.msk [tilespmem:v3+s24+$0x0], $0xffff;
	_ =	sdelay $0x1  }
0x238: {  	v3 =	vor.u32 $0x3, v2;
	_ =	sdelay $0x3  }
0x239: {  	[tilespmem:s28+$0xFFFFF1F0] =	vst v1  }
0x23a: {  	v1 =	vld.idx.msk [tilespmem:v3+s24+$0x0], $0xffff;
	_ =	sdelay $0x1  }
0x23b: {  	v3 =	vor.u32 $0x4, v2;
	_ =	sdelay $0x3  }
0x23c: {  	[tilespmem:s28+$0xFFFFF3F0] =	vst v1  }
0x23d: {  	v1 =	vld.idx.msk [tilespmem:v3+s24+$0x0], $0xffff;
	_ =	sdelay $0x1  }
0x23e: {  	v3 =	vor.u32 $0x5, v2;
	_ =	sdelay $0x3  }
0x23f: {  	[tilespmem:s28+$0xFFFFF5F0] =	vst v1  }
0x240: {  	v1 =	vld.idx.msk [tilespmem:v3+s24+$0x0], $0xffff;
	_ =	sdelay $0x1  }
0x241: {  	v3 =	vor.u32 $0x6, v2;
	_ =	sdelay $0x3  }
0x242: {  	[tilespmem:s28+$0xFFFFF7F0] =	vst v1  }
0x243: {  	v1 =	vld.idx.msk [tilespmem:v3+s24+$0x0], $0xffff;
	_ =	sdelay $0x1  }
0x244: {  	v3 =	vor.u32 $0x7, v2;
	_ =	sdelay $0x3  }
0x245: {  	[tilespmem:s28+$0xFFFFF9F0] =	vst v1  }
0x246: {  	v1 =	vld.idx.msk [tilespmem:v3+s24+$0x0], $0xffff;
	_ =	sdelay $0x1  }
0x247: {  	v3 =	vor.u32 $0x8, v2;
	_ =	sdelay $0x3  }
0x248: {  	[tilespmem:s28+$0xFFFFFBF0] =	vst v1  }
0x249: {  	v1 =	vld.idx.msk [tilespmem:v3+s24+$0x0], $0xffff;
	_ =	sdelay $0x1  }
0x24a: {  	v2 =	vor.u32 $0x9, v2;
	_ =	sdelay $0x3  }
0x24b: {  	s17 =	sadd.s32 $0x10, s13;
	s13 =	smov.u32 s15;
	[tilespmem:s28+$0xFFFFFDF0] =	vst v1  }
0x24c: {  	v1 =	vld.idx.msk [tilespmem:v2+s24+$0x0], $0xffff;
	v2 =	vmov s17  }
0x24d: {  	v2 =	vshll.u32 v2, $0x4  }
0x24e: {  	v2 =	vor.u32 v0, v2;
	_ =	sdelay $0x3  }
0x24f: {  	[tilespmem:s28+$0xFFFFFFF0] =	vst v1  }
0x250: {  	v1 =	vld.idx.msk [tilespmem:v2+s24+$0x0], $0xffff;
	_ =	sdelay $0x1  }
0x251: {  	v3 =	vor.u32 $0x1, v2;
	_ =	sdelay $0x3  }
0x252: {  	[tilespmem:s28+$0xFFFFEE00] =	vst v1  }
0x253: {  	v1 =	vld.idx.msk [tilespmem:v3+s24+$0x0], $0xffff;
	_ =	sdelay $0x1  }
0x254: {  	v3 =	vor.u32 $0x2, v2;
	_ =	sdelay $0x3  }
0x255: {  	[tilespmem:s28+$0xFFFFF000] =	vst v1  }
0x256: {  	v1 =	vld.idx.msk [tilespmem:v3+s24+$0x0], $0xffff;
	_ =	sdelay $0x1  }
0x257: {  	v3 =	vor.u32 $0x3, v2;
	_ =	sdelay $0x3  }
0x258: {  	[tilespmem:s28+$0xFFFFF200] =	vst v1  }
0x259: {  	v1 =	vld.idx.msk [tilespmem:v3+s24+$0x0], $0xffff;
	_ =	sdelay $0x1  }
0x25a: {  	v3 =	vor.u32 $0x4, v2;
	_ =	sdelay $0x3  }
0x25b: {  	[tilespmem:s28+$0xFFFFF400] =	vst v1  }
0x25c: {  	v1 =	vld.idx.msk [tilespmem:v3+s24+$0x0], $0xffff;
	_ =	sdelay $0x1  }
0x25d: {  	v3 =	vor.u32 $0x5, v2;
	_ =	sdelay $0x3  }
0x25e: {  	[tilespmem:s28+$0xFFFFF600] =	vst v1  }
0x25f: {  	v1 =	vld.idx.msk [tilespmem:v3+s24+$0x0], $0xffff;
	_ =	sdelay $0x1  }
0x260: {  	v3 =	vor.u32 $0x6, v2;
	_ =	sdelay $0x3  }
0x261: {  	[tilespmem:s28+$0xFFFFF800] =	vst v1  }
0x262: {  	v1 =	vld.idx.msk [tilespmem:v3+s24+$0x0], $0xffff;
	_ =	sdelay $0x1  }
0x263: {  	v3 =	vor.u32 $0x7, v2;
	_ =	sdelay $0x3  }
0x264: {  	[tilespmem:s28+$0xFFFFFA00] =	vst v1  }
0x265: {  	v1 =	vld.idx.msk [tilespmem:v3+s24+$0x0], $0xffff;
	_ =	sdelay $0x1  }
0x266: {  	v3 =	vor.u32 $0x8, v2;
	_ =	sdelay $0x3  }
0x267: {  	[tilespmem:s28+$0xFFFFFC00] =	vst v1  }
0x268: {  	v1 =	vld.idx.msk [tilespmem:v3+s24+$0x0], $0xffff;
	_ =	sdelay $0x1  }
0x269: {  	v3 =	vor.u32 $0x9, v2  }
.Ltmp8:
0x26a: {  	(pc) =	sbr.rel @p3 .LBB2_15-.Ltmp8, $3  }
0x26b: {  	_ =	sdelay $0x1  }
0x26c: {  	[tilespmem:s28+$0xFFFFFE00] =	vst v1  }
0x26d: {  	s15 =	sadd.s32 $0x20, s15;
	v2 =	vmov s13;
	v1 =	vld.idx.msk [tilespmem:v3+s24+$0x0], $0xffff  }
0x26e: {  	v2 =	vshll.u32 v2, $0x4  }
0x26f: {  	v2 =	vor.u32 v0, v2;
	_ =	sdelay $0x3  }
0x270: {  	[tilespmem:s28+$0x0] =	vst v1  }
0x271: {  	v1 =	vld.idx.msk [tilespmem:v2+s24+$0x0], $0xffff  }
0x272: {  	v3 =	vor.u32 $0x1, v2;
	_ =	sdelay $0x2  }
0x273: {  	s15 =	sadd.s32 $0x20, s28  }
0x274: {  	[tilespmem:s15+$0xFFFFEDF0] =	vst v1  }
0x275: {  	v1 =	vld.idx.msk [tilespmem:v3+s24+$0x0], $0xffff  }
0x276: {  	v3 =	vor.u32 $0x2, v2;
	_ =	sdelay $0x3  }
0x277: {  	[tilespmem:s15+$0xFFFFEFF0] =	vst v1  }
0x278: {  	v1 =	vld.idx.msk [tilespmem:v3+s24+$0x0], $0xffff  }
0x279: {  	v3 =	vor.u32 $0x3, v2;
	_ =	sdelay $0x3  }
0x27a: {  	[tilespmem:s15+$0xFFFFF1F0] =	vst v1  }
0x27b: {  	v1 =	vld.idx.msk [tilespmem:v3+s24+$0x0], $0xffff  }
0x27c: {  	v3 =	vor.u32 $0x4, v2;
	_ =	sdelay $0x3  }
0x27d: {  	[tilespmem:s15+$0xFFFFF3F0] =	vst v1  }
0x27e: {  	v1 =	vld.idx.msk [tilespmem:v3+s24+$0x0], $0xffff  }
0x27f: {  	v3 =	vor.u32 $0x5, v2;
	_ =	sdelay $0x3  }
0x280: {  	[tilespmem:s15+$0xFFFFF5F0] =	vst v1  }
0x281: {  	v1 =	vld.idx.msk [tilespmem:v3+s24+$0x0], $0xffff  }
0x282: {  	v3 =	vor.u32 $0x6, v2;
	_ =	sdelay $0x3  }
0x283: {  	[tilespmem:s15+$0xFFFFF7F0] =	vst v1  }
0x284: {  	v1 =	vld.idx.msk [tilespmem:v3+s24+$0x0], $0xffff  }
0x285: {  	v3 =	vor.u32 $0x7, v2;
	_ =	sdelay $0x3  }
0x286: {  	[tilespmem:s15+$0xFFFFF9F0] =	vst v1  }
0x287: {  	v1 =	vld.idx.msk [tilespmem:v3+s24+$0x0], $0xffff  }
0x288: {  	v3 =	vor.u32 $0x8, v2;
	_ =	sdelay $0x3  }
0x289: {  	[tilespmem:s15+$0xFFFFFBF0] =	vst v1  }
0x28a: {  	v1 =	vld.idx.msk [tilespmem:v3+s24+$0x0], $0xffff  }
0x28b: {  	v2 =	vor.u32 $0x9, v2;
	_ =	sdelay $0x2  }
0x28c: {  	s13 =	sadd.s32 $0x10, s13  }
0x28d: {  	[tilespmem:s15+$0xFFFFFDF0] =	vst v1;
	v1 =	vmov s13  }
0x28e: {  	v2 =	vld.idx.msk [tilespmem:v2+s24+$0x0], $0xffff;
	v1 =	vshll.u32 v1, $0x4  }
0x28f: {  	v1 =	vor.u32 v0, v1;
	_ =	sdelay $0x3  }
0x290: {  	[tilespmem:s15+$0xFFFFFFF0] =	vst v2  }
0x291: {  	v2 =	vld.idx.msk [tilespmem:v1+s24+$0x0], $0xffff  }
0x292: {  	v3 =	vor.u32 $0x1, v1;
	_ =	sdelay $0x3  }
0x293: {  	[tilespmem:s15+$0xFFFFEE00] =	vst v2  }
0x294: {  	v2 =	vld.idx.msk [tilespmem:v3+s24+$0x0], $0xffff  }
0x295: {  	v3 =	vor.u32 $0x2, v1;
	_ =	sdelay $0x3  }
0x296: {  	[tilespmem:s15+$0xFFFFF000] =	vst v2  }
0x297: {  	v2 =	vld.idx.msk [tilespmem:v3+s24+$0x0], $0xffff  }
0x298: {  	v3 =	vor.u32 $0x3, v1;
	_ =	sdelay $0x3  }
0x299: {  	[tilespmem:s15+$0xFFFFF200] =	vst v2  }
0x29a: {  	v2 =	vld.idx.msk [tilespmem:v3+s24+$0x0], $0xffff  }
0x29b: {  	v3 =	vor.u32 $0x4, v1;
	_ =	sdelay $0x3  }
0x29c: {  	[tilespmem:s15+$0xFFFFF400] =	vst v2  }
0x29d: {  	v2 =	vld.idx.msk [tilespmem:v3+s24+$0x0], $0xffff  }
0x29e: {  	v3 =	vor.u32 $0x5, v1;
	_ =	sdelay $0x3  }
0x29f: {  	[tilespmem:s15+$0xFFFFF600] =	vst v2  }
0x2a0: {  	v2 =	vld.idx.msk [tilespmem:v3+s24+$0x0], $0xffff  }
0x2a1: {  	v3 =	vor.u32 $0x6, v1;
	_ =	sdelay $0x3  }
0x2a2: {  	[tilespmem:s15+$0xFFFFF800] =	vst v2  }
0x2a3: {  	v2 =	vld.idx.msk [tilespmem:v3+s24+$0x0], $0xffff  }
0x2a4: {  	v3 =	vor.u32 $0x7, v1;
	_ =	sdelay $0x3  }
0x2a5: {  	[tilespmem:s15+$0xFFFFFA00] =	vst v2  }
0x2a6: {  	v2 =	vld.idx.msk [tilespmem:v3+s24+$0x0], $0xffff  }
0x2a7: {  	v3 =	vor.u32 $0x8, v1;
	_ =	sdelay $0x3  }
0x2a8: {  	[tilespmem:s15+$0xFFFFFC00] =	vst v2  }
0x2a9: {  	v2 =	vld.idx.msk [tilespmem:v3+s24+$0x0], $0xffff  }
0x2aa: {  	v1 =	vor.u32 $0x9, v1;
	_ =	sdelay $0x3  }
0x2ab: {  	[tilespmem:s15+$0xFFFFFE00] =	vst v2  }
0x2ac: {  	v1 =	vld.idx.msk [tilespmem:v1+s24+$0x0], $0xffff;
	_ =	sdelay $0x1  }
.Ltmp9:
0x2ad: {  	_ = 	snop;
	(pc) =	sbr.rel @p2 .LBB2_18-.Ltmp9, $4  }
0x2ae: {  	s19 =	sadd.s32 s16, s11  }
0x2af: {  	s13 =	sshrl.u32 s19, $0x3  }
0x2b0: {  	s28 =	simm.s32 $0xDC00;
	s13 =	sadd.s32 s7, s13;
	[tilespmem:s15+$0x0] =	vst v1  }
0x2b1: {  	[hbm4b:s13+s23] =	stream.strided.scatter [tilespmem:s28], [sflag:$0xD], $0x1400, s25, s23, $0x38;
	[tilespmem:$0x11800] =	vst v63  }
.Ltmp10:
0x2b2: {  	(pc) =	sbr.rel .LBB2_19-.Ltmp10, $4  }
0x2b3: {  	_ = 	snop  }
0x2b4: {  	_ =	swait.ge [sflag:s21], $0x2000  }
0x2b5: {  	[sflag:s21] =	ssyncset.done $0x0  }
0x2b6: {  	[sflag:s21] =	ssyncadd.s32 $0xFFFFE000  }
.LBB2_18:
0x2b7: {  	s17 =	simm.s32 $0x8  }
0x2b8: {  	_ =	swait.ge [sflag:s17], $0x200  }
0x2b9: {  	s13 =	sshll.u32 s22, $0x9;
	s19 =	simm.s32 $0x5400;
	[sflag:s17] =	ssyncset.done $0x0  }
0x2ba: {  	s15 =	sor.u32 $0x800, s13;
	s28 =	rddreg [dreg:$0xa];
	[sflag:s17] =	ssyncadd.s32 $0xFFFFFE00  }
0x2bb: {  	[tilespmem:s19], [sflag:$0x3] =	stream.indirect.gather [hbm4b:s3+s23], $0x10, s15, s23, $0xb8;
	[tilespmem:$0x11800] =	vst v63  }
0x2bc: {  	s15 =	sadd.s32 s28, s11  }
0x2bd: {  	s15 =	sshrl.u32 s15, $0x3  }
.Ltmp11:
0x2be: {  	s13 =	sor.u32 $0xC00, s13;
	s15 =	sadd.s32 s2, s15;
	(pc) =	sbr.rel @p1 .LBB2_20-.Ltmp11, $4  }
0x2bf: {  	[tilespmem:s13], [sflag:$0x9] =	stream.linear.gather [hbm4b:s15+s4], $0x200, $0x38;
	[tilespmem:$0x11800] =	vst v63  }
0x2c0: {  	_ =	swait.ge [sflag:s21], $0x2000  }
0x2c1: {  	[sflag:s21] =	ssyncset.done $0x0  }
0x2c2: {  	[sflag:s21] =	ssyncadd.s32 $0xFFFFE000  }
.LBB2_19:
0x2c3: {  	_ =	swait.ge [sflag:s6], $0x1400  }
0x2c4: {  	[sflag:s6] =	ssyncset.done $0x0  }
0x2c5: {  	[sflag:s6] =	ssyncadd.s32 $0xFFFFEC00  }
.LBB2_20:
0x2c6: {  	s13 =	simm.s32 $0x600  }
0x2c7: {  	v1 =	vmov s13  }
0x2c8: {  	v1 =	vshll.u32 v1, $0x4  }
0x2c9: {  	v1 =	vor.u32 v0, v1;
	_ =	sdelay $0x4  }
0x2ca: {  	v2 =	vld.idx.msk [tilespmem:v1+s24+$0x0], $0xffff  }
0x2cb: {  	v3 =	vor.u32 $0x1, v1;
	_ =	sdelay $0x2  }
0x2cc: {  	s28 =	simm.s32 $0x0  }
0x2cd: {  	[tilespmem:s28+$0xF000] =	vst v2  }
0x2ce: {  	v2 =	vld.idx.msk [tilespmem:v3+s24+$0x0], $0xffff  }
0x2cf: {  	v3 =	vor.u32 $0x2, v1;
	_ =	sdelay $0x3  }
0x2d0: {  	[tilespmem:s28+$0xF200] =	vst v2  }
0x2d1: {  	v2 =	vld.idx.msk [tilespmem:v3+s24+$0x0], $0xffff  }
0x2d2: {  	v3 =	vor.u32 $0x3, v1;
	_ =	sdelay $0x3  }
0x2d3: {  	[tilespmem:s28+$0xF400] =	vst v2  }
0x2d4: {  	v2 =	vld.idx.msk [tilespmem:v3+s24+$0x0], $0xffff  }
0x2d5: {  	v3 =	vor.u32 $0x4, v1;
	_ =	sdelay $0x3  }
0x2d6: {  	[tilespmem:s28+$0xF600] =	vst v2  }
0x2d7: {  	v2 =	vld.idx.msk [tilespmem:v3+s24+$0x0], $0xffff  }
0x2d8: {  	v3 =	vor.u32 $0x5, v1;
	_ =	sdelay $0x3  }
0x2d9: {  	[tilespmem:s28+$0xF800] =	vst v2  }
0x2da: {  	v2 =	vld.idx.msk [tilespmem:v3+s24+$0x0], $0xffff  }
0x2db: {  	v3 =	vor.u32 $0x6, v1;
	_ =	sdelay $0x3  }
0x2dc: {  	[tilespmem:s28+$0xFA00] =	vst v2  }
0x2dd: {  	v2 =	vld.idx.msk [tilespmem:v3+s24+$0x0], $0xffff  }
0x2de: {  	v3 =	vor.u32 $0x7, v1;
	_ =	sdelay $0x3  }
0x2df: {  	[tilespmem:s28+$0xFC00] =	vst v2  }
0x2e0: {  	v2 =	vld.idx.msk [tilespmem:v3+s24+$0x0], $0xffff  }
0x2e1: {  	v3 =	vor.u32 $0x8, v1;
	_ =	sdelay $0x3  }
0x2e2: {  	[tilespmem:s28+$0xFE00] =	vst v2  }
0x2e3: {  	v2 =	vld.idx.msk [tilespmem:v3+s24+$0x0], $0xffff  }
0x2e4: {  	v1 =	vor.u32 $0x9, v1;
	_ =	sdelay $0x2  }
0x2e5: {  	s19 =	simm.s32 $0x610  }
0x2e6: {  	[tilespmem:s28+$0x10000] =	vst v2;
	v2 =	vmov s19  }
0x2e7: {  	v1 =	vld.idx.msk [tilespmem:v1+s24+$0x0], $0xffff;
	v2 =	vshll.u32 v2, $0x4  }
0x2e8: {  	v2 =	vor.u32 v0, v2;
	_ =	sdelay $0x3  }
0x2e9: {  	[tilespmem:s28+$0x10200] =	vst v1  }
0x2ea: {  	v1 =	vld.idx.msk [tilespmem:v2+s24+$0x0], $0xffff  }
0x2eb: {  	v3 =	vor.u32 $0x1, v2;
	_ =	sdelay $0x3  }
0x2ec: {  	[tilespmem:s28+$0xF010] =	vst v1  }
0x2ed: {  	v1 =	vld.idx.msk [tilespmem:v3+s24+$0x0], $0xffff  }
0x2ee: {  	v3 =	vor.u32 $0x2, v2;
	_ =	sdelay $0x3  }
0x2ef: {  	[tilespmem:s28+$0xF210] =	vst v1  }
0x2f0: {  	v1 =	vld.idx.msk [tilespmem:v3+s24+$0x0], $0xffff  }
0x2f1: {  	v3 =	vor.u32 $0x3, v2;
	_ =	sdelay $0x3  }
0x2f2: {  	[tilespmem:s28+$0xF410] =	vst v1  }
0x2f3: {  	v1 =	vld.idx.msk [tilespmem:v3+s24+$0x0], $0xffff  }
0x2f4: {  	v3 =	vor.u32 $0x4, v2;
	_ =	sdelay $0x3  }
0x2f5: {  	[tilespmem:s28+$0xF610] =	vst v1  }
0x2f6: {  	v1 =	vld.idx.msk [tilespmem:v3+s24+$0x0], $0xffff  }
0x2f7: {  	v3 =	vor.u32 $0x5, v2;
	_ =	sdelay $0x3  }
0x2f8: {  	[tilespmem:s28+$0xF810] =	vst v1  }
0x2f9: {  	v1 =	vld.idx.msk [tilespmem:v3+s24+$0x0], $0xffff  }
0x2fa: {  	v3 =	vor.u32 $0x6, v2;
	_ =	sdelay $0x3  }
0x2fb: {  	[tilespmem:s28+$0xFA10] =	vst v1  }
0x2fc: {  	v1 =	vld.idx.msk [tilespmem:v3+s24+$0x0], $0xffff  }
0x2fd: {  	v3 =	vor.u32 $0x7, v2;
	_ =	sdelay $0x3  }
0x2fe: {  	[tilespmem:s28+$0xFC10] =	vst v1  }
0x2ff: {  	v1 =	vld.idx.msk [tilespmem:v3+s24+$0x0], $0xffff  }
0x300: {  	v3 =	vor.u32 $0x8, v2;
	_ =	sdelay $0x3  }
0x301: {  	[tilespmem:s28+$0xFE10] =	vst v1  }
0x302: {  	v3 =	vld.idx.msk [tilespmem:v3+s24+$0x0], $0xffff  }
0x303: {  	v1 =	vor.u32 $0x9, v2;
	_ =	sdelay $0x2  }
0x304: {  	s15 =	simm.s32 $0x80  }
0x305: {  	s17 =	simm.s32 $0x100;
	s13 =	simm.s32 $0x630;
	s19 =	simm.s32 $0x620;
	[tilespmem:s28+$0x10010] =	vst v3  }
.LBB2_21:
0x306: {  	p3 =	sne.s32 s17, $0x780;
	v2 =	vmov s19;
	v1 =	vld.idx.msk [tilespmem:v1+s24+$0x0], $0xffff  }
0x307: {  	v2 =	vshll.u32 v2, $0x4  }
0x308: {  	v2 =	vor.u32 v0, v2;
	_ =	sdelay $0x3  }
0x309: {  	[tilespmem:s28+$0x10210] =	vst v1  }
0x30a: {  	v1 =	vld.idx.msk [tilespmem:v2+s24+$0x0], $0xffff;
	_ =	sdelay $0x1  }
0x30b: {  	v3 =	vor.u32 $0x1, v2;
	_ =	sdelay $0x2  }
0x30c: {  	s28 =	sshra.s32 s15, $0x2;
	s15 =	smov.u32 s17  }
0x30d: {  	[tilespmem:s28+$0xF000] =	vst v1  }
0x30e: {  	v1 =	vld.idx.msk [tilespmem:v3+s24+$0x0], $0xffff;
	_ =	sdelay $0x1  }
0x30f: {  	v3 =	vor.u32 $0x2, v2;
	_ =	sdelay $0x3  }
0x310: {  	[tilespmem:s28+$0xF200] =	vst v1  }
0x311: {  	v1 =	vld.idx.msk [tilespmem:v3+s24+$0x0], $0xffff;
	_ =	sdelay $0x1  }
0x312: {  	v3 =	vor.u32 $0x3, v2;
	_ =	sdelay $0x3  }
0x313: {  	[tilespmem:s28+$0xF400] =	vst v1  }
0x314: {  	v1 =	vld.idx.msk [tilespmem:v3+s24+$0x0], $0xffff;
	_ =	sdelay $0x1  }
0x315: {  	v3 =	vor.u32 $0x4, v2;
	_ =	sdelay $0x3  }
0x316: {  	[tilespmem:s28+$0xF600] =	vst v1  }
0x317: {  	v1 =	vld.idx.msk [tilespmem:v3+s24+$0x0], $0xffff;
	_ =	sdelay $0x1  }
0x318: {  	v3 =	vor.u32 $0x5, v2;
	_ =	sdelay $0x3  }
0x319: {  	[tilespmem:s28+$0xF800] =	vst v1  }
0x31a: {  	v1 =	vld.idx.msk [tilespmem:v3+s24+$0x0], $0xffff;
	_ =	sdelay $0x1  }
0x31b: {  	v3 =	vor.u32 $0x6, v2;
	_ =	sdelay $0x3  }
0x31c: {  	[tilespmem:s28+$0xFA00] =	vst v1  }
0x31d: {  	v1 =	vld.idx.msk [tilespmem:v3+s24+$0x0], $0xffff;
	_ =	sdelay $0x1  }
0x31e: {  	v3 =	vor.u32 $0x7, v2;
	_ =	sdelay $0x3  }
0x31f: {  	[tilespmem:s28+$0xFC00] =	vst v1  }
0x320: {  	v1 =	vld.idx.msk [tilespmem:v3+s24+$0x0], $0xffff;
	_ =	sdelay $0x1  }
0x321: {  	v3 =	vor.u32 $0x8, v2;
	_ =	sdelay $0x3  }
0x322: {  	[tilespmem:s28+$0xFE00] =	vst v1  }
0x323: {  	v1 =	vld.idx.msk [tilespmem:v3+s24+$0x0], $0xffff;
	_ =	sdelay $0x1  }
0x324: {  	v2 =	vor.u32 $0x9, v2;
	_ =	sdelay $0x3  }
0x325: {  	[tilespmem:s28+$0x10000] =	vst v1  }
0x326: {  	v1 =	vld.idx.msk [tilespmem:v2+s24+$0x0], $0xffff;
	v2 =	vmov s13  }
0x327: {  	v2 =	vshll.u32 v2, $0x4  }
0x328: {  	v2 =	vor.u32 v0, v2;
	_ =	sdelay $0x3  }
0x329: {  	[tilespmem:s28+$0x10200] =	vst v1  }
0x32a: {  	v1 =	vld.idx.msk [tilespmem:v2+s24+$0x0], $0xffff;
	_ =	sdelay $0x1  }
0x32b: {  	v3 =	vor.u32 $0x1, v2;
	_ =	sdelay $0x3  }
0x32c: {  	[tilespmem:s28+$0xF010] =	vst v1  }
0x32d: {  	v1 =	vld.idx.msk [tilespmem:v3+s24+$0x0], $0xffff;
	_ =	sdelay $0x1  }
0x32e: {  	v3 =	vor.u32 $0x2, v2;
	_ =	sdelay $0x3  }
0x32f: {  	[tilespmem:s28+$0xF210] =	vst v1  }
0x330: {  	v1 =	vld.idx.msk [tilespmem:v3+s24+$0x0], $0xffff;
	_ =	sdelay $0x1  }
0x331: {  	v3 =	vor.u32 $0x3, v2;
	_ =	sdelay $0x3  }
0x332: {  	[tilespmem:s28+$0xF410] =	vst v1  }
0x333: {  	v1 =	vld.idx.msk [tilespmem:v3+s24+$0x0], $0xffff;
	_ =	sdelay $0x1  }
0x334: {  	v3 =	vor.u32 $0x4, v2;
	_ =	sdelay $0x3  }
0x335: {  	[tilespmem:s28+$0xF610] =	vst v1  }
0x336: {  	v1 =	vld.idx.msk [tilespmem:v3+s24+$0x0], $0xffff;
	_ =	sdelay $0x1  }
0x337: {  	v3 =	vor.u32 $0x5, v2;
	_ =	sdelay $0x3  }
0x338: {  	[tilespmem:s28+$0xF810] =	vst v1  }
0x339: {  	v1 =	vld.idx.msk [tilespmem:v3+s24+$0x0], $0xffff;
	_ =	sdelay $0x1  }
0x33a: {  	v3 =	vor.u32 $0x6, v2;
	_ =	sdelay $0x3  }
0x33b: {  	[tilespmem:s28+$0xFA10] =	vst v1  }
0x33c: {  	v1 =	vld.idx.msk [tilespmem:v3+s24+$0x0], $0xffff;
	_ =	sdelay $0x1  }
0x33d: {  	v3 =	vor.u32 $0x7, v2;
	_ =	sdelay $0x3  }
0x33e: {  	[tilespmem:s28+$0xFC10] =	vst v1  }
0x33f: {  	v1 =	vld.idx.msk [tilespmem:v3+s24+$0x0], $0xffff;
	_ =	sdelay $0x1  }
0x340: {  	v3 =	vor.u32 $0x8, v2;
	_ =	sdelay $0x3  }
0x341: {  	[tilespmem:s28+$0xFE10] =	vst v1  }
0x342: {  	v3 =	vld.idx.msk [tilespmem:v3+s24+$0x0], $0xffff;
	_ =	sdelay $0x1  }
.Ltmp12:
0x343: {  	v1 =	vor.u32 $0x9, v2;
	(pc) =	sbr.rel @p3 .LBB2_21-.Ltmp12, $3  }
0x344: {  	_ =	sdelay $0x1  }
0x345: {  	s13 =	sadd.s32 $0x20, s13  }
0x346: {  	s17 =	sadd.s32 $0x80, s17;
	s19 =	sadd.s32 $0xFFFFFFF0, s13;
	[tilespmem:s28+$0x10010] =	vst v3  }
0x347: {  	_ =	sdelay $0x2  }
0x348: {  	v2 =	vmov s19  }
0x349: {  	v1 =	vld.idx.msk [tilespmem:v1+s24+$0x0], $0xffff;
	v2 =	vshll.u32 v2, $0x4  }
0x34a: {  	v2 =	vor.u32 v0, v2;
	_ =	sdelay $0x3  }
0x34b: {  	[tilespmem:s28+$0x10210] =	vst v1  }
0x34c: {  	v1 =	vld.idx.msk [tilespmem:v2+s24+$0x0], $0xffff  }
0x34d: {  	v3 =	vor.u32 $0x1, v2;
	_ =	sdelay $0x2  }
0x34e: {  	s15 =	sshra.s32 s15, $0x2  }
0x34f: {  	[tilespmem:s15+$0xF000] =	vst v1  }
0x350: {  	v1 =	vld.idx.msk [tilespmem:v3+s24+$0x0], $0xffff  }
0x351: {  	v3 =	vor.u32 $0x2, v2;
	_ =	sdelay $0x3  }
0x352: {  	[tilespmem:s15+$0xF200] =	vst v1  }
0x353: {  	v1 =	vld.idx.msk [tilespmem:v3+s24+$0x0], $0xffff  }
0x354: {  	v3 =	vor.u32 $0x3, v2;
	_ =	sdelay $0x3  }
0x355: {  	[tilespmem:s15+$0xF400] =	vst v1  }
0x356: {  	v1 =	vld.idx.msk [tilespmem:v3+s24+$0x0], $0xffff  }
0x357: {  	v3 =	vor.u32 $0x4, v2;
	_ =	sdelay $0x3  }
0x358: {  	[tilespmem:s15+$0xF600] =	vst v1  }
0x359: {  	v1 =	vld.idx.msk [tilespmem:v3+s24+$0x0], $0xffff  }
0x35a: {  	v3 =	vor.u32 $0x5, v2;
	_ =	sdelay $0x3  }
0x35b: {  	[tilespmem:s15+$0xF800] =	vst v1  }
0x35c: {  	v1 =	vld.idx.msk [tilespmem:v3+s24+$0x0], $0xffff  }
0x35d: {  	v3 =	vor.u32 $0x6, v2;
	_ =	sdelay $0x3  }
0x35e: {  	[tilespmem:s15+$0xFA00] =	vst v1  }
0x35f: {  	v1 =	vld.idx.msk [tilespmem:v3+s24+$0x0], $0xffff  }
0x360: {  	v3 =	vor.u32 $0x7, v2;
	_ =	sdelay $0x3  }
0x361: {  	[tilespmem:s15+$0xFC00] =	vst v1  }
0x362: {  	v1 =	vld.idx.msk [tilespmem:v3+s24+$0x0], $0xffff  }
0x363: {  	v3 =	vor.u32 $0x8, v2;
	_ =	sdelay $0x3  }
0x364: {  	[tilespmem:s15+$0xFE00] =	vst v1  }
0x365: {  	v1 =	vld.idx.msk [tilespmem:v3+s24+$0x0], $0xffff  }
0x366: {  	v2 =	vor.u32 $0x9, v2;
	_ =	sdelay $0x3  }
0x367: {  	[tilespmem:s15+$0x10000] =	vst v1;
	v1 =	vmov s13  }
0x368: {  	v2 =	vld.idx.msk [tilespmem:v2+s24+$0x0], $0xffff;
	v1 =	vshll.u32 v1, $0x4  }
0x369: {  	v1 =	vor.u32 v0, v1;
	_ =	sdelay $0x3  }
0x36a: {  	[tilespmem:s15+$0x10200] =	vst v2  }
0x36b: {  	v2 =	vld.idx.msk [tilespmem:v1+s24+$0x0], $0xffff  }
0x36c: {  	v3 =	vor.u32 $0x1, v1;
	_ =	sdelay $0x3  }
0x36d: {  	[tilespmem:s15+$0xF010] =	vst v2  }
0x36e: {  	v2 =	vld.idx.msk [tilespmem:v3+s24+$0x0], $0xffff  }
0x36f: {  	v3 =	vor.u32 $0x2, v1;
	_ =	sdelay $0x3  }
0x370: {  	[tilespmem:s15+$0xF210] =	vst v2  }
0x371: {  	v2 =	vld.idx.msk [tilespmem:v3+s24+$0x0], $0xffff  }
0x372: {  	v3 =	vor.u32 $0x3, v1;
	_ =	sdelay $0x3  }
0x373: {  	[tilespmem:s15+$0xF410] =	vst v2  }
0x374: {  	v2 =	vld.idx.msk [tilespmem:v3+s24+$0x0], $0xffff  }
0x375: {  	v3 =	vor.u32 $0x4, v1;
	_ =	sdelay $0x3  }
0x376: {  	[tilespmem:s15+$0xF610] =	vst v2  }
0x377: {  	v2 =	vld.idx.msk [tilespmem:v3+s24+$0x0], $0xffff  }
0x378: {  	v3 =	vor.u32 $0x5, v1;
	_ =	sdelay $0x3  }
0x379: {  	[tilespmem:s15+$0xF810] =	vst v2  }
0x37a: {  	v2 =	vld.idx.msk [tilespmem:v3+s24+$0x0], $0xffff  }
0x37b: {  	v3 =	vor.u32 $0x6, v1;
	_ =	sdelay $0x3  }
0x37c: {  	[tilespmem:s15+$0xFA10] =	vst v2  }
0x37d: {  	v2 =	vld.idx.msk [tilespmem:v3+s24+$0x0], $0xffff  }
0x37e: {  	v3 =	vor.u32 $0x7, v1;
	_ =	sdelay $0x3  }
0x37f: {  	[tilespmem:s15+$0xFC10] =	vst v2  }
0x380: {  	v2 =	vld.idx.msk [tilespmem:v3+s24+$0x0], $0xffff  }
0x381: {  	v3 =	vor.u32 $0x8, v1;
	_ =	sdelay $0x3  }
0x382: {  	[tilespmem:s15+$0xFE10] =	vst v2  }
0x383: {  	v2 =	vld.idx.msk [tilespmem:v3+s24+$0x0], $0xffff  }
0x384: {  	v1 =	vor.u32 $0x9, v1;
	_ =	sdelay $0x3  }
0x385: {  	[tilespmem:s15+$0x10010] =	vst v2  }
0x386: {  	v1 =	vld.idx.msk [tilespmem:v1+s24+$0x0], $0xffff;
	_ =	sdelay $0x1  }
.Ltmp13:
0x387: {  	_ = 	snop;
	(pc) =	sbr.rel @p2 .LBB2_24-.Ltmp13, $4  }
0x388: {  	s19 =	sadd.s32 s18, s11  }
0x389: {  	s13 =	sshrl.u32 s19, $0x3  }
0x38a: {  	s28 =	simm.s32 $0xF000;
	s13 =	sadd.s32 s7, s13;
	[tilespmem:s15+$0x10210] =	vst v1  }
0x38b: {  	[hbm4b:s13+s23] =	stream.strided.scatter [tilespmem:s28], [sflag:$0xE], $0x1400, s25, s23, $0x38;
	[tilespmem:$0x11800] =	vst v63  }
.Ltmp14:
0x38c: {  	(pc) =	sbr.rel .LBB2_25-.Ltmp14, $4  }
0x38d: {  	_ = 	snop  }
0x38e: {  	_ =	swait.ge [sflag:s26], $0x2000  }
0x38f: {  	[sflag:s26] =	ssyncset.done $0x0  }
0x390: {  	[sflag:s26] =	ssyncadd.s32 $0xFFFFE000  }
.LBB2_24:
0x391: {  	s17 =	simm.s32 $0x9  }
0x392: {  	_ =	swait.ge [sflag:s17], $0x200  }
0x393: {  	s13 =	sshll.u32 s22, $0x9;
	s22 =	simm.s32 $0x7400;
	[sflag:s17] =	ssyncset.done $0x0  }
0x394: {  	s15 =	sor.u32 $0xC00, s13;
	s28 =	rddreg [dreg:$0xb];
	[sflag:s17] =	ssyncadd.s32 $0xFFFFFE00  }
0x395: {  	[tilespmem:s22], [sflag:$0x4] =	stream.indirect.gather [hbm4b:s3+s23], $0x10, s15, s23, $0xb8;
	[tilespmem:$0x11800] =	vst v63  }
0x396: {  	s15 =	sadd.s32 s28, s11  }
0x397: {  	s15 =	sshrl.u32 s15, $0x3  }
.Ltmp15:
0x398: {  	s13 =	sor.u32 $0x1000, s13;
	s15 =	sadd.s32 s2, s15;
	(pc) =	sbr.rel @p1 .LBB2_26-.Ltmp15, $4  }
0x399: {  	[tilespmem:s13], [sflag:$0xA] =	stream.linear.gather [hbm4b:s15+s4], $0x200, $0x38;
	[tilespmem:$0x11800] =	vst v63  }
0x39a: {  	_ =	swait.ge [sflag:s26], $0x2000  }
0x39b: {  	[sflag:s26] =	ssyncset.done $0x0  }
0x39c: {  	[sflag:s26] =	ssyncadd.s32 $0xFFFFE000  }
.LBB2_25:
0x39d: {  	_ =	swait.ge [sflag:s29], $0x1400  }
0x39e: {  	[sflag:s29] =	ssyncset.done $0x0  }
0x39f: {  	[sflag:s29] =	ssyncadd.s32 $0xFFFFEC00  }
.LBB2_26:
0x3a0: {  	s13 =	simm.s32 $0x800  }
0x3a1: {  	v1 =	vmov s13  }
0x3a2: {  	v1 =	vshll.u32 v1, $0x4  }
0x3a3: {  	v1 =	vor.u32 v0, v1;
	_ =	sdelay $0x4  }
0x3a4: {  	v2 =	vld.idx.msk [tilespmem:v1+s24+$0x0], $0xffff  }
0x3a5: {  	v3 =	vor.u32 $0x1, v1;
	_ =	sdelay $0x2  }
0x3a6: {  	s22 =	simm.s32 $0x0  }
0x3a7: {  	[tilespmem:s22+$0x10400] =	vst v2  }
0x3a8: {  	v2 =	vld.idx.msk [tilespmem:v3+s24+$0x0], $0xffff  }
0x3a9: {  	v3 =	vor.u32 $0x2, v1;
	_ =	sdelay $0x3  }
0x3aa: {  	[tilespmem:s22+$0x10600] =	vst v2  }
0x3ab: {  	v2 =	vld.idx.msk [tilespmem:v3+s24+$0x0], $0xffff  }
0x3ac: {  	v3 =	vor.u32 $0x3, v1;
	_ =	sdelay $0x3  }
0x3ad: {  	[tilespmem:s22+$0x10800] =	vst v2  }
0x3ae: {  	v2 =	vld.idx.msk [tilespmem:v3+s24+$0x0], $0xffff  }
0x3af: {  	v3 =	vor.u32 $0x4, v1;
	_ =	sdelay $0x3  }
0x3b0: {  	[tilespmem:s22+$0x10A00] =	vst v2  }
0x3b1: {  	v2 =	vld.idx.msk [tilespmem:v3+s24+$0x0], $0xffff  }
0x3b2: {  	v3 =	vor.u32 $0x5, v1;
	_ =	sdelay $0x3  }
0x3b3: {  	[tilespmem:s22+$0x10C00] =	vst v2  }
0x3b4: {  	v2 =	vld.idx.msk [tilespmem:v3+s24+$0x0], $0xffff  }
0x3b5: {  	v3 =	vor.u32 $0x6, v1;
	_ =	sdelay $0x3  }
0x3b6: {  	[tilespmem:s22+$0x10E00] =	vst v2  }
0x3b7: {  	v2 =	vld.idx.msk [tilespmem:v3+s24+$0x0], $0xffff  }
0x3b8: {  	v3 =	vor.u32 $0x7, v1;
	_ =	sdelay $0x3  }
0x3b9: {  	[tilespmem:s22+$0x11000] =	vst v2  }
0x3ba: {  	v2 =	vld.idx.msk [tilespmem:v3+s24+$0x0], $0xffff  }
0x3bb: {  	v3 =	vor.u32 $0x8, v1;
	_ =	sdelay $0x3  }
0x3bc: {  	[tilespmem:s22+$0x11200] =	vst v2  }
0x3bd: {  	v2 =	vld.idx.msk [tilespmem:v3+s24+$0x0], $0xffff  }
0x3be: {  	v1 =	vor.u32 $0x9, v1;
	_ =	sdelay $0x2  }
0x3bf: {  	s28 =	simm.s32 $0x810  }
0x3c0: {  	[tilespmem:s22+$0x11400] =	vst v2;
	v2 =	vmov s28  }
0x3c1: {  	v1 =	vld.idx.msk [tilespmem:v1+s24+$0x0], $0xffff;
	v2 =	vshll.u32 v2, $0x4  }
0x3c2: {  	v2 =	vor.u32 v0, v2;
	_ =	sdelay $0x3  }
0x3c3: {  	[tilespmem:s22+$0x11600] =	vst v1  }
0x3c4: {  	v1 =	vld.idx.msk [tilespmem:v2+s24+$0x0], $0xffff  }
0x3c5: {  	v3 =	vor.u32 $0x1, v2;
	_ =	sdelay $0x3  }
0x3c6: {  	[tilespmem:s22+$0x10410] =	vst v1  }
0x3c7: {  	v1 =	vld.idx.msk [tilespmem:v3+s24+$0x0], $0xffff  }
0x3c8: {  	v3 =	vor.u32 $0x2, v2;
	_ =	sdelay $0x3  }
0x3c9: {  	[tilespmem:s22+$0x10610] =	vst v1  }
0x3ca: {  	v1 =	vld.idx.msk [tilespmem:v3+s24+$0x0], $0xffff  }
0x3cb: {  	v3 =	vor.u32 $0x3, v2;
	_ =	sdelay $0x3  }
0x3cc: {  	[tilespmem:s22+$0x10810] =	vst v1  }
0x3cd: {  	v1 =	vld.idx.msk [tilespmem:v3+s24+$0x0], $0xffff  }
0x3ce: {  	v3 =	vor.u32 $0x4, v2;
	_ =	sdelay $0x3  }
0x3cf: {  	[tilespmem:s22+$0x10A10] =	vst v1  }
0x3d0: {  	v1 =	vld.idx.msk [tilespmem:v3+s24+$0x0], $0xffff  }
0x3d1: {  	v3 =	vor.u32 $0x5, v2;
	_ =	sdelay $0x3  }
0x3d2: {  	[tilespmem:s22+$0x10C10] =	vst v1  }
0x3d3: {  	v1 =	vld.idx.msk [tilespmem:v3+s24+$0x0], $0xffff  }
0x3d4: {  	v3 =	vor.u32 $0x6, v2;
	_ =	sdelay $0x3  }
0x3d5: {  	[tilespmem:s22+$0x10E10] =	vst v1  }
0x3d6: {  	v1 =	vld.idx.msk [tilespmem:v3+s24+$0x0], $0xffff  }
0x3d7: {  	v3 =	vor.u32 $0x7, v2;
	_ =	sdelay $0x3  }
0x3d8: {  	[tilespmem:s22+$0x11010] =	vst v1  }
0x3d9: {  	v1 =	vld.idx.msk [tilespmem:v3+s24+$0x0], $0xffff  }
0x3da: {  	v3 =	vor.u32 $0x8, v2;
	_ =	sdelay $0x3  }
0x3db: {  	[tilespmem:s22+$0x11210] =	vst v1  }
0x3dc: {  	v3 =	vld.idx.msk [tilespmem:v3+s24+$0x0], $0xffff  }
0x3dd: {  	v1 =	vor.u32 $0x9, v2;
	_ =	sdelay $0x2  }
0x3de: {  	s15 =	simm.s32 $0x80  }
0x3df: {  	s19 =	simm.s32 $0x820;
	s17 =	simm.s32 $0x100;
	s13 =	simm.s32 $0x830;
	[tilespmem:s22+$0x11410] =	vst v3  }
.LBB2_27:
0x3e0: {  	p1 =	sne.s32 s17, $0x780;
	v2 =	vmov s19;
	v1 =	vld.idx.msk [tilespmem:v1+s24+$0x0], $0xffff  }
0x3e1: {  	v2 =	vshll.u32 v2, $0x4  }
0x3e2: {  	v2 =	vor.u32 v0, v2;
	_ =	sdelay $0x3  }
0x3e3: {  	[tilespmem:s22+$0x11610] =	vst v1  }
0x3e4: {  	v1 =	vld.idx.msk [tilespmem:v2+s24+$0x0], $0xffff;
	_ =	sdelay $0x1  }
0x3e5: {  	v3 =	vor.u32 $0x1, v2;
	_ =	sdelay $0x2  }
0x3e6: {  	s22 =	sshra.s32 s15, $0x2;
	s15 =	smov.u32 s17  }
0x3e7: {  	[tilespmem:s22+$0x10400] =	vst v1  }
0x3e8: {  	v1 =	vld.idx.msk [tilespmem:v3+s24+$0x0], $0xffff;
	_ =	sdelay $0x1  }
0x3e9: {  	v3 =	vor.u32 $0x2, v2;
	_ =	sdelay $0x3  }
0x3ea: {  	[tilespmem:s22+$0x10600] =	vst v1  }
0x3eb: {  	v1 =	vld.idx.msk [tilespmem:v3+s24+$0x0], $0xffff;
	_ =	sdelay $0x1  }
0x3ec: {  	v3 =	vor.u32 $0x3, v2;
	_ =	sdelay $0x3  }
0x3ed: {  	[tilespmem:s22+$0x10800] =	vst v1  }
0x3ee: {  	v1 =	vld.idx.msk [tilespmem:v3+s24+$0x0], $0xffff;
	_ =	sdelay $0x1  }
0x3ef: {  	v3 =	vor.u32 $0x4, v2;
	_ =	sdelay $0x3  }
0x3f0: {  	[tilespmem:s22+$0x10A00] =	vst v1  }
0x3f1: {  	v1 =	vld.idx.msk [tilespmem:v3+s24+$0x0], $0xffff;
	_ =	sdelay $0x1  }
0x3f2: {  	v3 =	vor.u32 $0x5, v2;
	_ =	sdelay $0x3  }
0x3f3: {  	[tilespmem:s22+$0x10C00] =	vst v1  }
0x3f4: {  	v1 =	vld.idx.msk [tilespmem:v3+s24+$0x0], $0xffff;
	_ =	sdelay $0x1  }
0x3f5: {  	v3 =	vor.u32 $0x6, v2;
	_ =	sdelay $0x3  }
0x3f6: {  	[tilespmem:s22+$0x10E00] =	vst v1  }
0x3f7: {  	v1 =	vld.idx.msk [tilespmem:v3+s24+$0x0], $0xffff;
	_ =	sdelay $0x1  }
0x3f8: {  	v3 =	vor.u32 $0x7, v2;
	_ =	sdelay $0x3  }
0x3f9: {  	[tilespmem:s22+$0x11000] =	vst v1  }
0x3fa: {  	v1 =	vld.idx.msk [tilespmem:v3+s24+$0x0], $0xffff;
	_ =	sdelay $0x1  }
0x3fb: {  	v3 =	vor.u32 $0x8, v2;
	_ =	sdelay $0x3  }
0x3fc: {  	[tilespmem:s22+$0x11200] =	vst v1  }
0x3fd: {  	v1 =	vld.idx.msk [tilespmem:v3+s24+$0x0], $0xffff;
	_ =	sdelay $0x1  }
0x3fe: {  	v2 =	vor.u32 $0x9, v2;
	_ =	sdelay $0x3  }
0x3ff: {  	[tilespmem:s22+$0x11400] =	vst v1  }
0x400: {  	v1 =	vld.idx.msk [tilespmem:v2+s24+$0x0], $0xffff;
	v2 =	vmov s13  }
0x401: {  	v2 =	vshll.u32 v2, $0x4  }
0x402: {  	v2 =	vor.u32 v0, v2;
	_ =	sdelay $0x3  }
0x403: {  	[tilespmem:s22+$0x11600] =	vst v1  }
0x404: {  	v1 =	vld.idx.msk [tilespmem:v2+s24+$0x0], $0xffff;
	_ =	sdelay $0x1  }
0x405: {  	v3 =	vor.u32 $0x1, v2;
	_ =	sdelay $0x3  }
0x406: {  	[tilespmem:s22+$0x10410] =	vst v1  }
0x407: {  	v1 =	vld.idx.msk [tilespmem:v3+s24+$0x0], $0xffff;
	_ =	sdelay $0x1  }
0x408: {  	v3 =	vor.u32 $0x2, v2;
	_ =	sdelay $0x3  }
0x409: {  	[tilespmem:s22+$0x10610] =	vst v1  }
0x40a: {  	v1 =	vld.idx.msk [tilespmem:v3+s24+$0x0], $0xffff;
	_ =	sdelay $0x1  }
0x40b: {  	v3 =	vor.u32 $0x3, v2;
	_ =	sdelay $0x3  }
0x40c: {  	[tilespmem:s22+$0x10810] =	vst v1  }
0x40d: {  	v1 =	vld.idx.msk [tilespmem:v3+s24+$0x0], $0xffff;
	_ =	sdelay $0x1  }
0x40e: {  	v3 =	vor.u32 $0x4, v2;
	_ =	sdelay $0x3  }
0x40f: {  	[tilespmem:s22+$0x10A10] =	vst v1  }
0x410: {  	v1 =	vld.idx.msk [tilespmem:v3+s24+$0x0], $0xffff;
	_ =	sdelay $0x1  }
0x411: {  	v3 =	vor.u32 $0x5, v2;
	_ =	sdelay $0x3  }
0x412: {  	[tilespmem:s22+$0x10C10] =	vst v1  }
0x413: {  	v1 =	vld.idx.msk [tilespmem:v3+s24+$0x0], $0xffff;
	_ =	sdelay $0x1  }
0x414: {  	v3 =	vor.u32 $0x6, v2;
	_ =	sdelay $0x3  }
0x415: {  	[tilespmem:s22+$0x10E10] =	vst v1  }
0x416: {  	v1 =	vld.idx.msk [tilespmem:v3+s24+$0x0], $0xffff;
	_ =	sdelay $0x1  }
0x417: {  	v3 =	vor.u32 $0x7, v2;
	_ =	sdelay $0x3  }
0x418: {  	[tilespmem:s22+$0x11010] =	vst v1  }
0x419: {  	v1 =	vld.idx.msk [tilespmem:v3+s24+$0x0], $0xffff;
	_ =	sdelay $0x1  }
0x41a: {  	v3 =	vor.u32 $0x8, v2;
	_ =	sdelay $0x3  }
0x41b: {  	[tilespmem:s22+$0x11210] =	vst v1  }
0x41c: {  	v3 =	vld.idx.msk [tilespmem:v3+s24+$0x0], $0xffff;
	_ =	sdelay $0x1  }
.Ltmp16:
0x41d: {  	v1 =	vor.u32 $0x9, v2;
	(pc) =	sbr.rel @p1 .LBB2_27-.Ltmp16, $3  }
0x41e: {  	_ =	sdelay $0x1  }
0x41f: {  	s13 =	sadd.s32 $0x20, s13  }
0x420: {  	s17 =	sadd.s32 $0x80, s17;
	s19 =	sadd.s32 $0xFFFFFFF0, s13;
	[tilespmem:s22+$0x11410] =	vst v3  }
0x421: {  	_ =	sdelay $0x2  }
0x422: {  	v2 =	vmov s19  }
0x423: {  	v1 =	vld.idx.msk [tilespmem:v1+s24+$0x0], $0xffff;
	v2 =	vshll.u32 v2, $0x4  }
0x424: {  	v2 =	vor.u32 v0, v2;
	_ =	sdelay $0x3  }
0x425: {  	[tilespmem:s22+$0x11610] =	vst v1  }
0x426: {  	v1 =	vld.idx.msk [tilespmem:v2+s24+$0x0], $0xffff  }
0x427: {  	v3 =	vor.u32 $0x1, v2;
	_ =	sdelay $0x2  }
0x428: {  	s15 =	sshra.s32 s15, $0x2  }
0x429: {  	[tilespmem:s15+$0x10400] =	vst v1  }
0x42a: {  	v1 =	vld.idx.msk [tilespmem:v3+s24+$0x0], $0xffff  }
0x42b: {  	v3 =	vor.u32 $0x2, v2;
	_ =	sdelay $0x3  }
0x42c: {  	[tilespmem:s15+$0x10600] =	vst v1  }
0x42d: {  	v1 =	vld.idx.msk [tilespmem:v3+s24+$0x0], $0xffff  }
0x42e: {  	v3 =	vor.u32 $0x3, v2;
	_ =	sdelay $0x3  }
0x42f: {  	[tilespmem:s15+$0x10800] =	vst v1  }
0x430: {  	v1 =	vld.idx.msk [tilespmem:v3+s24+$0x0], $0xffff  }
0x431: {  	v3 =	vor.u32 $0x4, v2;
	_ =	sdelay $0x3  }
0x432: {  	[tilespmem:s15+$0x10A00] =	vst v1  }
0x433: {  	v1 =	vld.idx.msk [tilespmem:v3+s24+$0x0], $0xffff  }
0x434: {  	v3 =	vor.u32 $0x5, v2;
	_ =	sdelay $0x3  }
0x435: {  	[tilespmem:s15+$0x10C00] =	vst v1  }
0x436: {  	v1 =	vld.idx.msk [tilespmem:v3+s24+$0x0], $0xffff  }
0x437: {  	v3 =	vor.u32 $0x6, v2;
	_ =	sdelay $0x3  }
0x438: {  	[tilespmem:s15+$0x10E00] =	vst v1  }
0x439: {  	v1 =	vld.idx.msk [tilespmem:v3+s24+$0x0], $0xffff  }
0x43a: {  	v3 =	vor.u32 $0x7, v2;
	_ =	sdelay $0x3  }
0x43b: {  	[tilespmem:s15+$0x11000] =	vst v1  }
0x43c: {  	v1 =	vld.idx.msk [tilespmem:v3+s24+$0x0], $0xffff  }
0x43d: {  	v3 =	vor.u32 $0x8, v2;
	_ =	sdelay $0x3  }
0x43e: {  	[tilespmem:s15+$0x11200] =	vst v1  }
0x43f: {  	v1 =	vld.idx.msk [tilespmem:v3+s24+$0x0], $0xffff  }
0x440: {  	v2 =	vor.u32 $0x9, v2;
	_ =	sdelay $0x3  }
0x441: {  	[tilespmem:s15+$0x11400] =	vst v1;
	v1 =	vmov s13  }
0x442: {  	v2 =	vld.idx.msk [tilespmem:v2+s24+$0x0], $0xffff;
	v1 =	vshll.u32 v1, $0x4  }
0x443: {  	v1 =	vor.u32 v0, v1;
	_ =	sdelay $0x3  }
0x444: {  	[tilespmem:s15+$0x11600] =	vst v2  }
0x445: {  	v2 =	vld.idx.msk [tilespmem:v1+s24+$0x0], $0xffff  }
0x446: {  	v3 =	vor.u32 $0x1, v1;
	_ =	sdelay $0x3  }
0x447: {  	[tilespmem:s15+$0x10410] =	vst v2  }
0x448: {  	v2 =	vld.idx.msk [tilespmem:v3+s24+$0x0], $0xffff  }
0x449: {  	v3 =	vor.u32 $0x2, v1;
	_ =	sdelay $0x3  }
0x44a: {  	[tilespmem:s15+$0x10610] =	vst v2  }
0x44b: {  	v2 =	vld.idx.msk [tilespmem:v3+s24+$0x0], $0xffff  }
0x44c: {  	v3 =	vor.u32 $0x3, v1;
	_ =	sdelay $0x3  }
0x44d: {  	[tilespmem:s15+$0x10810] =	vst v2  }
0x44e: {  	v2 =	vld.idx.msk [tilespmem:v3+s24+$0x0], $0xffff  }
0x44f: {  	v3 =	vor.u32 $0x4, v1;
	_ =	sdelay $0x3  }
0x450: {  	[tilespmem:s15+$0x10A10] =	vst v2  }
0x451: {  	v2 =	vld.idx.msk [tilespmem:v3+s24+$0x0], $0xffff  }
0x452: {  	v3 =	vor.u32 $0x5, v1;
	_ =	sdelay $0x3  }
0x453: {  	[tilespmem:s15+$0x10C10] =	vst v2  }
0x454: {  	v2 =	vld.idx.msk [tilespmem:v3+s24+$0x0], $0xffff  }
0x455: {  	v3 =	vor.u32 $0x6, v1;
	_ =	sdelay $0x3  }
0x456: {  	[tilespmem:s15+$0x10E10] =	vst v2  }
0x457: {  	v2 =	vld.idx.msk [tilespmem:v3+s24+$0x0], $0xffff  }
0x458: {  	v3 =	vor.u32 $0x7, v1;
	_ =	sdelay $0x3  }
0x459: {  	[tilespmem:s15+$0x11010] =	vst v2  }
0x45a: {  	v2 =	vld.idx.msk [tilespmem:v3+s24+$0x0], $0xffff  }
0x45b: {  	v3 =	vor.u32 $0x8, v1;
	_ =	sdelay $0x3  }
0x45c: {  	[tilespmem:s15+$0x11210] =	vst v2  }
0x45d: {  	v2 =	vld.idx.msk [tilespmem:v3+s24+$0x0], $0xffff  }
0x45e: {  	v1 =	vor.u32 $0x9, v1;
	_ =	sdelay $0x3  }
0x45f: {  	[tilespmem:s15+$0x11410] =	vst v2  }
0x460: {  	v1 =	vld.idx.msk [tilespmem:v1+s24+$0x0], $0xffff;
	_ =	sdelay $0x2  }
0x461: {  	s11 =	sadd.s32 s20, s11  }
0x462: {  	s11 =	sshrl.u32 s11, $0x3  }
0x463: {  	s11 =	sadd.s32 s7, s11;
	s22 =	simm.s32 $0x10400;
	[tilespmem:s15+$0x11610] =	vst v1  }
0x464: {  	[hbm4b:s11+s23] =	stream.strided.scatter [tilespmem:s22], [sflag:$0xF], $0x1400, s25, s23, $0x38;
	[tilespmem:$0x11800] =	vst v63  }
0x465: {  	s11 =	simm.s32 @!p0 $0xA  }
0x466: {  	_ =	swait.ge @!p0 [sflag:s11], $0x200  }
0x467: {  	s8 =	sor.u32 @!p0 $0x1000, s8;
	p1 =	sne.s32 @!p0 s31, $0xA;
	[sflag:s11] =	ssyncset.done @!p0 $0x0  }
0x468: {  	s13 =	simm.s32 @!p0 $0x9400;
	[sflag:s11] =	ssyncadd.s32 @!p0 $0xFFFFFE00;
	s11 =	simm.s32 @!p0 $0x200  }
0x469: {  	[tilespmem:s13], [sflag:$0x5] =	stream.indirect.gather @!p0 [hbm4b:s3+s11], $0x10, s8, s11, $0xb8;
	[tilespmem:$0x11800] =	vst v63  }
0x46a: {  	p0 =	por p0, !p1  }
.Ltmp17:
0x46b: {  	_ = 	snop;
	(pc) =	sbr.rel @!p0 .LBB2_2-.Ltmp17, $2  }
0x46c: {  	_ =	sdelay $0x2  }
0x46d: {  	s28 =	smov.u32 s31  }
0x46e: {  	s8 =	simm.s32 $0xB  }
0x46f: {  	_ =	swait.ge [sflag:s8], $0x1400  }
0x470: {  	[sflag:s8] =	ssyncset.done $0x0  }
0x471: {  	[sflag:s8] =	ssyncadd.s32 $0xFFFFEC00  }
0x472: {  	_ =	swait.ge [sflag:s1], $0x1400  }
0x473: {  	[sflag:s1] =	ssyncset.done $0x0  }
0x474: {  	[sflag:s1] =	ssyncadd.s32 $0xFFFFEC00  }
0x475: {  	_ =	swait.ge [sflag:s10], $0x1400  }
0x476: {  	[sflag:s10] =	ssyncset.done $0x0  }
0x477: {  	[sflag:s10] =	ssyncadd.s32 $0xFFFFEC00  }
0x478: {  	_ =	swait.ge [sflag:s6], $0x1400  }
0x479: {  	[sflag:s6] =	ssyncset.done $0x0  }
0x47a: {  	[sflag:s6] =	ssyncadd.s32 $0xFFFFEC00  }
0x47b: {  	_ =	swait.ge [sflag:s29], $0x1400  }
0x47c: {  	s11 =	rddreg [dreg:$0xd]  }
0x47d: {  	s31 =	rddreg [dreg:$0xc];
	s11 =	sadd.s32 $0x1, s11  }
0x47e: {  	p0 =	sne.s32 s11, s31  }
.Ltmp18:
0x47f: {  	_ = 	snop;
	(pc) =	sbr.rel @p0 .LBB2_1-.Ltmp18, $3  }
0x480: {  	_ =	sdelay $0x1  }
0x481: {  	[sflag:s29] =	ssyncset.done $0x0  }
0x482: {  	[sflag:s29] =	ssyncadd.s32 $0xFFFFEC00  }
0x483: {  	_ =	sfence.sel $0x180000  }
0x484: {  	[bflag:$0x0] =	sbarrier.arrive $0xFFFF  }
0x485: {  	_ =	strace $0x90000047  }
0x486: {  	s0 =	stileid.u32;
	[bflag:$0x2] =	sbarrier.arrive $0xFFFF  }
0x487: {  	p0 =	sne.s32 s0, $0x0;
	s0 =	rddreg [dreg:$0x2]  }
0x488: {  	s0 =	sadd.s32 @!p0 $0x100000, s0  }
0x489: {  	[sflag:s0] =	ssyncadd.tile.s32 @!p0 $0x1;
	_ =	shalt  }
.Lfunc_end2:
_tile_overlayer_lowered:
.L_overlay_start_2:
0x48a: {  	(tag) =	ssettag $0x2  }
0x48b: {  	s0 =	rddreg [dreg:$0x0];
	s2 =	stileid.u32  }
0x48c: {  	s1 =	rddreg [dreg:$0x1];
	p0 =	sne.s32 s2, $0x0  }
0x48d: {  	s3 =	rddreg [dreg:$0x2];
	[bflag:$0x3] =	sbarrier.arrive $0xFFFF;
	s2 =	simm.s32 @!p0 $0x1C10  }
0x48e: {  	[timem:s3], [sflag:s2] =	dma.local @!p0 [hbm:s0], s1  }
0x48f: {  	s0 =	simm.s32 @!p0 $0x10  }
0x490: {  	_ =	swait.ge @!p0 [sflag:s0], s1  }
0x491: {  	s1 =	ssub.s32 @!p0 $0x0, s1;
	[sflag:s0] =	ssyncset.done @!p0 $0x0  }
0x492: {  	[sflag:s0] =	ssyncadd.s32 @!p0 s1  }
0x493: {  	[bflag:$0x3] =	sbarrier.arrive $0xFFFF  }
0x494: {  	_ =	shalt  }

</sc_bundles>
